<compile_context>
chip_gen: v7x
topology: tpu7x:2x2x1
jax: 0.10.2.dev20260603
libtpu: 0.0.44.dev20260713+nightly
codegen_flags: <defaults>
</compile_context>

<pallas_src>
import functools

import jax
import jax.numpy as jnp
from jax import lax
from jax.experimental import pallas as pl
from jax.experimental.pallas import tpu as pltpu
from jax.experimental.pallas import tpu_sc as plsc

_L = 16


def kernel(h, edge_index):
    n_nodes, d_feat = h.shape
    n_edges = edge_index.shape[1]
    nw2 = d_feat // 2
    nkb = d_feat // (2 * _L)
    info = plsc.get_sparse_core_info()
    nc, ns = info.num_cores, info.num_subcores
    nw = nc * ns
    assert n_edges % nw == 0
    epw = n_edges // nw
    C = 80
    assert epw % C == 0 and C % _L == 0
    nchunk = epw // C
    ngroup = C // _L
    npad = nchunk + (nchunk % 2)
    rpt = n_nodes // ns
    RP = 125
    assert rpt % RP == 0

    mesh = plsc.VectorSubcoreMesh(core_axis_name="c", subcore_axis_name="s")

    @functools.partial(
        pl.kernel,
        mesh=mesh,
        compiler_params=pltpu.CompilerParams(
            needs_layout_passes=False, use_tc_tiling_on_sc=False),
        out_type=jax.ShapeDtypeStruct((nw, epw), jnp.float32),
        scratch_types=[
            pltpu.VMEM((epw + C,), jnp.int32),
            pltpu.VMEM((epw + C,), jnp.int32),
            pltpu.VMEM((C, nw2), jnp.int32),
            pltpu.VMEM((C, nw2), jnp.int32),
            pltpu.VMEM((C, nw2), jnp.int32),
            pltpu.VMEM((C, nw2), jnp.int32),
            pltpu.VMEM((epw + C,), jnp.float32),
            pltpu.VMEM((C * _L,), jnp.float32),
            pltpu.VMEM((125, d_feat), jnp.float32),
            pltpu.VMEM((125, nw2), jnp.int32),
            pltpu.VMEM_SHARED((10000, 64), jnp.int32),
            pltpu.SemaphoreType.DMA,
            pltpu.SemaphoreType.DMA,
        ],
    )
    def k(h_hbm, e_hbm, out_hbm,
          sidx_all, didx_all, srows0, drows0, srows1, drows1, outv_all,
          pmat, pk_in, pk_out, shared_h, sem0, sem1):
        sid = lax.axis_index("s")
        wid = sid * nc + lax.axis_index("c")
        base0 = wid * epw
        colbase = lax.iota(jnp.int32, _L) * _L
        RP = 125

        for pc in range(rpt // RP):
            r0 = sid * rpt + pc * RP
            pltpu.sync_copy(h_hbm.at[pl.ds(r0, RP)], pk_in)

            @plsc.parallel_loop(0, RP, unroll=5)
            def row_body(r):
                for q in range(nkb):
                    a = pk_in[r, pl.ds(q * 2 * _L, _L)]
                    b = pk_in[r, pl.ds(q * 2 * _L + _L, _L)]
                    w = plsc.pack(a, b, format=plsc.PackFormat.INTERLEAVED)
                    pk_out[r, pl.ds(q * _L, _L)] = plsc.bitcast(w, jnp.int32)
            pltpu.sync_copy(pk_out, shared_h.at[pl.ds(r0, RP)])

        pltpu.sync_copy(e_hbm.at[0, pl.ds(base0, epw)],
                        sidx_all.at[pl.ds(0, epw)])
        pltpu.sync_copy(e_hbm.at[1, pl.ds(base0, epw)],
                        didx_all.at[pl.ds(0, epw)])
        if npad != nchunk:
            for g in range(ngroup):
                sidx_all[pl.ds((nchunk * C) + g * _L, _L)] = (
                    sidx_all[pl.ds(g * _L, _L)])
                didx_all[pl.ds((nchunk * C) + g * _L, _L)] = (
                    didx_all[pl.ds(g * _L, _L)])
        plsc.subcore_barrier()

        bufs = ((srows0, drows0, sem0), (srows1, drows1, sem1))

        def start(c, b):
            srows, drows, sem = bufs[b]
            pltpu.async_copy(
                shared_h.at[sidx_all.at[pl.ds(c * C, C)]], srows, sem)
            pltpu.async_copy(
                shared_h.at[didx_all.at[pl.ds(c * C, C)]], drows, sem)

        def wait(b):
            srows, drows, sem = bufs[b]
            pltpu.make_async_copy(
                shared_h.at[sidx_all.at[pl.ds(0, C)]], srows, sem).wait()
            pltpu.make_async_copy(
                shared_h.at[didx_all.at[pl.ds(0, C)]], drows, sem).wait()

        def compute(c, b):
            srows, drows, _ = bufs[b]

            @plsc.parallel_loop(0, C, unroll=4)
            def edge_body(i):
                acc = None
                for kk in range(nkb):
                    sv = plsc.bitcast(srows[i, pl.ds(kk * _L, _L)],
                                      jnp.bfloat16)
                    dv = plsc.bitcast(drows[i, pl.ds(kk * _L, _L)],
                                      jnp.bfloat16)
                    pr = sv * dv
                    acc = pr if acc is None else acc + pr
                pa, pb = plsc.unpack(acc, format=plsc.PackFormat.INTERLEAVED)
                pmat[pl.ds(i * _L, _L)] = pa + pb

            @plsc.parallel_loop(0, ngroup, unroll=1)
            def red_body(g):
                pb_ = g * _L * _L
                tot = plsc.load_gather(pmat, [pb_ + colbase])
                for l in range(1, _L):
                    tot = tot + plsc.load_gather(pmat, [pb_ + colbase + l])
                outv_all[pl.ds(c * C + g * _L, _L)] = tot

        start(0, 0)
        start(1, 1)

        def pair_body(cc, carry):
            c0 = 2 * cc
            wait(0)
            compute(c0, 0)

            @pl.when(c0 + 2 < npad)
            def _p0():
                start(c0 + 2, 0)

            wait(1)
            compute(c0 + 1, 1)

            @pl.when(c0 + 3 < npad)
            def _p1():
                start(c0 + 3, 1)

            return carry

        lax.fori_loop(0, npad // 2, pair_body, 0)

        pltpu.sync_copy(outv_all.at[pl.ds(0, epw)], out_hbm.at[wid])

    return k(h, edge_index).reshape(-1, 1)

# --- scband reference (transcript-rebuilt; emitter-appended) ---
"""Pipeline reference for scband-dot-product-predictor-34634616275547 (READ-ONLY COPY).

The authoritative reference and input builder live on the scoring server;
editing this copy changes nothing except your own understanding.
"""

import jax, jax.numpy as jnp
import numpy as np

N_NODES = 10000
N_EDGES = 320000
D_FEAT = 128

def setup_inputs(seed: int = 0) -> dict:
    key = jax.random.key(seed)
    k1, k2 = jax.random.split(key)
    h = jax.random.normal(k1, (N_NODES, D_FEAT), dtype=jnp.float32)
    edge_index = jax.random.randint(k2, (2, N_EDGES), 0, N_NODES, dtype=jnp.int32)
    return {"h": h, "edge_index": edge_index}

def reference(h, edge_index):
    # DGL DotProductPredictor: for each edge (u, v), score = h[u] . h[v]
    # fn.u_dot_v('h', 'h', 'score') produces edata['score'] of shape [E, 1]
    src = edge_index[0]
    dst = edge_index[1]
    h_src = jnp.take(h, src, axis=0)  # gather [E, d]
    h_dst = jnp.take(h, dst, axis=0)  # gather [E, d]
    score = jnp.sum(h_src * h_dst, axis=-1, keepdims=True)  # [E, 1]
    return score

if __name__ == "__main__":
    import jax
    _d = setup_inputs()
    print(jax.jit(kernel)(*tuple(_d.values())))

</pallas_src>

<mosaic_0001>
#map = affine_map<(d0, d1) -> (0, 0)>
module attributes {stable_mosaic.version = 14 : i64} {
  func.func @k(%arg0: i32, %arg1: i32, %arg2: memref<10000x128xf32, #tpu.memory_space<hbm>>, %arg3: memref<2x320000xi32, #tpu.memory_space<hbm>>, %arg4: memref<32x10000xf32, #tpu.memory_space<hbm>>, %arg5: memref<10080xi32, #tpu.memory_space<vmem>>, %arg6: memref<10080xi32, #tpu.memory_space<vmem>>, %arg7: memref<80x64xi32, #tpu.memory_space<vmem>>, %arg8: memref<80x64xi32, #tpu.memory_space<vmem>>, %arg9: memref<80x64xi32, #tpu.memory_space<vmem>>, %arg10: memref<80x64xi32, #tpu.memory_space<vmem>>, %arg11: memref<10080xf32, #tpu.memory_space<vmem>>, %arg12: memref<1280xf32, #tpu.memory_space<vmem>>, %arg13: memref<125x128xf32, #tpu.memory_space<vmem>>, %arg14: memref<125x64xi32, #tpu.memory_space<vmem>>, %arg15: memref<10000x64xi32, #tpu.memory_space<vmem_shared>>, %arg16: memref<!tpu.dma_semaphore, #tpu.memory_space<semaphore_mem>>, %arg17: memref<!tpu.dma_semaphore, #tpu.memory_space<semaphore_mem>>) attributes {dimension_semantics = [#tpu.dimension_semantics<core_parallel>, #tpu.dimension_semantics<subcore_parallel>], iteration_bounds = array<i64: 2, 16>, scalar_prefetch = 0 : i64, scratch_operands = 13 : i64, tpu.core_type = #tpu.core_type<sc_vector_subcore>, window_params = [{transform_indices = #map}, {transform_indices = #map}, {transform_indices = #map}]} {
    %mul3A = arith.constant 2 : i32
    %mul3A_0 = arith.muli %arg1, %mul3A : i32
    %add3A = arith.addi %mul3A_0, %arg0 : i32
    %mul3A_1 = arith.constant 10000 : i32
    %mul3A_2 = arith.muli %add3A, %mul3A_1 : i32
    %iota3A = tpu.iota {dimensions = array<i32: 0>} : vector<16xi32>
    %mul3A_3 = arith.constant 16 : i32
    %mul3A_4 = vector.broadcast %mul3A_3 : i32 to vector<16xi32>
    %mul3A_5 = arith.muli %iota3A, %mul3A_4 : vector<16xi32>
    %mul3A_6 = arith.constant 625 : i32
    %mul3A_7 = arith.muli %arg1, %mul3A_6 : i32
    %add3A_8 = arith.constant 0 : i32
    %add3A_9 = arith.addi %mul3A_7, %add3A_8 : i32
    "tpu.region"() ({
      %run_scoped3A_103 = tpu.sem_alloc : memref<!tpu.dma_semaphore, #tpu.memory_space<semaphore_mem>>
      %dma_start3A_104 = arith.constant 0 : i32
      %dma_start3A_105 = tpu.memref_slice %arg2[%add3A_9, %dma_start3A_104] : memref<10000x128xf32, #tpu.memory_space<hbm>> -> memref<125x128xf32, #tpu.memory_space<hbm>>
      %dma_start3A_106 = arith.constant 0 : i32
      %dma_start3A_107 = tpu.memref_slice %arg2[%add3A_9, %dma_start3A_106] : memref<10000x128xf32, #tpu.memory_space<hbm>> -> memref<125x128xf32, #tpu.memory_space<hbm>>
      tpu.enqueue_dma source(%dma_start3A_107 : memref<125x128xf32, #tpu.memory_space<hbm>>) target(%arg13 : memref<125x128xf32, #tpu.memory_space<vmem>>) target_semaphore(%run_scoped3A_103 : memref<!tpu.dma_semaphore, #tpu.memory_space<semaphore_mem>>)
      %dma_wait3A = arith.constant 0 : i32
      %dma_wait3A_108 = tpu.memref_slice %arg2[%add3A_9, %dma_wait3A] : memref<10000x128xf32, #tpu.memory_space<hbm>> -> memref<125x128xf32, #tpu.memory_space<hbm>>
      %dma_wait3A_109 = arith.constant 0 : i32
      %dma_wait3A_110 = tpu.memref_slice %arg2[%add3A_9, %dma_wait3A_109] : memref<10000x128xf32, #tpu.memory_space<hbm>> -> memref<125x128xf32, #tpu.memory_space<hbm>>
      tpu.wait_dma2 semaphore(%run_scoped3A_103 : memref<!tpu.dma_semaphore, #tpu.memory_space<semaphore_mem>>) src(%dma_wait3A_110 : memref<125x128xf32, #tpu.memory_space<hbm>>) dst(%arg13 : memref<125x128xf32, #tpu.memory_space<vmem>>)
      tpu.yield
    }) : () -> ()
    %parallel_loop3A = arith.constant 0 : i32
    %parallel_loop3A_10 = arith.constant 125 : i32
    %parallel_loop3A_11 = arith.constant 1 : i32
    scf.for %parallel_loop3A_103 = %parallel_loop3A to %parallel_loop3A_10 step %parallel_loop3A_11  : i32 {
      %parallel_loop3A_104 = arith.index_cast %parallel_loop3A_103 : i32 to index
      %parallel_loop3A_105 = arith.constant 0 : index
      %parallel_loop3A_106 = tpu.vector_load %arg13[%parallel_loop3A_104, %parallel_loop3A_105] {strides = array<i32>} : memref<125x128xf32, #tpu.memory_space<vmem>>, vector<16xf32>,
      %parallel_loop3A_107 = arith.index_cast %parallel_loop3A_103 : i32 to index
      %parallel_loop3A_108 = arith.constant 16 : index
      %parallel_loop3A_109 = tpu.vector_load %arg13[%parallel_loop3A_107, %parallel_loop3A_108] {strides = array<i32>} : memref<125x128xf32, #tpu.memory_space<vmem>>, vector<16xf32>,
      %parallel_loop3A_110 = tpu.pack_subelements %parallel_loop3A_106, %parallel_loop3A_109 {pack_format = #tpu.pack_format<interleaved>, positions = array<i32: 0, 1>} : vector<16xf32>, vector<16xf32> -> vector<32xbf16>
      %parallel_loop3A_111 = vector.bitcast %parallel_loop3A_110 : vector<32xbf16> to vector<16xi32>
      %parallel_loop3A_112 = arith.index_cast %parallel_loop3A_103 : i32 to index
      %parallel_loop3A_113 = arith.constant 0 : index
      %parallel_loop3A_114 = tpu.vector_load %arg14[%parallel_loop3A_112, %parallel_loop3A_113] {strides = array<i32>} : memref<125x64xi32, #tpu.memory_space<vmem>>, vector<16xi32>,
      tpu.vector_store %arg14[%parallel_loop3A_112, %parallel_loop3A_113], %parallel_loop3A_111 {strides = array<i32>} : memref<125x64xi32, #tpu.memory_space<vmem>>, vector<16xi32>,
      %parallel_loop3A_115 = arith.index_cast %parallel_loop3A_103 : i32 to index
      %parallel_loop3A_116 = arith.constant 32 : index
      %parallel_loop3A_117 = tpu.vector_load %arg13[%parallel_loop3A_115, %parallel_loop3A_116] {strides = array<i32>} : memref<125x128xf32, #tpu.memory_space<vmem>>, vector<16xf32>,
      %parallel_loop3A_118 = arith.index_cast %parallel_loop3A_103 : i32 to index
      %parallel_loop3A_119 = arith.constant 48 : index
      %parallel_loop3A_120 = tpu.vector_load %arg13[%parallel_loop3A_118, %parallel_loop3A_119] {strides = array<i32>} : memref<125x128xf32, #tpu.memory_space<vmem>>, vector<16xf32>,
      %parallel_loop3A_121 = tpu.pack_subelements %parallel_loop3A_117, %parallel_loop3A_120 {pack_format = #tpu.pack_format<interleaved>, positions = array<i32: 0, 1>} : vector<16xf32>, vector<16xf32> -> vector<32xbf16>
      %parallel_loop3A_122 = vector.bitcast %parallel_loop3A_121 : vector<32xbf16> to vector<16xi32>
      %parallel_loop3A_123 = arith.index_cast %parallel_loop3A_103 : i32 to index
      %parallel_loop3A_124 = arith.constant 16 : index
      %parallel_loop3A_125 = tpu.vector_load %arg14[%parallel_loop3A_123, %parallel_loop3A_124] {strides = array<i32>} : memref<125x64xi32, #tpu.memory_space<vmem>>, vector<16xi32>,
      tpu.vector_store %arg14[%parallel_loop3A_123, %parallel_loop3A_124], %parallel_loop3A_122 {strides = array<i32>} : memref<125x64xi32, #tpu.memory_space<vmem>>, vector<16xi32>,
      %parallel_loop3A_126 = arith.index_cast %parallel_loop3A_103 : i32 to index
      %parallel_loop3A_127 = arith.constant 64 : index
      %parallel_loop3A_128 = tpu.vector_load %arg13[%parallel_loop3A_126, %parallel_loop3A_127] {strides = array<i32>} : memref<125x128xf32, #tpu.memory_space<vmem>>, vector<16xf32>,
      %parallel_loop3A_129 = arith.index_cast %parallel_loop3A_103 : i32 to index
      %parallel_loop3A_130 = arith.constant 80 : index
      %parallel_loop3A_131 = tpu.vector_load %arg13[%parallel_loop3A_129, %parallel_loop3A_130] {strides = array<i32>} : memref<125x128xf32, #tpu.memory_space<vmem>>, vector<16xf32>,
      %parallel_loop3A_132 = tpu.pack_subelements %parallel_loop3A_128, %parallel_loop3A_131 {pack_format = #tpu.pack_format<interleaved>, positions = array<i32: 0, 1>} : vector<16xf32>, vector<16xf32> -> vector<32xbf16>
      %parallel_loop3A_133 = vector.bitcast %parallel_loop3A_132 : vector<32xbf16> to vector<16xi32>
      %parallel_loop3A_134 = arith.index_cast %parallel_loop3A_103 : i32 to index
      %parallel_loop3A_135 = arith.constant 32 : index
      %parallel_loop3A_136 = tpu.vector_load %arg14[%parallel_loop3A_134, %parallel_loop3A_135] {strides = array<i32>} : memref<125x64xi32, #tpu.memory_space<vmem>>, vector<16xi32>,
      tpu.vector_store %arg14[%parallel_loop3A_134, %parallel_loop3A_135], %parallel_loop3A_133 {strides = array<i32>} : memref<125x64xi32, #tpu.memory_space<vmem>>, vector<16xi32>,
      %parallel_loop3A_137 = arith.index_cast %parallel_loop3A_103 : i32 to index
      %parallel_loop3A_138 = arith.constant 96 : index
      %parallel_loop3A_139 = tpu.vector_load %arg13[%parallel_loop3A_137, %parallel_loop3A_138] {strides = array<i32>} : memref<125x128xf32, #tpu.memory_space<vmem>>, vector<16xf32>,
      %parallel_loop3A_140 = arith.index_cast %parallel_loop3A_103 : i32 to index
      %parallel_loop3A_141 = arith.constant 112 : index
      %parallel_loop3A_142 = tpu.vector_load %arg13[%parallel_loop3A_140, %parallel_loop3A_141] {strides = array<i32>} : memref<125x128xf32, #tpu.memory_space<vmem>>, vector<16xf32>,
      %parallel_loop3A_143 = tpu.pack_subelements %parallel_loop3A_139, %parallel_loop3A_142 {pack_format = #tpu.pack_format<interleaved>, positions = array<i32: 0, 1>} : vector<16xf32>, vector<16xf32> -> vector<32xbf16>
      %parallel_loop3A_144 = vector.bitcast %parallel_loop3A_143 : vector<32xbf16> to vector<16xi32>
      %parallel_loop3A_145 = arith.index_cast %parallel_loop3A_103 : i32 to index
      %parallel_loop3A_146 = arith.constant 48 : index
      %parallel_loop3A_147 = tpu.vector_load %arg14[%parallel_loop3A_145, %parallel_loop3A_146] {strides = array<i32>} : memref<125x64xi32, #tpu.memory_space<vmem>>, vector<16xi32>,
      tpu.vector_store %arg14[%parallel_loop3A_145, %parallel_loop3A_146], %parallel_loop3A_144 {strides = array<i32>} : memref<125x64xi32, #tpu.memory_space<vmem>>, vector<16xi32>,
    } {sc.loop_unroll_factor = 5 : i64, sc.parallel_access}
    "tpu.region"() ({
      %run_scoped3A_103 = tpu.sem_alloc : memref<!tpu.dma_semaphore, #tpu.memory_space<semaphore_mem>>
      %dma_start3A_104 = arith.constant 0 : i32
      %dma_start3A_105 = tpu.memref_slice %arg15[%add3A_9, %dma_start3A_104] : memref<10000x64xi32, #tpu.memory_space<vmem_shared>> -> memref<125x64xi32, #tpu.memory_space<vmem_shared>>
      %dma_start3A_106 = arith.constant 0 : i32
      %dma_start3A_107 = tpu.memref_slice %arg15[%add3A_9, %dma_start3A_106] : memref<10000x64xi32, #tpu.memory_space<vmem_shared>> -> memref<125x64xi32, #tpu.memory_space<vmem_shared>>
      tpu.enqueue_dma source(%arg14 : memref<125x64xi32, #tpu.memory_space<vmem>>) target(%dma_start3A_107 : memref<125x64xi32, #tpu.memory_space<vmem_shared>>) target_semaphore(%run_scoped3A_103 : memref<!tpu.dma_semaphore, #tpu.memory_space<semaphore_mem>>)
      %dma_wait3A = arith.constant 0 : i32
      %dma_wait3A_108 = tpu.memref_slice %arg15[%add3A_9, %dma_wait3A] : memref<10000x64xi32, #tpu.memory_space<vmem_shared>> -> memref<125x64xi32, #tpu.memory_space<vmem_shared>>
      %dma_wait3A_109 = arith.constant 0 : i32
      %dma_wait3A_110 = tpu.memref_slice %arg15[%add3A_9, %dma_wait3A_109] : memref<10000x64xi32, #tpu.memory_space<vmem_shared>> -> memref<125x64xi32, #tpu.memory_space<vmem_shared>>
      tpu.wait_dma2 semaphore(%run_scoped3A_103 : memref<!tpu.dma_semaphore, #tpu.memory_space<semaphore_mem>>) src(%arg14 : memref<125x64xi32, #tpu.memory_space<vmem>>) dst(%dma_wait3A_110 : memref<125x64xi32, #tpu.memory_space<vmem_shared>>)
      tpu.yield
    }) : () -> ()
    %mul3A_12 = arith.constant 625 : i32
    %mul3A_13 = arith.muli %arg1, %mul3A_12 : i32
    %add3A_14 = arith.constant 125 : i32
    %add3A_15 = arith.addi %mul3A_13, %add3A_14 : i32
    "tpu.region"() ({
      %run_scoped3A_103 = tpu.sem_alloc : memref<!tpu.dma_semaphore, #tpu.memory_space<semaphore_mem>>
      %dma_start3A_104 = arith.constant 0 : i32
      %dma_start3A_105 = tpu.memref_slice %arg2[%add3A_15, %dma_start3A_104] : memref<10000x128xf32, #tpu.memory_space<hbm>> -> memref<125x128xf32, #tpu.memory_space<hbm>>
      %dma_start3A_106 = arith.constant 0 : i32
      %dma_start3A_107 = tpu.memref_slice %arg2[%add3A_15, %dma_start3A_106] : memref<10000x128xf32, #tpu.memory_space<hbm>> -> memref<125x128xf32, #tpu.memory_space<hbm>>
      tpu.enqueue_dma source(%dma_start3A_107 : memref<125x128xf32, #tpu.memory_space<hbm>>) target(%arg13 : memref<125x128xf32, #tpu.memory_space<vmem>>) target_semaphore(%run_scoped3A_103 : memref<!tpu.dma_semaphore, #tpu.memory_space<semaphore_mem>>)
      %dma_wait3A = arith.constant 0 : i32
      %dma_wait3A_108 = tpu.memref_slice %arg2[%add3A_15, %dma_wait3A] : memref<10000x128xf32, #tpu.memory_space<hbm>> -> memref<125x128xf32, #tpu.memory_space<hbm>>
      %dma_wait3A_109 = arith.constant 0 : i32
      %dma_wait3A_110 = tpu.memref_slice %arg2[%add3A_15, %dma_wait3A_109] : memref<10000x128xf32, #tpu.memory_space<hbm>> -> memref<125x128xf32, #tpu.memory_space<hbm>>
      tpu.wait_dma2 semaphore(%run_scoped3A_103 : memref<!tpu.dma_semaphore, #tpu.memory_space<semaphore_mem>>) src(%dma_wait3A_110 : memref<125x128xf32, #tpu.memory_space<hbm>>) dst(%arg13 : memref<125x128xf32, #tpu.memory_space<vmem>>)
      tpu.yield
    }) : () -> ()
    %parallel_loop3A_16 = arith.constant 0 : i32
    %parallel_loop3A_17 = arith.constant 125 : i32
    %parallel_loop3A_18 = arith.constant 1 : i32
    scf.for %parallel_loop3A_103 = %parallel_loop3A_16 to %parallel_loop3A_17 step %parallel_loop3A_18  : i32 {
      %parallel_loop3A_104 = arith.index_cast %parallel_loop3A_103 : i32 to index
      %parallel_loop3A_105 = arith.constant 0 : index
      %parallel_loop3A_106 = tpu.vector_load %arg13[%parallel_loop3A_104, %parallel_loop3A_105] {strides = array<i32>} : memref<125x128xf32, #tpu.memory_space<vmem>>, vector<16xf32>,
      %parallel_loop3A_107 = arith.index_cast %parallel_loop3A_103 : i32 to index
      %parallel_loop3A_108 = arith.constant 16 : index
      %parallel_loop3A_109 = tpu.vector_load %arg13[%parallel_loop3A_107, %parallel_loop3A_108] {strides = array<i32>} : memref<125x128xf32, #tpu.memory_space<vmem>>, vector<16xf32>,
      %parallel_loop3A_110 = tpu.pack_subelements %parallel_loop3A_106, %parallel_loop3A_109 {pack_format = #tpu.pack_format<interleaved>, positions = array<i32: 0, 1>} : vector<16xf32>, vector<16xf32> -> vector<32xbf16>
      %parallel_loop3A_111 = vector.bitcast %parallel_loop3A_110 : vector<32xbf16> to vector<16xi32>
      %parallel_loop3A_112 = arith.index_cast %parallel_loop3A_103 : i32 to index
      %parallel_loop3A_113 = arith.constant 0 : index
      %parallel_loop3A_114 = tpu.vector_load %arg14[%parallel_loop3A_112, %parallel_loop3A_113] {strides = array<i32>} : memref<125x64xi32, #tpu.memory_space<vmem>>, vector<16xi32>,
      tpu.vector_store %arg14[%parallel_loop3A_112, %parallel_loop3A_113], %parallel_loop3A_111 {strides = array<i32>} : memref<125x64xi32, #tpu.memory_space<vmem>>, vector<16xi32>,
      %parallel_loop3A_115 = arith.index_cast %parallel_loop3A_103 : i32 to index
      %parallel_loop3A_116 = arith.constant 32 : index
      %parallel_loop3A_117 = tpu.vector_load %arg13[%parallel_loop3A_115, %parallel_loop3A_116] {strides = array<i32>} : memref<125x128xf32, #tpu.memory_space<vmem>>, vector<16xf32>,
      %parallel_loop3A_118 = arith.index_cast %parallel_loop3A_103 : i32 to index
      %parallel_loop3A_119 = arith.constant 48 : index
      %parallel_loop3A_120 = tpu.vector_load %arg13[%parallel_loop3A_118, %parallel_loop3A_119] {strides = array<i32>} : memref<125x128xf32, #tpu.memory_space<vmem>>, vector<16xf32>,
      %parallel_loop3A_121 = tpu.pack_subelements %parallel_loop3A_117, %parallel_loop3A_120 {pack_format = #tpu.pack_format<interleaved>, positions = array<i32: 0, 1>} : vector<16xf32>, vector<16xf32> -> vector<32xbf16>
      %parallel_loop3A_122 = vector.bitcast %parallel_loop3A_121 : vector<32xbf16> to vector<16xi32>
      %parallel_loop3A_123 = arith.index_cast %parallel_loop3A_103 : i32 to index
      %parallel_loop3A_124 = arith.constant 16 : index
      %parallel_loop3A_125 = tpu.vector_load %arg14[%parallel_loop3A_123, %parallel_loop3A_124] {strides = array<i32>} : memref<125x64xi32, #tpu.memory_space<vmem>>, vector<16xi32>,
      tpu.vector_store %arg14[%parallel_loop3A_123, %parallel_loop3A_124], %parallel_loop3A_122 {strides = array<i32>} : memref<125x64xi32, #tpu.memory_space<vmem>>, vector<16xi32>,
      %parallel_loop3A_126 = arith.index_cast %parallel_loop3A_103 : i32 to index
      %parallel_loop3A_127 = arith.constant 64 : index
      %parallel_loop3A_128 = tpu.vector_load %arg13[%parallel_loop3A_126, %parallel_loop3A_127] {strides = array<i32>} : memref<125x128xf32, #tpu.memory_space<vmem>>, vector<16xf32>,
      %parallel_loop3A_129 = arith.index_cast %parallel_loop3A_103 : i32 to index
      %parallel_loop3A_130 = arith.constant 80 : index
      %parallel_loop3A_131 = tpu.vector_load %arg13[%parallel_loop3A_129, %parallel_loop3A_130] {strides = array<i32>} : memref<125x128xf32, #tpu.memory_space<vmem>>, vector<16xf32>,
      %parallel_loop3A_132 = tpu.pack_subelements %parallel_loop3A_128, %parallel_loop3A_131 {pack_format = #tpu.pack_format<interleaved>, positions = array<i32: 0, 1>} : vector<16xf32>, vector<16xf32> -> vector<32xbf16>
      %parallel_loop3A_133 = vector.bitcast %parallel_loop3A_132 : vector<32xbf16> to vector<16xi32>
      %parallel_loop3A_134 = arith.index_cast %parallel_loop3A_103 : i32 to index
      %parallel_loop3A_135 = arith.constant 32 : index
      %parallel_loop3A_136 = tpu.vector_load %arg14[%parallel_loop3A_134, %parallel_loop3A_135] {strides = array<i32>} : memref<125x64xi32, #tpu.memory_space<vmem>>, vector<16xi32>,
      tpu.vector_store %arg14[%parallel_loop3A_134, %parallel_loop3A_135], %parallel_loop3A_133 {strides = array<i32>} : memref<125x64xi32, #tpu.memory_space<vmem>>, vector<16xi32>,
      %parallel_loop3A_137 = arith.index_cast %parallel_loop3A_103 : i32 to index
      %parallel_loop3A_138 = arith.constant 96 : index
      %parallel_loop3A_139 = tpu.vector_load %arg13[%parallel_loop3A_137, %parallel_loop3A_138] {strides = array<i32>} : memref<125x128xf32, #tpu.memory_space<vmem>>, vector<16xf32>,
      %parallel_loop3A_140 = arith.index_cast %parallel_loop3A_103 : i32 to index
      %parallel_loop3A_141 = arith.constant 112 : index
      %parallel_loop3A_142 = tpu.vector_load %arg13[%parallel_loop3A_140, %parallel_loop3A_141] {strides = array<i32>} : memref<125x128xf32, #tpu.memory_space<vmem>>, vector<16xf32>,
      %parallel_loop3A_143 = tpu.pack_subelements %parallel_loop3A_139, %parallel_loop3A_142 {pack_format = #tpu.pack_format<interleaved>, positions = array<i32: 0, 1>} : vector<16xf32>, vector<16xf32> -> vector<32xbf16>
      %parallel_loop3A_144 = vector.bitcast %parallel_loop3A_143 : vector<32xbf16> to vector<16xi32>
      %parallel_loop3A_145 = arith.index_cast %parallel_loop3A_103 : i32 to index
      %parallel_loop3A_146 = arith.constant 48 : index
      %parallel_loop3A_147 = tpu.vector_load %arg14[%parallel_loop3A_145, %parallel_loop3A_146] {strides = array<i32>} : memref<125x64xi32, #tpu.memory_space<vmem>>, vector<16xi32>,
      tpu.vector_store %arg14[%parallel_loop3A_145, %parallel_loop3A_146], %parallel_loop3A_144 {strides = array<i32>} : memref<125x64xi32, #tpu.memory_space<vmem>>, vector<16xi32>,
    } {sc.loop_unroll_factor = 5 : i64, sc.parallel_access}
    "tpu.region"() ({
      %run_scoped3A_103 = tpu.sem_alloc : memref<!tpu.dma_semaphore, #tpu.memory_space<semaphore_mem>>
      %dma_start3A_104 = arith.constant 0 : i32
      %dma_start3A_105 = tpu.memref_slice %arg15[%add3A_15, %dma_start3A_104] : memref<10000x64xi32, #tpu.memory_space<vmem_shared>> -> memref<125x64xi32, #tpu.memory_space<vmem_shared>>
      %dma_start3A_106 = arith.constant 0 : i32
      %dma_start3A_107 = tpu.memref_slice %arg15[%add3A_15, %dma_start3A_106] : memref<10000x64xi32, #tpu.memory_space<vmem_shared>> -> memref<125x64xi32, #tpu.memory_space<vmem_shared>>
      tpu.enqueue_dma source(%arg14 : memref<125x64xi32, #tpu.memory_space<vmem>>) target(%dma_start3A_107 : memref<125x64xi32, #tpu.memory_space<vmem_shared>>) target_semaphore(%run_scoped3A_103 : memref<!tpu.dma_semaphore, #tpu.memory_space<semaphore_mem>>)
      %dma_wait3A = arith.constant 0 : i32
      %dma_wait3A_108 = tpu.memref_slice %arg15[%add3A_15, %dma_wait3A] : memref<10000x64xi32, #tpu.memory_space<vmem_shared>> -> memref<125x64xi32, #tpu.memory_space<vmem_shared>>
      %dma_wait3A_109 = arith.constant 0 : i32
      %dma_wait3A_110 = tpu.memref_slice %arg15[%add3A_15, %dma_wait3A_109] : memref<10000x64xi32, #tpu.memory_space<vmem_shared>> -> memref<125x64xi32, #tpu.memory_space<vmem_shared>>
      tpu.wait_dma2 semaphore(%run_scoped3A_103 : memref<!tpu.dma_semaphore, #tpu.memory_space<semaphore_mem>>) src(%arg14 : memref<125x64xi32, #tpu.memory_space<vmem>>) dst(%dma_wait3A_110 : memref<125x64xi32, #tpu.memory_space<vmem_shared>>)
      tpu.yield
    }) : () -> ()
    %mul3A_19 = arith.constant 625 : i32
    %mul3A_20 = arith.muli %arg1, %mul3A_19 : i32
    %add3A_21 = arith.constant 250 : i32
    %add3A_22 = arith.addi %mul3A_20, %add3A_21 : i32
    "tpu.region"() ({
      %run_scoped3A_103 = tpu.sem_alloc : memref<!tpu.dma_semaphore, #tpu.memory_space<semaphore_mem>>
      %dma_start3A_104 = arith.constant 0 : i32
      %dma_start3A_105 = tpu.memref_slice %arg2[%add3A_22, %dma_start3A_104] : memref<10000x128xf32, #tpu.memory_space<hbm>> -> memref<125x128xf32, #tpu.memory_space<hbm>>
      %dma_start3A_106 = arith.constant 0 : i32
      %dma_start3A_107 = tpu.memref_slice %arg2[%add3A_22, %dma_start3A_106] : memref<10000x128xf32, #tpu.memory_space<hbm>> -> memref<125x128xf32, #tpu.memory_space<hbm>>
      tpu.enqueue_dma source(%dma_start3A_107 : memref<125x128xf32, #tpu.memory_space<hbm>>) target(%arg13 : memref<125x128xf32, #tpu.memory_space<vmem>>) target_semaphore(%run_scoped3A_103 : memref<!tpu.dma_semaphore, #tpu.memory_space<semaphore_mem>>)
      %dma_wait3A = arith.constant 0 : i32
      %dma_wait3A_108 = tpu.memref_slice %arg2[%add3A_22, %dma_wait3A] : memref<10000x128xf32, #tpu.memory_space<hbm>> -> memref<125x128xf32, #tpu.memory_space<hbm>>
      %dma_wait3A_109 = arith.constant 0 : i32
      %dma_wait3A_110 = tpu.memref_slice %arg2[%add3A_22, %dma_wait3A_109] : memref<10000x128xf32, #tpu.memory_space<hbm>> -> memref<125x128xf32, #tpu.memory_space<hbm>>
      tpu.wait_dma2 semaphore(%run_scoped3A_103 : memref<!tpu.dma_semaphore, #tpu.memory_space<semaphore_mem>>) src(%dma_wait3A_110 : memref<125x128xf32, #tpu.memory_space<hbm>>) dst(%arg13 : memref<125x128xf32, #tpu.memory_space<vmem>>)
      tpu.yield
    }) : () -> ()
    %parallel_loop3A_23 = arith.constant 0 : i32
    %parallel_loop3A_24 = arith.constant 125 : i32
    %parallel_loop3A_25 = arith.constant 1 : i32
    scf.for %parallel_loop3A_103 = %parallel_loop3A_23 to %parallel_loop3A_24 step %parallel_loop3A_25  : i32 {
      %parallel_loop3A_104 = arith.index_cast %parallel_loop3A_103 : i32 to index
      %parallel_loop3A_105 = arith.constant 0 : index
      %parallel_loop3A_106 = tpu.vector_load %arg13[%parallel_loop3A_104, %parallel_loop3A_105] {strides = array<i32>} : memref<125x128xf32, #tpu.memory_space<vmem>>, vector<16xf32>,
      %parallel_loop3A_107 = arith.index_cast %parallel_loop3A_103 : i32 to index
      %parallel_loop3A_108 = arith.constant 16 : index
      %parallel_loop3A_109 = tpu.vector_load %arg13[%parallel_loop3A_107, %parallel_loop3A_108] {strides = array<i32>} : memref<125x128xf32, #tpu.memory_space<vmem>>, vector<16xf32>,
      %parallel_loop3A_110 = tpu.pack_subelements %parallel_loop3A_106, %parallel_loop3A_109 {pack_format = #tpu.pack_format<interleaved>, positions = array<i32: 0, 1>} : vector<16xf32>, vector<16xf32> -> vector<32xbf16>
      %parallel_loop3A_111 = vector.bitcast %parallel_loop3A_110 : vector<32xbf16> to vector<16xi32>
      %parallel_loop3A_112 = arith.index_cast %parallel_loop3A_103 : i32 to index
      %parallel_loop3A_113 = arith.constant 0 : index
      %parallel_loop3A_114 = tpu.vector_load %arg14[%parallel_loop3A_112, %parallel_loop3A_113] {strides = array<i32>} : memref<125x64xi32, #tpu.memory_space<vmem>>, vector<16xi32>,
      tpu.vector_store %arg14[%parallel_loop3A_112, %parallel_loop3A_113], %parallel_loop3A_111 {strides = array<i32>} : memref<125x64xi32, #tpu.memory_space<vmem>>, vector<16xi32>,
      %parallel_loop3A_115 = arith.index_cast %parallel_loop3A_103 : i32 to index
      %parallel_loop3A_116 = arith.constant 32 : index
      %parallel_loop3A_117 = tpu.vector_load %arg13[%parallel_loop3A_115, %parallel_loop3A_116] {strides = array<i32>} : memref<125x128xf32, #tpu.memory_space<vmem>>, vector<16xf32>,
      %parallel_loop3A_118 = arith.index_cast %parallel_loop3A_103 : i32 to index
      %parallel_loop3A_119 = arith.constant 48 : index
      %parallel_loop3A_120 = tpu.vector_load %arg13[%parallel_loop3A_118, %parallel_loop3A_119] {strides = array<i32>} : memref<125x128xf32, #tpu.memory_space<vmem>>, vector<16xf32>,
      %parallel_loop3A_121 = tpu.pack_subelements %parallel_loop3A_117, %parallel_loop3A_120 {pack_format = #tpu.pack_format<interleaved>, positions = array<i32: 0, 1>} : vector<16xf32>, vector<16xf32> -> vector<32xbf16>
      %parallel_loop3A_122 = vector.bitcast %parallel_loop3A_121 : vector<32xbf16> to vector<16xi32>
      %parallel_loop3A_123 = arith.index_cast %parallel_loop3A_103 : i32 to index
      %parallel_loop3A_124 = arith.constant 16 : index
      %parallel_loop3A_125 = tpu.vector_load %arg14[%parallel_loop3A_123, %parallel_loop3A_124] {strides = array<i32>} : memref<125x64xi32, #tpu.memory_space<vmem>>, vector<16xi32>,
      tpu.vector_store %arg14[%parallel_loop3A_123, %parallel_loop3A_124], %parallel_loop3A_122 {strides = array<i32>} : memref<125x64xi32, #tpu.memory_space<vmem>>, vector<16xi32>,
      %parallel_loop3A_126 = arith.index_cast %parallel_loop3A_103 : i32 to index
      %parallel_loop3A_127 = arith.constant 64 : index
      %parallel_loop3A_128 = tpu.vector_load %arg13[%parallel_loop3A_126, %parallel_loop3A_127] {strides = array<i32>} : memref<125x128xf32, #tpu.memory_space<vmem>>, vector<16xf32>,
      %parallel_loop3A_129 = arith.index_cast %parallel_loop3A_103 : i32 to index
      %parallel_loop3A_130 = arith.constant 80 : index
      %parallel_loop3A_131 = tpu.vector_load %arg13[%parallel_loop3A_129, %parallel_loop3A_130] {strides = array<i32>} : memref<125x128xf32, #tpu.memory_space<vmem>>, vector<16xf32>,
      %parallel_loop3A_132 = tpu.pack_subelements %parallel_loop3A_128, %parallel_loop3A_131 {pack_format = #tpu.pack_format<interleaved>, positions = array<i32: 0, 1>} : vector<16xf32>, vector<16xf32> -> vector<32xbf16>
      %parallel_loop3A_133 = vector.bitcast %parallel_loop3A_132 : vector<32xbf16> to vector<16xi32>
      %parallel_loop3A_134 = arith.index_cast %parallel_loop3A_103 : i32 to index
      %parallel_loop3A_135 = arith.constant 32 : index
      %parallel_loop3A_136 = tpu.vector_load %arg14[%parallel_loop3A_134, %parallel_loop3A_135] {strides = array<i32>} : memref<125x64xi32, #tpu.memory_space<vmem>>, vector<16xi32>,
      tpu.vector_store %arg14[%parallel_loop3A_134, %parallel_loop3A_135], %parallel_loop3A_133 {strides = array<i32>} : memref<125x64xi32, #tpu.memory_space<vmem>>, vector<16xi32>,
      %parallel_loop3A_137 = arith.index_cast %parallel_loop3A_103 : i32 to index
      %parallel_loop3A_138 = arith.constant 96 : index
      %parallel_loop3A_139 = tpu.vector_load %arg13[%parallel_loop3A_137, %parallel_loop3A_138] {strides = array<i32>} : memref<125x128xf32, #tpu.memory_space<vmem>>, vector<16xf32>,
      %parallel_loop3A_140 = arith.index_cast %parallel_loop3A_103 : i32 to index
      %parallel_loop3A_141 = arith.constant 112 : index
      %parallel_loop3A_142 = tpu.vector_load %arg13[%parallel_loop3A_140, %parallel_loop3A_141] {strides = array<i32>} : memref<125x128xf32, #tpu.memory_space<vmem>>, vector<16xf32>,
      %parallel_loop3A_143 = tpu.pack_subelements %parallel_loop3A_139, %parallel_loop3A_142 {pack_format = #tpu.pack_format<interleaved>, positions = array<i32: 0, 1>} : vector<16xf32>, vector<16xf32> -> vector<32xbf16>
      %parallel_loop3A_144 = vector.bitcast %parallel_loop3A_143 : vector<32xbf16> to vector<16xi32>
      %parallel_loop3A_145 = arith.index_cast %parallel_loop3A_103 : i32 to index
      %parallel_loop3A_146 = arith.constant 48 : index
      %parallel_loop3A_147 = tpu.vector_load %arg14[%parallel_loop3A_145, %parallel_loop3A_146] {strides = array<i32>} : memref<125x64xi32, #tpu.memory_space<vmem>>, vector<16xi32>,
      tpu.vector_store %arg14[%parallel_loop3A_145, %parallel_loop3A_146], %parallel_loop3A_144 {strides = array<i32>} : memref<125x64xi32, #tpu.memory_space<vmem>>, vector<16xi32>,
    } {sc.loop_unroll_factor = 5 : i64, sc.parallel_access}
    "tpu.region"() ({
      %run_scoped3A_103 = tpu.sem_alloc : memref<!tpu.dma_semaphore, #tpu.memory_space<semaphore_mem>>
      %dma_start3A_104 = arith.constant 0 : i32
      %dma_start3A_105 = tpu.memref_slice %arg15[%add3A_22, %dma_start3A_104] : memref<10000x64xi32, #tpu.memory_space<vmem_shared>> -> memref<125x64xi32, #tpu.memory_space<vmem_shared>>
      %dma_start3A_106 = arith.constant 0 : i32
      %dma_start3A_107 = tpu.memref_slice %arg15[%add3A_22, %dma_start3A_106] : memref<10000x64xi32, #tpu.memory_space<vmem_shared>> -> memref<125x64xi32, #tpu.memory_space<vmem_shared>>
      tpu.enqueue_dma source(%arg14 : memref<125x64xi32, #tpu.memory_space<vmem>>) target(%dma_start3A_107 : memref<125x64xi32, #tpu.memory_space<vmem_shared>>) target_semaphore(%run_scoped3A_103 : memref<!tpu.dma_semaphore, #tpu.memory_space<semaphore_mem>>)
      %dma_wait3A = arith.constant 0 : i32
      %dma_wait3A_108 = tpu.memref_slice %arg15[%add3A_22, %dma_wait3A] : memref<10000x64xi32, #tpu.memory_space<vmem_shared>> -> memref<125x64xi32, #tpu.memory_space<vmem_shared>>
      %dma_wait3A_109 = arith.constant 0 : i32
      %dma_wait3A_110 = tpu.memref_slice %arg15[%add3A_22, %dma_wait3A_109] : memref<10000x64xi32, #tpu.memory_space<vmem_shared>> -> memref<125x64xi32, #tpu.memory_space<vmem_shared>>
      tpu.wait_dma2 semaphore(%run_scoped3A_103 : memref<!tpu.dma_semaphore, #tpu.memory_space<semaphore_mem>>) src(%arg14 : memref<125x64xi32, #tpu.memory_space<vmem>>) dst(%dma_wait3A_110 : memref<125x64xi32, #tpu.memory_space<vmem_shared>>)
      tpu.yield
    }) : () -> ()
    %mul3A_26 = arith.constant 625 : i32
    %mul3A_27 = arith.muli %arg1, %mul3A_26 : i32
    %add3A_28 = arith.constant 375 : i32
    %add3A_29 = arith.addi %mul3A_27, %add3A_28 : i32
    "tpu.region"() ({
      %run_scoped3A_103 = tpu.sem_alloc : memref<!tpu.dma_semaphore, #tpu.memory_space<semaphore_mem>>
      %dma_start3A_104 = arith.constant 0 : i32
      %dma_start3A_105 = tpu.memref_slice %arg2[%add3A_29, %dma_start3A_104] : memref<10000x128xf32, #tpu.memory_space<hbm>> -> memref<125x128xf32, #tpu.memory_space<hbm>>
      %dma_start3A_106 = arith.constant 0 : i32
      %dma_start3A_107 = tpu.memref_slice %arg2[%add3A_29, %dma_start3A_106] : memref<10000x128xf32, #tpu.memory_space<hbm>> -> memref<125x128xf32, #tpu.memory_space<hbm>>
      tpu.enqueue_dma source(%dma_start3A_107 : memref<125x128xf32, #tpu.memory_space<hbm>>) target(%arg13 : memref<125x128xf32, #tpu.memory_space<vmem>>) target_semaphore(%run_scoped3A_103 : memref<!tpu.dma_semaphore, #tpu.memory_space<semaphore_mem>>)
      %dma_wait3A = arith.constant 0 : i32
      %dma_wait3A_108 = tpu.memref_slice %arg2[%add3A_29, %dma_wait3A] : memref<10000x128xf32, #tpu.memory_space<hbm>> -> memref<125x128xf32, #tpu.memory_space<hbm>>
      %dma_wait3A_109 = arith.constant 0 : i32
      %dma_wait3A_110 = tpu.memref_slice %arg2[%add3A_29, %dma_wait3A_109] : memref<10000x128xf32, #tpu.memory_space<hbm>> -> memref<125x128xf32, #tpu.memory_space<hbm>>
      tpu.wait_dma2 semaphore(%run_scoped3A_103 : memref<!tpu.dma_semaphore, #tpu.memory_space<semaphore_mem>>) src(%dma_wait3A_110 : memref<125x128xf32, #tpu.memory_space<hbm>>) dst(%arg13 : memref<125x128xf32, #tpu.memory_space<vmem>>)
      tpu.yield
    }) : () -> ()
    %parallel_loop3A_30 = arith.constant 0 : i32
    %parallel_loop3A_31 = arith.constant 125 : i32
    %parallel_loop3A_32 = arith.constant 1 : i32
    scf.for %parallel_loop3A_103 = %parallel_loop3A_30 to %parallel_loop3A_31 step %parallel_loop3A_32  : i32 {
      %parallel_loop3A_104 = arith.index_cast %parallel_loop3A_103 : i32 to index
      %parallel_loop3A_105 = arith.constant 0 : index
      %parallel_loop3A_106 = tpu.vector_load %arg13[%parallel_loop3A_104, %parallel_loop3A_105] {strides = array<i32>} : memref<125x128xf32, #tpu.memory_space<vmem>>, vector<16xf32>,
      %parallel_loop3A_107 = arith.index_cast %parallel_loop3A_103 : i32 to index
      %parallel_loop3A_108 = arith.constant 16 : index
      %parallel_loop3A_109 = tpu.vector_load %arg13[%parallel_loop3A_107, %parallel_loop3A_108] {strides = array<i32>} : memref<125x128xf32, #tpu.memory_space<vmem>>, vector<16xf32>,
      %parallel_loop3A_110 = tpu.pack_subelements %parallel_loop3A_106, %parallel_loop3A_109 {pack_format = #tpu.pack_format<interleaved>, positions = array<i32: 0, 1>} : vector<16xf32>, vector<16xf32> -> vector<32xbf16>
      %parallel_loop3A_111 = vector.bitcast %parallel_loop3A_110 : vector<32xbf16> to vector<16xi32>
      %parallel_loop3A_112 = arith.index_cast %parallel_loop3A_103 : i32 to index
      %parallel_loop3A_113 = arith.constant 0 : index
      %parallel_loop3A_114 = tpu.vector_load %arg14[%parallel_loop3A_112, %parallel_loop3A_113] {strides = array<i32>} : memref<125x64xi32, #tpu.memory_space<vmem>>, vector<16xi32>,
      tpu.vector_store %arg14[%parallel_loop3A_112, %parallel_loop3A_113], %parallel_loop3A_111 {strides = array<i32>} : memref<125x64xi32, #tpu.memory_space<vmem>>, vector<16xi32>,
      %parallel_loop3A_115 = arith.index_cast %parallel_loop3A_103 : i32 to index
      %parallel_loop3A_116 = arith.constant 32 : index
      %parallel_loop3A_117 = tpu.vector_load %arg13[%parallel_loop3A_115, %parallel_loop3A_116] {strides = array<i32>} : memref<125x128xf32, #tpu.memory_space<vmem>>, vector<16xf32>,
      %parallel_loop3A_118 = arith.index_cast %parallel_loop3A_103 : i32 to index
      %parallel_loop3A_119 = arith.constant 48 : index
      %parallel_loop3A_120 = tpu.vector_load %arg13[%parallel_loop3A_118, %parallel_loop3A_119] {strides = array<i32>} : memref<125x128xf32, #tpu.memory_space<vmem>>, vector<16xf32>,
      %parallel_loop3A_121 = tpu.pack_subelements %parallel_loop3A_117, %parallel_loop3A_120 {pack_format = #tpu.pack_format<interleaved>, positions = array<i32: 0, 1>} : vector<16xf32>, vector<16xf32> -> vector<32xbf16>
      %parallel_loop3A_122 = vector.bitcast %parallel_loop3A_121 : vector<32xbf16> to vector<16xi32>
      %parallel_loop3A_123 = arith.index_cast %parallel_loop3A_103 : i32 to index
      %parallel_loop3A_124 = arith.constant 16 : index
      %parallel_loop3A_125 = tpu.vector_load %arg14[%parallel_loop3A_123, %parallel_loop3A_124] {strides = array<i32>} : memref<125x64xi32, #tpu.memory_space<vmem>>, vector<16xi32>,
      tpu.vector_store %arg14[%parallel_loop3A_123, %parallel_loop3A_124], %parallel_loop3A_122 {strides = array<i32>} : memref<125x64xi32, #tpu.memory_space<vmem>>, vector<16xi32>,
      %parallel_loop3A_126 = arith.index_cast %parallel_loop3A_103 : i32 to index
      %parallel_loop3A_127 = arith.constant 64 : index
      %parallel_loop3A_128 = tpu.vector_load %arg13[%parallel_loop3A_126, %parallel_loop3A_127] {strides = array<i32>} : memref<125x128xf32, #tpu.memory_space<vmem>>, vector<16xf32>,
      %parallel_loop3A_129 = arith.index_cast %parallel_loop3A_103 : i32 to index
      %parallel_loop3A_130 = arith.constant 80 : index
      %parallel_loop3A_131 = tpu.vector_load %arg13[%parallel_loop3A_129, %parallel_loop3A_130] {strides = array<i32>} : memref<125x128xf32, #tpu.memory_space<vmem>>, vector<16xf32>,
      %parallel_loop3A_132 = tpu.pack_subelements %parallel_loop3A_128, %parallel_loop3A_131 {pack_format = #tpu.pack_format<interleaved>, positions = array<i32: 0, 1>} : vector<16xf32>, vector<16xf32> -> vector<32xbf16>
      %parallel_loop3A_133 = vector.bitcast %parallel_loop3A_132 : vector<32xbf16> to vector<16xi32>
      %parallel_loop3A_134 = arith.index_cast %parallel_loop3A_103 : i32 to index
      %parallel_loop3A_135 = arith.constant 32 : index
      %parallel_loop3A_136 = tpu.vector_load %arg14[%parallel_loop3A_134, %parallel_loop3A_135] {strides = array<i32>} : memref<125x64xi32, #tpu.memory_space<vmem>>, vector<16xi32>,
      tpu.vector_store %arg14[%parallel_loop3A_134, %parallel_loop3A_135], %parallel_loop3A_133 {strides = array<i32>} : memref<125x64xi32, #tpu.memory_space<vmem>>, vector<16xi32>,
      %parallel_loop3A_137 = arith.index_cast %parallel_loop3A_103 : i32 to index
      %parallel_loop3A_138 = arith.constant 96 : index
      %parallel_loop3A_139 = tpu.vector_load %arg13[%parallel_loop3A_137, %parallel_loop3A_138] {strides = array<i32>} : memref<125x128xf32, #tpu.memory_space<vmem>>, vector<16xf32>,
      %parallel_loop3A_140 = arith.index_cast %parallel_loop3A_103 : i32 to index
      %parallel_loop3A_141 = arith.constant 112 : index
      %parallel_loop3A_142 = tpu.vector_load %arg13[%parallel_loop3A_140, %parallel_loop3A_141] {strides = array<i32>} : memref<125x128xf32, #tpu.memory_space<vmem>>, vector<16xf32>,
      %parallel_loop3A_143 = tpu.pack_subelements %parallel_loop3A_139, %parallel_loop3A_142 {pack_format = #tpu.pack_format<interleaved>, positions = array<i32: 0, 1>} : vector<16xf32>, vector<16xf32> -> vector<32xbf16>
      %parallel_loop3A_144 = vector.bitcast %parallel_loop3A_143 : vector<32xbf16> to vector<16xi32>
      %parallel_loop3A_145 = arith.index_cast %parallel_loop3A_103 : i32 to index
      %parallel_loop3A_146 = arith.constant 48 : index
      %parallel_loop3A_147 = tpu.vector_load %arg14[%parallel_loop3A_145, %parallel_loop3A_146] {strides = array<i32>} : memref<125x64xi32, #tpu.memory_space<vmem>>, vector<16xi32>,
      tpu.vector_store %arg14[%parallel_loop3A_145, %parallel_loop3A_146], %parallel_loop3A_144 {strides = array<i32>} : memref<125x64xi32, #tpu.memory_space<vmem>>, vector<16xi32>,
    } {sc.loop_unroll_factor = 5 : i64, sc.parallel_access}
    "tpu.region"() ({
      %run_scoped3A_103 = tpu.sem_alloc : memref<!tpu.dma_semaphore, #tpu.memory_space<semaphore_mem>>
      %dma_start3A_104 = arith.constant 0 : i32
      %dma_start3A_105 = tpu.memref_slice %arg15[%add3A_29, %dma_start3A_104] : memref<10000x64xi32, #tpu.memory_space<vmem_shared>> -> memref<125x64xi32, #tpu.memory_space<vmem_shared>>
      %dma_start3A_106 = arith.constant 0 : i32
      %dma_start3A_107 = tpu.memref_slice %arg15[%add3A_29, %dma_start3A_106] : memref<10000x64xi32, #tpu.memory_space<vmem_shared>> -> memref<125x64xi32, #tpu.memory_space<vmem_shared>>
      tpu.enqueue_dma source(%arg14 : memref<125x64xi32, #tpu.memory_space<vmem>>) target(%dma_start3A_107 : memref<125x64xi32, #tpu.memory_space<vmem_shared>>) target_semaphore(%run_scoped3A_103 : memref<!tpu.dma_semaphore, #tpu.memory_space<semaphore_mem>>)
      %dma_wait3A = arith.constant 0 : i32
      %dma_wait3A_108 = tpu.memref_slice %arg15[%add3A_29, %dma_wait3A] : memref<10000x64xi32, #tpu.memory_space<vmem_shared>> -> memref<125x64xi32, #tpu.memory_space<vmem_shared>>
      %dma_wait3A_109 = arith.constant 0 : i32
      %dma_wait3A_110 = tpu.memref_slice %arg15[%add3A_29, %dma_wait3A_109] : memref<10000x64xi32, #tpu.memory_space<vmem_shared>> -> memref<125x64xi32, #tpu.memory_space<vmem_shared>>
      tpu.wait_dma2 semaphore(%run_scoped3A_103 : memref<!tpu.dma_semaphore, #tpu.memory_space<semaphore_mem>>) src(%arg14 : memref<125x64xi32, #tpu.memory_space<vmem>>) dst(%dma_wait3A_110 : memref<125x64xi32, #tpu.memory_space<vmem_shared>>)
      tpu.yield
    }) : () -> ()
    %mul3A_33 = arith.constant 625 : i32
    %mul3A_34 = arith.muli %arg1, %mul3A_33 : i32
    %add3A_35 = arith.constant 500 : i32
    %add3A_36 = arith.addi %mul3A_34, %add3A_35 : i32
    "tpu.region"() ({
      %run_scoped3A_103 = tpu.sem_alloc : memref<!tpu.dma_semaphore, #tpu.memory_space<semaphore_mem>>
      %dma_start3A_104 = arith.constant 0 : i32
      %dma_start3A_105 = tpu.memref_slice %arg2[%add3A_36, %dma_start3A_104] : memref<10000x128xf32, #tpu.memory_space<hbm>> -> memref<125x128xf32, #tpu.memory_space<hbm>>
      %dma_start3A_106 = arith.constant 0 : i32
      %dma_start3A_107 = tpu.memref_slice %arg2[%add3A_36, %dma_start3A_106] : memref<10000x128xf32, #tpu.memory_space<hbm>> -> memref<125x128xf32, #tpu.memory_space<hbm>>
      tpu.enqueue_dma source(%dma_start3A_107 : memref<125x128xf32, #tpu.memory_space<hbm>>) target(%arg13 : memref<125x128xf32, #tpu.memory_space<vmem>>) target_semaphore(%run_scoped3A_103 : memref<!tpu.dma_semaphore, #tpu.memory_space<semaphore_mem>>)
      %dma_wait3A = arith.constant 0 : i32
      %dma_wait3A_108 = tpu.memref_slice %arg2[%add3A_36, %dma_wait3A] : memref<10000x128xf32, #tpu.memory_space<hbm>> -> memref<125x128xf32, #tpu.memory_space<hbm>>
      %dma_wait3A_109 = arith.constant 0 : i32
      %dma_wait3A_110 = tpu.memref_slice %arg2[%add3A_36, %dma_wait3A_109] : memref<10000x128xf32, #tpu.memory_space<hbm>> -> memref<125x128xf32, #tpu.memory_space<hbm>>
      tpu.wait_dma2 semaphore(%run_scoped3A_103 : memref<!tpu.dma_semaphore, #tpu.memory_space<semaphore_mem>>) src(%dma_wait3A_110 : memref<125x128xf32, #tpu.memory_space<hbm>>) dst(%arg13 : memref<125x128xf32, #tpu.memory_space<vmem>>)
      tpu.yield
    }) : () -> ()
    %parallel_loop3A_37 = arith.constant 0 : i32
    %parallel_loop3A_38 = arith.constant 125 : i32
    %parallel_loop3A_39 = arith.constant 1 : i32
    scf.for %parallel_loop3A_103 = %parallel_loop3A_37 to %parallel_loop3A_38 step %parallel_loop3A_39  : i32 {
      %parallel_loop3A_104 = arith.index_cast %parallel_loop3A_103 : i32 to index
      %parallel_loop3A_105 = arith.constant 0 : index
      %parallel_loop3A_106 = tpu.vector_load %arg13[%parallel_loop3A_104, %parallel_loop3A_105] {strides = array<i32>} : memref<125x128xf32, #tpu.memory_space<vmem>>, vector<16xf32>,
      %parallel_loop3A_107 = arith.index_cast %parallel_loop3A_103 : i32 to index
      %parallel_loop3A_108 = arith.constant 16 : index
      %parallel_loop3A_109 = tpu.vector_load %arg13[%parallel_loop3A_107, %parallel_loop3A_108] {strides = array<i32>} : memref<125x128xf32, #tpu.memory_space<vmem>>, vector<16xf32>,
      %parallel_loop3A_110 = tpu.pack_subelements %parallel_loop3A_106, %parallel_loop3A_109 {pack_format = #tpu.pack_format<interleaved>, positions = array<i32: 0, 1>} : vector<16xf32>, vector<16xf32> -> vector<32xbf16>
      %parallel_loop3A_111 = vector.bitcast %parallel_loop3A_110 : vector<32xbf16> to vector<16xi32>
      %parallel_loop3A_112 = arith.index_cast %parallel_loop3A_103 : i32 to index
      %parallel_loop3A_113 = arith.constant 0 : index
      %parallel_loop3A_114 = tpu.vector_load %arg14[%parallel_loop3A_112, %parallel_loop3A_113] {strides = array<i32>} : memref<125x64xi32, #tpu.memory_space<vmem>>, vector<16xi32>,
      tpu.vector_store %arg14[%parallel_loop3A_112, %parallel_loop3A_113], %parallel_loop3A_111 {strides = array<i32>} : memref<125x64xi32, #tpu.memory_space<vmem>>, vector<16xi32>,
      %parallel_loop3A_115 = arith.index_cast %parallel_loop3A_103 : i32 to index
      %parallel_loop3A_116 = arith.constant 32 : index
      %parallel_loop3A_117 = tpu.vector_load %arg13[%parallel_loop3A_115, %parallel_loop3A_116] {strides = array<i32>} : memref<125x128xf32, #tpu.memory_space<vmem>>, vector<16xf32>,
      %parallel_loop3A_118 = arith.index_cast %parallel_loop3A_103 : i32 to index
      %parallel_loop3A_119 = arith.constant 48 : index
      %parallel_loop3A_120 = tpu.vector_load %arg13[%parallel_loop3A_118, %parallel_loop3A_119] {strides = array<i32>} : memref<125x128xf32, #tpu.memory_space<vmem>>, vector<16xf32>,
      %parallel_loop3A_121 = tpu.pack_subelements %parallel_loop3A_117, %parallel_loop3A_120 {pack_format = #tpu.pack_format<interleaved>, positions = array<i32: 0, 1>} : vector<16xf32>, vector<16xf32> -> vector<32xbf16>
      %parallel_loop3A_122 = vector.bitcast %parallel_loop3A_121 : vector<32xbf16> to vector<16xi32>
      %parallel_loop3A_123 = arith.index_cast %parallel_loop3A_103 : i32 to index
      %parallel_loop3A_124 = arith.constant 16 : index
      %parallel_loop3A_125 = tpu.vector_load %arg14[%parallel_loop3A_123, %parallel_loop3A_124] {strides = array<i32>} : memref<125x64xi32, #tpu.memory_space<vmem>>, vector<16xi32>,
      tpu.vector_store %arg14[%parallel_loop3A_123, %parallel_loop3A_124], %parallel_loop3A_122 {strides = array<i32>} : memref<125x64xi32, #tpu.memory_space<vmem>>, vector<16xi32>,
      %parallel_loop3A_126 = arith.index_cast %parallel_loop3A_103 : i32 to index
      %parallel_loop3A_127 = arith.constant 64 : index
      %parallel_loop3A_128 = tpu.vector_load %arg13[%parallel_loop3A_126, %parallel_loop3A_127] {strides = array<i32>} : memref<125x128xf32, #tpu.memory_space<vmem>>, vector<16xf32>,
      %parallel_loop3A_129 = arith.index_cast %parallel_loop3A_103 : i32 to index
      %parallel_loop3A_130 = arith.constant 80 : index
      %parallel_loop3A_131 = tpu.vector_load %arg13[%parallel_loop3A_129, %parallel_loop3A_130] {strides = array<i32>} : memref<125x128xf32, #tpu.memory_space<vmem>>, vector<16xf32>,
      %parallel_loop3A_132 = tpu.pack_subelements %parallel_loop3A_128, %parallel_loop3A_131 {pack_format = #tpu.pack_format<interleaved>, positions = array<i32: 0, 1>} : vector<16xf32>, vector<16xf32> -> vector<32xbf16>
      %parallel_loop3A_133 = vector.bitcast %parallel_loop3A_132 : vector<32xbf16> to vector<16xi32>
      %parallel_loop3A_134 = arith.index_cast %parallel_loop3A_103 : i32 to index
      %parallel_loop3A_135 = arith.constant 32 : index
      %parallel_loop3A_136 = tpu.vector_load %arg14[%parallel_loop3A_134, %parallel_loop3A_135] {strides = array<i32>} : memref<125x64xi32, #tpu.memory_space<vmem>>, vector<16xi32>,
      tpu.vector_store %arg14[%parallel_loop3A_134, %parallel_loop3A_135], %parallel_loop3A_133 {strides = array<i32>} : memref<125x64xi32, #tpu.memory_space<vmem>>, vector<16xi32>,
      %parallel_loop3A_137 = arith.index_cast %parallel_loop3A_103 : i32 to index
      %parallel_loop3A_138 = arith.constant 96 : index
      %parallel_loop3A_139 = tpu.vector_load %arg13[%parallel_loop3A_137, %parallel_loop3A_138] {strides = array<i32>} : memref<125x128xf32, #tpu.memory_space<vmem>>, vector<16xf32>,
      %parallel_loop3A_140 = arith.index_cast %parallel_loop3A_103 : i32 to index
      %parallel_loop3A_141 = arith.constant 112 : index
      %parallel_loop3A_142 = tpu.vector_load %arg13[%parallel_loop3A_140, %parallel_loop3A_141] {strides = array<i32>} : memref<125x128xf32, #tpu.memory_space<vmem>>, vector<16xf32>,
      %parallel_loop3A_143 = tpu.pack_subelements %parallel_loop3A_139, %parallel_loop3A_142 {pack_format = #tpu.pack_format<interleaved>, positions = array<i32: 0, 1>} : vector<16xf32>, vector<16xf32> -> vector<32xbf16>
      %parallel_loop3A_144 = vector.bitcast %parallel_loop3A_143 : vector<32xbf16> to vector<16xi32>
      %parallel_loop3A_145 = arith.index_cast %parallel_loop3A_103 : i32 to index
      %parallel_loop3A_146 = arith.constant 48 : index
      %parallel_loop3A_147 = tpu.vector_load %arg14[%parallel_loop3A_145, %parallel_loop3A_146] {strides = array<i32>} : memref<125x64xi32, #tpu.memory_space<vmem>>, vector<16xi32>,
      tpu.vector_store %arg14[%parallel_loop3A_145, %parallel_loop3A_146], %parallel_loop3A_144 {strides = array<i32>} : memref<125x64xi32, #tpu.memory_space<vmem>>, vector<16xi32>,
    } {sc.loop_unroll_factor = 5 : i64, sc.parallel_access}
    "tpu.region"() ({
      %run_scoped3A_103 = tpu.sem_alloc : memref<!tpu.dma_semaphore, #tpu.memory_space<semaphore_mem>>
      %dma_start3A_104 = arith.constant 0 : i32
      %dma_start3A_105 = tpu.memref_slice %arg15[%add3A_36, %dma_start3A_104] : memref<10000x64xi32, #tpu.memory_space<vmem_shared>> -> memref<125x64xi32, #tpu.memory_space<vmem_shared>>
      %dma_start3A_106 = arith.constant 0 : i32
      %dma_start3A_107 = tpu.memref_slice %arg15[%add3A_36, %dma_start3A_106] : memref<10000x64xi32, #tpu.memory_space<vmem_shared>> -> memref<125x64xi32, #tpu.memory_space<vmem_shared>>
      tpu.enqueue_dma source(%arg14 : memref<125x64xi32, #tpu.memory_space<vmem>>) target(%dma_start3A_107 : memref<125x64xi32, #tpu.memory_space<vmem_shared>>) target_semaphore(%run_scoped3A_103 : memref<!tpu.dma_semaphore, #tpu.memory_space<semaphore_mem>>)
      %dma_wait3A = arith.constant 0 : i32
      %dma_wait3A_108 = tpu.memref_slice %arg15[%add3A_36, %dma_wait3A] : memref<10000x64xi32, #tpu.memory_space<vmem_shared>> -> memref<125x64xi32, #tpu.memory_space<vmem_shared>>
      %dma_wait3A_109 = arith.constant 0 : i32
      %dma_wait3A_110 = tpu.memref_slice %arg15[%add3A_36, %dma_wait3A_109] : memref<10000x64xi32, #tpu.memory_space<vmem_shared>> -> memref<125x64xi32, #tpu.memory_space<vmem_shared>>
      tpu.wait_dma2 semaphore(%run_scoped3A_103 : memref<!tpu.dma_semaphore, #tpu.memory_space<semaphore_mem>>) src(%arg14 : memref<125x64xi32, #tpu.memory_space<vmem>>) dst(%dma_wait3A_110 : memref<125x64xi32, #tpu.memory_space<vmem_shared>>)
      tpu.yield
    }) : () -> ()
    %run_scoped3A = arith.constant 0 : i32
    "tpu.region"() ({
      %run_scoped3A_103 = tpu.sem_alloc : memref<!tpu.dma_semaphore, #tpu.memory_space<semaphore_mem>>
      %dma_start3A_104 = arith.constant 0 : i32
      %dma_start3A_105 = tpu.memref_slice %arg5[%dma_start3A_104] : memref<10080xi32, #tpu.memory_space<vmem>> -> memref<10000xi32, #tpu.memory_space<vmem>>
      %dma_start3A_106 = tpu.memref_slice %arg3[%run_scoped3A, %mul3A_2] : memref<2x320000xi32, #tpu.memory_space<hbm>> -> memref<1x10000xi32, #tpu.memory_space<hbm>>
      %dma_start3A_107 = tpu.memref_squeeze %dma_start3A_106 : memref<1x10000xi32, #tpu.memory_space<hbm>> -> memref<10000xi32, #tpu.memory_space<hbm>>
      %dma_start3A_108 = arith.constant 0 : i32
      %dma_start3A_109 = tpu.memref_slice %arg5[%dma_start3A_108] : memref<10080xi32, #tpu.memory_space<vmem>> -> memref<10000xi32, #tpu.memory_space<vmem>>
      %dma_start3A_110 = tpu.memref_slice %arg3[%run_scoped3A, %mul3A_2] : memref<2x320000xi32, #tpu.memory_space<hbm>> -> memref<1x10000xi32, #tpu.memory_space<hbm>>
      %dma_start3A_111 = tpu.memref_squeeze %dma_start3A_110 : memref<1x10000xi32, #tpu.memory_space<hbm>> -> memref<10000xi32, #tpu.memory_space<hbm>>
      tpu.enqueue_dma source(%dma_start3A_111 : memref<10000xi32, #tpu.memory_space<hbm>>) target(%dma_start3A_109 : memref<10000xi32, #tpu.memory_space<vmem>>) target_semaphore(%run_scoped3A_103 : memref<!tpu.dma_semaphore, #tpu.memory_space<semaphore_mem>>)
      %dma_wait3A = arith.constant 0 : i32
      %dma_wait3A_112 = tpu.memref_slice %arg5[%dma_wait3A] : memref<10080xi32, #tpu.memory_space<vmem>> -> memref<10000xi32, #tpu.memory_space<vmem>>
      %dma_wait3A_113 = tpu.memref_slice %arg3[%run_scoped3A, %mul3A_2] : memref<2x320000xi32, #tpu.memory_space<hbm>> -> memref<1x10000xi32, #tpu.memory_space<hbm>>
      %dma_wait3A_114 = tpu.memref_squeeze %dma_wait3A_113 : memref<1x10000xi32, #tpu.memory_space<hbm>> -> memref<10000xi32, #tpu.memory_space<hbm>>
      %dma_wait3A_115 = arith.constant 0 : i32
      %dma_wait3A_116 = tpu.memref_slice %arg5[%dma_wait3A_115] : memref<10080xi32, #tpu.memory_space<vmem>> -> memref<10000xi32, #tpu.memory_space<vmem>>
      %dma_wait3A_117 = tpu.memref_slice %arg3[%run_scoped3A, %mul3A_2] : memref<2x320000xi32, #tpu.memory_space<hbm>> -> memref<1x10000xi32, #tpu.memory_space<hbm>>
      %dma_wait3A_118 = tpu.memref_squeeze %dma_wait3A_117 : memref<1x10000xi32, #tpu.memory_space<hbm>> -> memref<10000xi32, #tpu.memory_space<hbm>>
      tpu.wait_dma2 semaphore(%run_scoped3A_103 : memref<!tpu.dma_semaphore, #tpu.memory_space<semaphore_mem>>) src(%dma_wait3A_118 : memref<10000xi32, #tpu.memory_space<hbm>>) dst(%dma_wait3A_116 : memref<10000xi32, #tpu.memory_space<vmem>>)
      tpu.yield
    }) : () -> ()
    %run_scoped3A_40 = arith.constant 1 : i32
    "tpu.region"() ({
      %run_scoped3A_103 = tpu.sem_alloc : memref<!tpu.dma_semaphore, #tpu.memory_space<semaphore_mem>>
      %dma_start3A_104 = arith.constant 0 : i32
      %dma_start3A_105 = tpu.memref_slice %arg6[%dma_start3A_104] : memref<10080xi32, #tpu.memory_space<vmem>> -> memref<10000xi32, #tpu.memory_space<vmem>>
      %dma_start3A_106 = tpu.memref_slice %arg3[%run_scoped3A_40, %mul3A_2] : memref<2x320000xi32, #tpu.memory_space<hbm>> -> memref<1x10000xi32, #tpu.memory_space<hbm>>
      %dma_start3A_107 = tpu.memref_squeeze %dma_start3A_106 : memref<1x10000xi32, #tpu.memory_space<hbm>> -> memref<10000xi32, #tpu.memory_space<hbm>>
      %dma_start3A_108 = arith.constant 0 : i32
      %dma_start3A_109 = tpu.memref_slice %arg6[%dma_start3A_108] : memref<10080xi32, #tpu.memory_space<vmem>> -> memref<10000xi32, #tpu.memory_space<vmem>>
      %dma_start3A_110 = tpu.memref_slice %arg3[%run_scoped3A_40, %mul3A_2] : memref<2x320000xi32, #tpu.memory_space<hbm>> -> memref<1x10000xi32, #tpu.memory_space<hbm>>
      %dma_start3A_111 = tpu.memref_squeeze %dma_start3A_110 : memref<1x10000xi32, #tpu.memory_space<hbm>> -> memref<10000xi32, #tpu.memory_space<hbm>>
      tpu.enqueue_dma source(%dma_start3A_111 : memref<10000xi32, #tpu.memory_space<hbm>>) target(%dma_start3A_109 : memref<10000xi32, #tpu.memory_space<vmem>>) target_semaphore(%run_scoped3A_103 : memref<!tpu.dma_semaphore, #tpu.memory_space<semaphore_mem>>)
      %dma_wait3A = arith.constant 0 : i32
      %dma_wait3A_112 = tpu.memref_slice %arg6[%dma_wait3A] : memref<10080xi32, #tpu.memory_space<vmem>> -> memref<10000xi32, #tpu.memory_space<vmem>>
      %dma_wait3A_113 = tpu.memref_slice %arg3[%run_scoped3A_40, %mul3A_2] : memref<2x320000xi32, #tpu.memory_space<hbm>> -> memref<1x10000xi32, #tpu.memory_space<hbm>>
      %dma_wait3A_114 = tpu.memref_squeeze %dma_wait3A_113 : memref<1x10000xi32, #tpu.memory_space<hbm>> -> memref<10000xi32, #tpu.memory_space<hbm>>
      %dma_wait3A_115 = arith.constant 0 : i32
      %dma_wait3A_116 = tpu.memref_slice %arg6[%dma_wait3A_115] : memref<10080xi32, #tpu.memory_space<vmem>> -> memref<10000xi32, #tpu.memory_space<vmem>>
      %dma_wait3A_117 = tpu.memref_slice %arg3[%run_scoped3A_40, %mul3A_2] : memref<2x320000xi32, #tpu.memory_space<hbm>> -> memref<1x10000xi32, #tpu.memory_space<hbm>>
      %dma_wait3A_118 = tpu.memref_squeeze %dma_wait3A_117 : memref<1x10000xi32, #tpu.memory_space<hbm>> -> memref<10000xi32, #tpu.memory_space<hbm>>
      tpu.wait_dma2 semaphore(%run_scoped3A_103 : memref<!tpu.dma_semaphore, #tpu.memory_space<semaphore_mem>>) src(%dma_wait3A_118 : memref<10000xi32, #tpu.memory_space<hbm>>) dst(%dma_wait3A_116 : memref<10000xi32, #tpu.memory_space<vmem>>)
      tpu.yield
    }) : () -> ()
    %get3A = arith.constant 0 : index
    %get3A_41 = tpu.vector_load %arg5[%get3A] {strides = array<i32>} : memref<10080xi32, #tpu.memory_space<vmem>>, vector<16xi32>,
    %swap3A = arith.constant 10000 : index
    %swap3A_42 = tpu.vector_load %arg5[%swap3A] {strides = array<i32>} : memref<10080xi32, #tpu.memory_space<vmem>>, vector<16xi32>,
    tpu.vector_store %arg5[%swap3A], %get3A_41 {strides = array<i32>} : memref<10080xi32, #tpu.memory_space<vmem>>, vector<16xi32>,
    %get3A_43 = arith.constant 0 : index
    %get3A_44 = tpu.vector_load %arg6[%get3A_43] {strides = array<i32>} : memref<10080xi32, #tpu.memory_space<vmem>>, vector<16xi32>,
    %swap3A_45 = arith.constant 10000 : index
    %swap3A_46 = tpu.vector_load %arg6[%swap3A_45] {strides = array<i32>} : memref<10080xi32, #tpu.memory_space<vmem>>, vector<16xi32>,
    tpu.vector_store %arg6[%swap3A_45], %get3A_44 {strides = array<i32>} : memref<10080xi32, #tpu.memory_space<vmem>>, vector<16xi32>,
    %get3A_47 = arith.constant 16 : index
    %get3A_48 = tpu.vector_load %arg5[%get3A_47] {strides = array<i32>} : memref<10080xi32, #tpu.memory_space<vmem>>, vector<16xi32>,
    %swap3A_49 = arith.constant 10016 : index
    %swap3A_50 = tpu.vector_load %arg5[%swap3A_49] {strides = array<i32>} : memref<10080xi32, #tpu.memory_space<vmem>>, vector<16xi32>,
    tpu.vector_store %arg5[%swap3A_49], %get3A_48 {strides = array<i32>} : memref<10080xi32, #tpu.memory_space<vmem>>, vector<16xi32>,
    %get3A_51 = arith.constant 16 : index
    %get3A_52 = tpu.vector_load %arg6[%get3A_51] {strides = array<i32>} : memref<10080xi32, #tpu.memory_space<vmem>>, vector<16xi32>,
    %swap3A_53 = arith.constant 10016 : index
    %swap3A_54 = tpu.vector_load %arg6[%swap3A_53] {strides = array<i32>} : memref<10080xi32, #tpu.memory_space<vmem>>, vector<16xi32>,
    tpu.vector_store %arg6[%swap3A_53], %get3A_52 {strides = array<i32>} : memref<10080xi32, #tpu.memory_space<vmem>>, vector<16xi32>,
    %get3A_55 = arith.constant 32 : index
    %get3A_56 = tpu.vector_load %arg5[%get3A_55] {strides = array<i32>} : memref<10080xi32, #tpu.memory_space<vmem>>, vector<16xi32>,
    %swap3A_57 = arith.constant 10032 : index
    %swap3A_58 = tpu.vector_load %arg5[%swap3A_57] {strides = array<i32>} : memref<10080xi32, #tpu.memory_space<vmem>>, vector<16xi32>,
    tpu.vector_store %arg5[%swap3A_57], %get3A_56 {strides = array<i32>} : memref<10080xi32, #tpu.memory_space<vmem>>, vector<16xi32>,
    %get3A_59 = arith.constant 32 : index
    %get3A_60 = tpu.vector_load %arg6[%get3A_59] {strides = array<i32>} : memref<10080xi32, #tpu.memory_space<vmem>>, vector<16xi32>,
    %swap3A_61 = arith.constant 10032 : index
    %swap3A_62 = tpu.vector_load %arg6[%swap3A_61] {strides = array<i32>} : memref<10080xi32, #tpu.memory_space<vmem>>, vector<16xi32>,
    tpu.vector_store %arg6[%swap3A_61], %get3A_60 {strides = array<i32>} : memref<10080xi32, #tpu.memory_space<vmem>>, vector<16xi32>,
    %get3A_63 = arith.constant 48 : index
    %get3A_64 = tpu.vector_load %arg5[%get3A_63] {strides = array<i32>} : memref<10080xi32, #tpu.memory_space<vmem>>, vector<16xi32>,
    %swap3A_65 = arith.constant 10048 : index
    %swap3A_66 = tpu.vector_load %arg5[%swap3A_65] {strides = array<i32>} : memref<10080xi32, #tpu.memory_space<vmem>>, vector<16xi32>,
    tpu.vector_store %arg5[%swap3A_65], %get3A_64 {strides = array<i32>} : memref<10080xi32, #tpu.memory_space<vmem>>, vector<16xi32>,
    %get3A_67 = arith.constant 48 : index
    %get3A_68 = tpu.vector_load %arg6[%get3A_67] {strides = array<i32>} : memref<10080xi32, #tpu.memory_space<vmem>>, vector<16xi32>,
    %swap3A_69 = arith.constant 10048 : index
    %swap3A_70 = tpu.vector_load %arg6[%swap3A_69] {strides = array<i32>} : memref<10080xi32, #tpu.memory_space<vmem>>, vector<16xi32>,
    tpu.vector_store %arg6[%swap3A_69], %get3A_68 {strides = array<i32>} : memref<10080xi32, #tpu.memory_space<vmem>>, vector<16xi32>,
    %get3A_71 = arith.constant 64 : index
    %get3A_72 = tpu.vector_load %arg5[%get3A_71] {strides = array<i32>} : memref<10080xi32, #tpu.memory_space<vmem>>, vector<16xi32>,
    %swap3A_73 = arith.constant 10064 : index
    %swap3A_74 = tpu.vector_load %arg5[%swap3A_73] {strides = array<i32>} : memref<10080xi32, #tpu.memory_space<vmem>>, vector<16xi32>,
    tpu.vector_store %arg5[%swap3A_73], %get3A_72 {strides = array<i32>} : memref<10080xi32, #tpu.memory_space<vmem>>, vector<16xi32>,
    %get3A_75 = arith.constant 64 : index
    %get3A_76 = tpu.vector_load %arg6[%get3A_75] {strides = array<i32>} : memref<10080xi32, #tpu.memory_space<vmem>>, vector<16xi32>,
    %swap3A_77 = arith.constant 10064 : index
    %swap3A_78 = tpu.vector_load %arg6[%swap3A_77] {strides = array<i32>} : memref<10080xi32, #tpu.memory_space<vmem>>, vector<16xi32>,
    tpu.vector_store %arg6[%swap3A_77], %get3A_76 {strides = array<i32>} : memref<10080xi32, #tpu.memory_space<vmem>>, vector<16xi32>,
    %barrier3A = arith.constant 0 : index
    tpu.barrier barrier_id(%barrier3A)
    %dma_start3A = arith.constant 0 : i32
    %dma_start3A_79 = tpu.memref_slice %arg5[%dma_start3A] : memref<10080xi32, #tpu.memory_space<vmem>> -> memref<80xi32, #tpu.memory_space<vmem>>
    %dma_start3A_80 = arith.constant 0 : i32
    %dma_start3A_81 = arith.constant 0 : i32
    %dma_start3A_82 = tpu.memref_slice %arg15[%dma_start3A_80, %dma_start3A_81] : memref<10000x64xi32, #tpu.memory_space<vmem_shared>> -> memref<10000x64xi32, #tpu.memory_space<vmem_shared>>
    tpu.enqueue_indirect_dma source(%dma_start3A_82 : memref<10000x64xi32, #tpu.memory_space<vmem_shared>>) target(%arg7 : memref<80x64xi32, #tpu.memory_space<vmem>>) offsets(%dma_start3A_79 : memref<80xi32, #tpu.memory_space<vmem>>) semaphore(%arg16 : memref<!tpu.dma_semaphore, #tpu.memory_space<semaphore_mem>>)
    %dma_start3A_83 = arith.constant 0 : i32
    %dma_start3A_84 = tpu.memref_slice %arg6[%dma_start3A_83] : memref<10080xi32, #tpu.memory_space<vmem>> -> memref<80xi32, #tpu.memory_space<vmem>>
    %dma_start3A_85 = arith.constant 0 : i32
    %dma_start3A_86 = arith.constant 0 : i32
    %dma_start3A_87 = tpu.memref_slice %arg15[%dma_start3A_85, %dma_start3A_86] : memref<10000x64xi32, #tpu.memory_space<vmem_shared>> -> memref<10000x64xi32, #tpu.memory_space<vmem_shared>>
    tpu.enqueue_indirect_dma source(%dma_start3A_87 : memref<10000x64xi32, #tpu.memory_space<vmem_shared>>) target(%arg8 : memref<80x64xi32, #tpu.memory_space<vmem>>) offsets(%dma_start3A_84 : memref<80xi32, #tpu.memory_space<vmem>>) semaphore(%arg16 : memref<!tpu.dma_semaphore, #tpu.memory_space<semaphore_mem>>)
    %dma_start3A_88 = arith.constant 80 : i32
    %dma_start3A_89 = tpu.memref_slice %arg5[%dma_start3A_88] : memref<10080xi32, #tpu.memory_space<vmem>> -> memref<80xi32, #tpu.memory_space<vmem>>
    %dma_start3A_90 = arith.constant 0 : i32
    %dma_start3A_91 = arith.constant 0 : i32
    %dma_start3A_92 = tpu.memref_slice %arg15[%dma_start3A_90, %dma_start3A_91] : memref<10000x64xi32, #tpu.memory_space<vmem_shared>> -> memref<10000x64xi32, #tpu.memory_space<vmem_shared>>
    tpu.enqueue_indirect_dma source(%dma_start3A_92 : memref<10000x64xi32, #tpu.memory_space<vmem_shared>>) target(%arg9 : memref<80x64xi32, #tpu.memory_space<vmem>>) offsets(%dma_start3A_89 : memref<80xi32, #tpu.memory_space<vmem>>) semaphore(%arg17 : memref<!tpu.dma_semaphore, #tpu.memory_space<semaphore_mem>>)
    %dma_start3A_93 = arith.constant 80 : i32
    %dma_start3A_94 = tpu.memref_slice %arg6[%dma_start3A_93] : memref<10080xi32, #tpu.memory_space<vmem>> -> memref<80xi32, #tpu.memory_space<vmem>>
    %dma_start3A_95 = arith.constant 0 : i32
    %dma_start3A_96 = arith.constant 0 : i32
    %dma_start3A_97 = tpu.memref_slice %arg15[%dma_start3A_95, %dma_start3A_96] : memref<10000x64xi32, #tpu.memory_space<vmem_shared>> -> memref<10000x64xi32, #tpu.memory_space<vmem_shared>>
    tpu.enqueue_indirect_dma source(%dma_start3A_97 : memref<10000x64xi32, #tpu.memory_space<vmem_shared>>) target(%arg10 : memref<80x64xi32, #tpu.memory_space<vmem>>) offsets(%dma_start3A_94 : memref<80xi32, #tpu.memory_space<vmem>>) semaphore(%arg17 : memref<!tpu.dma_semaphore, #tpu.memory_space<semaphore_mem>>)
    %scan3A = arith.constant 0 : i32
    %scan3A_98 = arith.constant 0 : i32
    %scan3A_99 = arith.constant 63 : i32
    %scan3A_100 = arith.addi %scan3A_98, %scan3A_99 : i32
    %scan3A_101 = arith.constant 1 : i32
    scf.for %scan3A_103 = %scan3A_98 to %scan3A_100 step %scan3A_101  : i32 {
      %mul3A_104 = arith.constant 2 : i32
      %mul3A_105 = arith.muli %mul3A_104, %scan3A_103 : i32
      %dma_wait3A = arith.constant 0 : i32
      %dma_wait3A_106 = tpu.memref_slice %arg5[%dma_wait3A] : memref<10080xi32, #tpu.memory_space<vmem>> -> memref<80xi32, #tpu.memory_space<vmem>>
      %dma_wait3A_107 = arith.constant 0 : i32
      %dma_wait3A_108 = arith.constant 0 : i32
      %dma_wait3A_109 = tpu.memref_slice %arg15[%dma_wait3A_107, %dma_wait3A_108] : memref<10000x64xi32, #tpu.memory_space<vmem_shared>> -> memref<10000x64xi32, #tpu.memory_space<vmem_shared>>
      tpu.wait_indirect_dma semaphore(%arg16 : memref<!tpu.dma_semaphore, #tpu.memory_space<semaphore_mem>>) src(%dma_wait3A_109 : memref<10000x64xi32, #tpu.memory_space<vmem_shared>>) dst(%arg7 : memref<80x64xi32, #tpu.memory_space<vmem>>)
      %dma_wait3A_110 = arith.constant 0 : i32
      %dma_wait3A_111 = tpu.memref_slice %arg6[%dma_wait3A_110] : memref<10080xi32, #tpu.memory_space<vmem>> -> memref<80xi32, #tpu.memory_space<vmem>>
      %dma_wait3A_112 = arith.constant 0 : i32
      %dma_wait3A_113 = arith.constant 0 : i32
      %dma_wait3A_114 = tpu.memref_slice %arg15[%dma_wait3A_112, %dma_wait3A_113] : memref<10000x64xi32, #tpu.memory_space<vmem_shared>> -> memref<10000x64xi32, #tpu.memory_space<vmem_shared>>
      tpu.wait_indirect_dma semaphore(%arg16 : memref<!tpu.dma_semaphore, #tpu.memory_space<semaphore_mem>>) src(%dma_wait3A_114 : memref<10000x64xi32, #tpu.memory_space<vmem_shared>>) dst(%arg8 : memref<80x64xi32, #tpu.memory_space<vmem>>)
      %parallel_loop3A_115 = arith.constant 0 : i32
      %parallel_loop3A_116 = arith.constant 80 : i32
      %parallel_loop3A_117 = arith.constant 1 : i32
      scf.for %parallel_loop3A_150 = %parallel_loop3A_115 to %parallel_loop3A_116 step %parallel_loop3A_117  : i32 {
        %parallel_loop3A_151 = arith.index_cast %parallel_loop3A_150 : i32 to index
        %parallel_loop3A_152 = arith.constant 0 : index
        %parallel_loop3A_153 = tpu.vector_load %arg7[%parallel_loop3A_151, %parallel_loop3A_152] {strides = array<i32>} : memref<80x64xi32, #tpu.memory_space<vmem>>, vector<16xi32>,
        %parallel_loop3A_154 = vector.bitcast %parallel_loop3A_153 : vector<16xi32> to vector<32xbf16>
        %parallel_loop3A_155 = arith.index_cast %parallel_loop3A_150 : i32 to index
        %parallel_loop3A_156 = arith.constant 0 : index
        %parallel_loop3A_157 = tpu.vector_load %arg8[%parallel_loop3A_155, %parallel_loop3A_156] {strides = array<i32>} : memref<80x64xi32, #tpu.memory_space<vmem>>, vector<16xi32>,
        %parallel_loop3A_158 = vector.bitcast %parallel_loop3A_157 : vector<16xi32> to vector<32xbf16>
        %parallel_loop3A_159 = arith.mulf %parallel_loop3A_154, %parallel_loop3A_158 : vector<32xbf16>
        %parallel_loop3A_160 = arith.index_cast %parallel_loop3A_150 : i32 to index
        %parallel_loop3A_161 = arith.constant 16 : index
        %parallel_loop3A_162 = tpu.vector_load %arg7[%parallel_loop3A_160, %parallel_loop3A_161] {strides = array<i32>} : memref<80x64xi32, #tpu.memory_space<vmem>>, vector<16xi32>,
        %parallel_loop3A_163 = vector.bitcast %parallel_loop3A_162 : vector<16xi32> to vector<32xbf16>
        %parallel_loop3A_164 = arith.index_cast %parallel_loop3A_150 : i32 to index
        %parallel_loop3A_165 = arith.constant 16 : index
        %parallel_loop3A_166 = tpu.vector_load %arg8[%parallel_loop3A_164, %parallel_loop3A_165] {strides = array<i32>} : memref<80x64xi32, #tpu.memory_space<vmem>>, vector<16xi32>,
        %parallel_loop3A_167 = vector.bitcast %parallel_loop3A_166 : vector<16xi32> to vector<32xbf16>
        %parallel_loop3A_168 = arith.mulf %parallel_loop3A_163, %parallel_loop3A_167 : vector<32xbf16>
        %parallel_loop3A_169 = arith.addf %parallel_loop3A_159, %parallel_loop3A_168 : vector<32xbf16>
        %parallel_loop3A_170 = arith.index_cast %parallel_loop3A_150 : i32 to index
        %parallel_loop3A_171 = arith.constant 32 : index
        %parallel_loop3A_172 = tpu.vector_load %arg7[%parallel_loop3A_170, %parallel_loop3A_171] {strides = array<i32>} : memref<80x64xi32, #tpu.memory_space<vmem>>, vector<16xi32>,
        %parallel_loop3A_173 = vector.bitcast %parallel_loop3A_172 : vector<16xi32> to vector<32xbf16>
        %parallel_loop3A_174 = arith.index_cast %parallel_loop3A_150 : i32 to index
        %parallel_loop3A_175 = arith.constant 32 : index
        %parallel_loop3A_176 = tpu.vector_load %arg8[%parallel_loop3A_174, %parallel_loop3A_175] {strides = array<i32>} : memref<80x64xi32, #tpu.memory_space<vmem>>, vector<16xi32>,
        %parallel_loop3A_177 = vector.bitcast %parallel_loop3A_176 : vector<16xi32> to vector<32xbf16>
        %parallel_loop3A_178 = arith.mulf %parallel_loop3A_173, %parallel_loop3A_177 : vector<32xbf16>
        %parallel_loop3A_179 = arith.addf %parallel_loop3A_169, %parallel_loop3A_178 : vector<32xbf16>
        %parallel_loop3A_180 = arith.index_cast %parallel_loop3A_150 : i32 to index
        %parallel_loop3A_181 = arith.constant 48 : index
        %parallel_loop3A_182 = tpu.vector_load %arg7[%parallel_loop3A_180, %parallel_loop3A_181] {strides = array<i32>} : memref<80x64xi32, #tpu.memory_space<vmem>>, vector<16xi32>,
        %parallel_loop3A_183 = vector.bitcast %parallel_loop3A_182 : vector<16xi32> to vector<32xbf16>
        %parallel_loop3A_184 = arith.index_cast %parallel_loop3A_150 : i32 to index
        %parallel_loop3A_185 = arith.constant 48 : index
        %parallel_loop3A_186 = tpu.vector_load %arg8[%parallel_loop3A_184, %parallel_loop3A_185] {strides = array<i32>} : memref<80x64xi32, #tpu.memory_space<vmem>>, vector<16xi32>,
        %parallel_loop3A_187 = vector.bitcast %parallel_loop3A_186 : vector<16xi32> to vector<32xbf16>
        %parallel_loop3A_188 = arith.mulf %parallel_loop3A_183, %parallel_loop3A_187 : vector<32xbf16>
        %parallel_loop3A_189 = arith.addf %parallel_loop3A_179, %parallel_loop3A_188 : vector<32xbf16>
        %parallel_loop3A_190 = tpu.unpack_subelements %parallel_loop3A_189, 0 {pack_format = #tpu.pack_format<interleaved>} : vector<32xbf16> -> vector<16xf32>
        %parallel_loop3A_191 = tpu.unpack_subelements %parallel_loop3A_189, 1 {pack_format = #tpu.pack_format<interleaved>} : vector<32xbf16> -> vector<16xf32>
        %parallel_loop3A_192 = arith.addf %parallel_loop3A_190, %parallel_loop3A_191 : vector<16xf32>
        %parallel_loop3A_193 = arith.constant 16 : i32
        %parallel_loop3A_194 = arith.muli %parallel_loop3A_150, %parallel_loop3A_193 : i32
        %parallel_loop3A_195 = arith.index_cast %parallel_loop3A_194 : i32 to index
        %parallel_loop3A_196 = tpu.vector_load %arg12[%parallel_loop3A_195] {strides = array<i32>} : memref<1280xf32, #tpu.memory_space<vmem>>, vector<16xf32>,
        tpu.vector_store %arg12[%parallel_loop3A_195], %parallel_loop3A_192 {strides = array<i32>} : memref<1280xf32, #tpu.memory_space<vmem>>, vector<16xf32>,
      } {sc.loop_unroll_factor = 4 : i64, sc.parallel_access}
      %parallel_loop3A_118 = arith.constant 0 : i32
      %parallel_loop3A_119 = arith.constant 5 : i32
      %parallel_loop3A_120 = arith.constant 1 : i32
      scf.for %parallel_loop3A_150 = %parallel_loop3A_118 to %parallel_loop3A_119 step %parallel_loop3A_120  : i32 {
        %parallel_loop3A_151 = arith.constant 16 : i32
        %parallel_loop3A_152 = arith.muli %parallel_loop3A_150, %parallel_loop3A_151 : i32
        %parallel_loop3A_153 = arith.constant 16 : i32
        %parallel_loop3A_154 = arith.muli %parallel_loop3A_152, %parallel_loop3A_153 : i32
        %parallel_loop3A_155 = vector.broadcast %parallel_loop3A_154 : i32 to vector<16xi32>
        %parallel_loop3A_156 = arith.addi %parallel_loop3A_155, %mul3A_5 : vector<16xi32>
        %parallel_loop3A_157 = tpu.vector_load_idx %arg12[%parallel_loop3A_156] : memref<1280xf32, #tpu.memory_space<vmem>>[vector<16xi32>], vector<16xf32>,
        %parallel_loop3A_158 = vector.broadcast %parallel_loop3A_154 : i32 to vector<16xi32>
        %parallel_loop3A_159 = arith.addi %parallel_loop3A_158, %mul3A_5 : vector<16xi32>
        %parallel_loop3A_160 = arith.constant 1 : i32
        %parallel_loop3A_161 = vector.broadcast %parallel_loop3A_160 : i32 to vector<16xi32>
        %parallel_loop3A_162 = arith.addi %parallel_loop3A_159, %parallel_loop3A_161 : vector<16xi32>
        %parallel_loop3A_163 = tpu.vector_load_idx %arg12[%parallel_loop3A_162] : memref<1280xf32, #tpu.memory_space<vmem>>[vector<16xi32>], vector<16xf32>,
        %parallel_loop3A_164 = arith.addf %parallel_loop3A_157, %parallel_loop3A_163 : vector<16xf32>
        %parallel_loop3A_165 = vector.broadcast %parallel_loop3A_154 : i32 to vector<16xi32>
        %parallel_loop3A_166 = arith.addi %parallel_loop3A_165, %mul3A_5 : vector<16xi32>
        %parallel_loop3A_167 = arith.constant 2 : i32
        %parallel_loop3A_168 = vector.broadcast %parallel_loop3A_167 : i32 to vector<16xi32>
        %parallel_loop3A_169 = arith.addi %parallel_loop3A_166, %parallel_loop3A_168 : vector<16xi32>
        %parallel_loop3A_170 = tpu.vector_load_idx %arg12[%parallel_loop3A_169] : memref<1280xf32, #tpu.memory_space<vmem>>[vector<16xi32>], vector<16xf32>,
        %parallel_loop3A_171 = arith.addf %parallel_loop3A_164, %parallel_loop3A_170 : vector<16xf32>
        %parallel_loop3A_172 = vector.broadcast %parallel_loop3A_154 : i32 to vector<16xi32>
        %parallel_loop3A_173 = arith.addi %parallel_loop3A_172, %mul3A_5 : vector<16xi32>
        %parallel_loop3A_174 = arith.constant 3 : i32
        %parallel_loop3A_175 = vector.broadcast %parallel_loop3A_174 : i32 to vector<16xi32>
        %parallel_loop3A_176 = arith.addi %parallel_loop3A_173, %parallel_loop3A_175 : vector<16xi32>
        %parallel_loop3A_177 = tpu.vector_load_idx %arg12[%parallel_loop3A_176] : memref<1280xf32, #tpu.memory_space<vmem>>[vector<16xi32>], vector<16xf32>,
        %parallel_loop3A_178 = arith.addf %parallel_loop3A_171, %parallel_loop3A_177 : vector<16xf32>
        %parallel_loop3A_179 = vector.broadcast %parallel_loop3A_154 : i32 to vector<16xi32>
        %parallel_loop3A_180 = arith.addi %parallel_loop3A_179, %mul3A_5 : vector<16xi32>
        %parallel_loop3A_181 = arith.constant 4 : i32
        %parallel_loop3A_182 = vector.broadcast %parallel_loop3A_181 : i32 to vector<16xi32>
        %parallel_loop3A_183 = arith.addi %parallel_loop3A_180, %parallel_loop3A_182 : vector<16xi32>
        %parallel_loop3A_184 = tpu.vector_load_idx %arg12[%parallel_loop3A_183] : memref<1280xf32, #tpu.memory_space<vmem>>[vector<16xi32>], vector<16xf32>,
        %parallel_loop3A_185 = arith.addf %parallel_loop3A_178, %parallel_loop3A_184 : vector<16xf32>
        %parallel_loop3A_186 = vector.broadcast %parallel_loop3A_154 : i32 to vector<16xi32>
        %parallel_loop3A_187 = arith.addi %parallel_loop3A_186, %mul3A_5 : vector<16xi32>
        %parallel_loop3A_188 = arith.constant 5 : i32
        %parallel_loop3A_189 = vector.broadcast %parallel_loop3A_188 : i32 to vector<16xi32>
        %parallel_loop3A_190 = arith.addi %parallel_loop3A_187, %parallel_loop3A_189 : vector<16xi32>
        %parallel_loop3A_191 = tpu.vector_load_idx %arg12[%parallel_loop3A_190] : memref<1280xf32, #tpu.memory_space<vmem>>[vector<16xi32>], vector<16xf32>,
        %parallel_loop3A_192 = arith.addf %parallel_loop3A_185, %parallel_loop3A_191 : vector<16xf32>
        %parallel_loop3A_193 = vector.broadcast %parallel_loop3A_154 : i32 to vector<16xi32>
        %parallel_loop3A_194 = arith.addi %parallel_loop3A_193, %mul3A_5 : vector<16xi32>
        %parallel_loop3A_195 = arith.constant 6 : i32
        %parallel_loop3A_196 = vector.broadcast %parallel_loop3A_195 : i32 to vector<16xi32>
        %parallel_loop3A_197 = arith.addi %parallel_loop3A_194, %parallel_loop3A_196 : vector<16xi32>
        %parallel_loop3A_198 = tpu.vector_load_idx %arg12[%parallel_loop3A_197] : memref<1280xf32, #tpu.memory_space<vmem>>[vector<16xi32>], vector<16xf32>,
        %parallel_loop3A_199 = arith.addf %parallel_loop3A_192, %parallel_loop3A_198 : vector<16xf32>
        %parallel_loop3A_200 = vector.broadcast %parallel_loop3A_154 : i32 to vector<16xi32>
        %parallel_loop3A_201 = arith.addi %parallel_loop3A_200, %mul3A_5 : vector<16xi32>
        %parallel_loop3A_202 = arith.constant 7 : i32
        %parallel_loop3A_203 = vector.broadcast %parallel_loop3A_202 : i32 to vector<16xi32>
        %parallel_loop3A_204 = arith.addi %parallel_loop3A_201, %parallel_loop3A_203 : vector<16xi32>
        %parallel_loop3A_205 = tpu.vector_load_idx %arg12[%parallel_loop3A_204] : memref<1280xf32, #tpu.memory_space<vmem>>[vector<16xi32>], vector<16xf32>,
        %parallel_loop3A_206 = arith.addf %parallel_loop3A_199, %parallel_loop3A_205 : vector<16xf32>
        %parallel_loop3A_207 = vector.broadcast %parallel_loop3A_154 : i32 to vector<16xi32>
        %parallel_loop3A_208 = arith.addi %parallel_loop3A_207, %mul3A_5 : vector<16xi32>
        %parallel_loop3A_209 = arith.constant 8 : i32
        %parallel_loop3A_210 = vector.broadcast %parallel_loop3A_209 : i32 to vector<16xi32>
        %parallel_loop3A_211 = arith.addi %parallel_loop3A_208, %parallel_loop3A_210 : vector<16xi32>
        %parallel_loop3A_212 = tpu.vector_load_idx %arg12[%parallel_loop3A_211] : memref<1280xf32, #tpu.memory_space<vmem>>[vector<16xi32>], vector<16xf32>,
        %parallel_loop3A_213 = arith.addf %parallel_loop3A_206, %parallel_loop3A_212 : vector<16xf32>
        %parallel_loop3A_214 = vector.broadcast %parallel_loop3A_154 : i32 to vector<16xi32>
        %parallel_loop3A_215 = arith.addi %parallel_loop3A_214, %mul3A_5 : vector<16xi32>
        %parallel_loop3A_216 = arith.constant 9 : i32
        %parallel_loop3A_217 = vector.broadcast %parallel_loop3A_216 : i32 to vector<16xi32>
        %parallel_loop3A_218 = arith.addi %parallel_loop3A_215, %parallel_loop3A_217 : vector<16xi32>
        %parallel_loop3A_219 = tpu.vector_load_idx %arg12[%parallel_loop3A_218] : memref<1280xf32, #tpu.memory_space<vmem>>[vector<16xi32>], vector<16xf32>,
        %parallel_loop3A_220 = arith.addf %parallel_loop3A_213, %parallel_loop3A_219 : vector<16xf32>
        %parallel_loop3A_221 = vector.broadcast %parallel_loop3A_154 : i32 to vector<16xi32>
        %parallel_loop3A_222 = arith.addi %parallel_loop3A_221, %mul3A_5 : vector<16xi32>
        %parallel_loop3A_223 = arith.constant 10 : i32
        %parallel_loop3A_224 = vector.broadcast %parallel_loop3A_223 : i32 to vector<16xi32>
        %parallel_loop3A_225 = arith.addi %parallel_loop3A_222, %parallel_loop3A_224 : vector<16xi32>
        %parallel_loop3A_226 = tpu.vector_load_idx %arg12[%parallel_loop3A_225] : memref<1280xf32, #tpu.memory_space<vmem>>[vector<16xi32>], vector<16xf32>,
        %parallel_loop3A_227 = arith.addf %parallel_loop3A_220, %parallel_loop3A_226 : vector<16xf32>
        %parallel_loop3A_228 = vector.broadcast %parallel_loop3A_154 : i32 to vector<16xi32>
        %parallel_loop3A_229 = arith.addi %parallel_loop3A_228, %mul3A_5 : vector<16xi32>
        %parallel_loop3A_230 = arith.constant 11 : i32
        %parallel_loop3A_231 = vector.broadcast %parallel_loop3A_230 : i32 to vector<16xi32>
        %parallel_loop3A_232 = arith.addi %parallel_loop3A_229, %parallel_loop3A_231 : vector<16xi32>
        %parallel_loop3A_233 = tpu.vector_load_idx %arg12[%parallel_loop3A_232] : memref<1280xf32, #tpu.memory_space<vmem>>[vector<16xi32>], vector<16xf32>,
        %parallel_loop3A_234 = arith.addf %parallel_loop3A_227, %parallel_loop3A_233 : vector<16xf32>
        %parallel_loop3A_235 = vector.broadcast %parallel_loop3A_154 : i32 to vector<16xi32>
        %parallel_loop3A_236 = arith.addi %parallel_loop3A_235, %mul3A_5 : vector<16xi32>
        %parallel_loop3A_237 = arith.constant 12 : i32
        %parallel_loop3A_238 = vector.broadcast %parallel_loop3A_237 : i32 to vector<16xi32>
        %parallel_loop3A_239 = arith.addi %parallel_loop3A_236, %parallel_loop3A_238 : vector<16xi32>
        %parallel_loop3A_240 = tpu.vector_load_idx %arg12[%parallel_loop3A_239] : memref<1280xf32, #tpu.memory_space<vmem>>[vector<16xi32>], vector<16xf32>,
        %parallel_loop3A_241 = arith.addf %parallel_loop3A_234, %parallel_loop3A_240 : vector<16xf32>
        %parallel_loop3A_242 = vector.broadcast %parallel_loop3A_154 : i32 to vector<16xi32>
        %parallel_loop3A_243 = arith.addi %parallel_loop3A_242, %mul3A_5 : vector<16xi32>
        %parallel_loop3A_244 = arith.constant 13 : i32
        %parallel_loop3A_245 = vector.broadcast %parallel_loop3A_244 : i32 to vector<16xi32>
        %parallel_loop3A_246 = arith.addi %parallel_loop3A_243, %parallel_loop3A_245 : vector<16xi32>
        %parallel_loop3A_247 = tpu.vector_load_idx %arg12[%parallel_loop3A_246] : memref<1280xf32, #tpu.memory_space<vmem>>[vector<16xi32>], vector<16xf32>,
        %parallel_loop3A_248 = arith.addf %parallel_loop3A_241, %parallel_loop3A_247 : vector<16xf32>
        %parallel_loop3A_249 = vector.broadcast %parallel_loop3A_154 : i32 to vector<16xi32>
        %parallel_loop3A_250 = arith.addi %parallel_loop3A_249, %mul3A_5 : vector<16xi32>
        %parallel_loop3A_251 = arith.constant 14 : i32
        %parallel_loop3A_252 = vector.broadcast %parallel_loop3A_251 : i32 to vector<16xi32>
        %parallel_loop3A_253 = arith.addi %parallel_loop3A_250, %parallel_loop3A_252 : vector<16xi32>
        %parallel_loop3A_254 = tpu.vector_load_idx %arg12[%parallel_loop3A_253] : memref<1280xf32, #tpu.memory_space<vmem>>[vector<16xi32>], vector<16xf32>,
        %parallel_loop3A_255 = arith.addf %parallel_loop3A_248, %parallel_loop3A_254 : vector<16xf32>
        %parallel_loop3A_256 = vector.broadcast %parallel_loop3A_154 : i32 to vector<16xi32>
        %parallel_loop3A_257 = arith.addi %parallel_loop3A_256, %mul3A_5 : vector<16xi32>
        %parallel_loop3A_258 = arith.constant 15 : i32
        %parallel_loop3A_259 = vector.broadcast %parallel_loop3A_258 : i32 to vector<16xi32>
        %parallel_loop3A_260 = arith.addi %parallel_loop3A_257, %parallel_loop3A_259 : vector<16xi32>
        %parallel_loop3A_261 = tpu.vector_load_idx %arg12[%parallel_loop3A_260] : memref<1280xf32, #tpu.memory_space<vmem>>[vector<16xi32>], vector<16xf32>,
        %parallel_loop3A_262 = arith.addf %parallel_loop3A_255, %parallel_loop3A_261 : vector<16xf32>
        %parallel_loop3A_263 = arith.constant 80 : i32
        %parallel_loop3A_264 = arith.muli %mul3A_105, %parallel_loop3A_263 : i32
        %parallel_loop3A_265 = arith.constant 16 : i32
        %parallel_loop3A_266 = arith.muli %parallel_loop3A_150, %parallel_loop3A_265 : i32
        %parallel_loop3A_267 = arith.addi %parallel_loop3A_264, %parallel_loop3A_266 : i32
        %parallel_loop3A_268 = arith.index_cast %parallel_loop3A_267 : i32 to index
        %parallel_loop3A_269 = tpu.vector_load %arg11[%parallel_loop3A_268] {strides = array<i32>} : memref<10080xf32, #tpu.memory_space<vmem>>, vector<16xf32>,
        tpu.vector_store %arg11[%parallel_loop3A_268], %parallel_loop3A_262 {strides = array<i32>} : memref<10080xf32, #tpu.memory_space<vmem>>, vector<16xf32>,
      } {sc.loop_unroll_factor = 1 : i64, sc.parallel_access}
      %add3A_121 = arith.constant 2 : i32
      %add3A_122 = arith.addi %mul3A_105, %add3A_121 : i32
      %lt3A = arith.constant 126 : i32
      %lt3A_123 = arith.cmpi slt, %add3A_122, %lt3A : i32
      %convert_element_type3A = arith.extui %lt3A_123 : i1 to i32
      %cond3A = arith.constant 0 : i32
      %cond3A_124 = arith.cmpi ne, %convert_element_type3A, %cond3A : i32
      scf.if %cond3A_124 {
        %add3A_150 = arith.constant 2 : i32
        %add3A_151 = arith.addi %mul3A_105, %add3A_150 : i32
        %mul3A_152 = arith.constant 80 : i32
        %mul3A_153 = arith.muli %add3A_151, %mul3A_152 : i32
        %dma_start3A_154 = tpu.memref_slice %arg5[%mul3A_153] : memref<10080xi32, #tpu.memory_space<vmem>> -> memref<80xi32, #tpu.memory_space<vmem>>
        %dma_start3A_155 = arith.constant 0 : i32
        %dma_start3A_156 = arith.constant 0 : i32
        %dma_start3A_157 = tpu.memref_slice %arg15[%dma_start3A_155, %dma_start3A_156] : memref<10000x64xi32, #tpu.memory_space<vmem_shared>> -> memref<10000x64xi32, #tpu.memory_space<vmem_shared>>
        tpu.enqueue_indirect_dma source(%dma_start3A_157 : memref<10000x64xi32, #tpu.memory_space<vmem_shared>>) target(%arg7 : memref<80x64xi32, #tpu.memory_space<vmem>>) offsets(%dma_start3A_154 : memref<80xi32, #tpu.memory_space<vmem>>) semaphore(%arg16 : memref<!tpu.dma_semaphore, #tpu.memory_space<semaphore_mem>>)
        %mul3A_158 = arith.constant 80 : i32
        %mul3A_159 = arith.muli %add3A_151, %mul3A_158 : i32
        %dma_start3A_160 = tpu.memref_slice %arg6[%mul3A_159] : memref<10080xi32, #tpu.memory_space<vmem>> -> memref<80xi32, #tpu.memory_space<vmem>>
        %dma_start3A_161 = arith.constant 0 : i32
        %dma_start3A_162 = arith.constant 0 : i32
        %dma_start3A_163 = tpu.memref_slice %arg15[%dma_start3A_161, %dma_start3A_162] : memref<10000x64xi32, #tpu.memory_space<vmem_shared>> -> memref<10000x64xi32, #tpu.memory_space<vmem_shared>>
        tpu.enqueue_indirect_dma source(%dma_start3A_163 : memref<10000x64xi32, #tpu.memory_space<vmem_shared>>) target(%arg8 : memref<80x64xi32, #tpu.memory_space<vmem>>) offsets(%dma_start3A_160 : memref<80xi32, #tpu.memory_space<vmem>>) semaphore(%arg16 : memref<!tpu.dma_semaphore, #tpu.memory_space<semaphore_mem>>)
      } else {
      }
      %dma_wait3A_125 = arith.constant 0 : i32
      %dma_wait3A_126 = tpu.memref_slice %arg5[%dma_wait3A_125] : memref<10080xi32, #tpu.memory_space<vmem>> -> memref<80xi32, #tpu.memory_space<vmem>>
      %dma_wait3A_127 = arith.constant 0 : i32
      %dma_wait3A_128 = arith.constant 0 : i32
      %dma_wait3A_129 = tpu.memref_slice %arg15[%dma_wait3A_127, %dma_wait3A_128] : memref<10000x64xi32, #tpu.memory_space<vmem_shared>> -> memref<10000x64xi32, #tpu.memory_space<vmem_shared>>
      tpu.wait_indirect_dma semaphore(%arg17 : memref<!tpu.dma_semaphore, #tpu.memory_space<semaphore_mem>>) src(%dma_wait3A_129 : memref<10000x64xi32, #tpu.memory_space<vmem_shared>>) dst(%arg9 : memref<80x64xi32, #tpu.memory_space<vmem>>)
      %dma_wait3A_130 = arith.constant 0 : i32
      %dma_wait3A_131 = tpu.memref_slice %arg6[%dma_wait3A_130] : memref<10080xi32, #tpu.memory_space<vmem>> -> memref<80xi32, #tpu.memory_space<vmem>>
      %dma_wait3A_132 = arith.constant 0 : i32
      %dma_wait3A_133 = arith.constant 0 : i32
      %dma_wait3A_134 = tpu.memref_slice %arg15[%dma_wait3A_132, %dma_wait3A_133] : memref<10000x64xi32, #tpu.memory_space<vmem_shared>> -> memref<10000x64xi32, #tpu.memory_space<vmem_shared>>
      tpu.wait_indirect_dma semaphore(%arg17 : memref<!tpu.dma_semaphore, #tpu.memory_space<semaphore_mem>>) src(%dma_wait3A_134 : memref<10000x64xi32, #tpu.memory_space<vmem_shared>>) dst(%arg10 : memref<80x64xi32, #tpu.memory_space<vmem>>)
      %add3A_135 = arith.constant 1 : i32
      %add3A_136 = arith.addi %mul3A_105, %add3A_135 : i32
      %parallel_loop3A_137 = arith.constant 0 : i32
      %parallel_loop3A_138 = arith.constant 80 : i32
      %parallel_loop3A_139 = arith.constant 1 : i32
      scf.for %parallel_loop3A_150 = %parallel_loop3A_137 to %parallel_loop3A_138 step %parallel_loop3A_139  : i32 {
        %parallel_loop3A_151 = arith.index_cast %parallel_loop3A_150 : i32 to index
        %parallel_loop3A_152 = arith.constant 0 : index
        %parallel_loop3A_153 = tpu.vector_load %arg9[%parallel_loop3A_151, %parallel_loop3A_152] {strides = array<i32>} : memref<80x64xi32, #tpu.memory_space<vmem>>, vector<16xi32>,
        %parallel_loop3A_154 = vector.bitcast %parallel_loop3A_153 : vector<16xi32> to vector<32xbf16>
        %parallel_loop3A_155 = arith.index_cast %parallel_loop3A_150 : i32 to index
        %parallel_loop3A_156 = arith.constant 0 : index
        %parallel_loop3A_157 = tpu.vector_load %arg10[%parallel_loop3A_155, %parallel_loop3A_156] {strides = array<i32>} : memref<80x64xi32, #tpu.memory_space<vmem>>, vector<16xi32>,
        %parallel_loop3A_158 = vector.bitcast %parallel_loop3A_157 : vector<16xi32> to vector<32xbf16>
        %parallel_loop3A_159 = arith.mulf %parallel_loop3A_154, %parallel_loop3A_158 : vector<32xbf16>
        %parallel_loop3A_160 = arith.index_cast %parallel_loop3A_150 : i32 to index
        %parallel_loop3A_161 = arith.constant 16 : index
        %parallel_loop3A_162 = tpu.vector_load %arg9[%parallel_loop3A_160, %parallel_loop3A_161] {strides = array<i32>} : memref<80x64xi32, #tpu.memory_space<vmem>>, vector<16xi32>,
        %parallel_loop3A_163 = vector.bitcast %parallel_loop3A_162 : vector<16xi32> to vector<32xbf16>
        %parallel_loop3A_164 = arith.index_cast %parallel_loop3A_150 : i32 to index
        %parallel_loop3A_165 = arith.constant 16 : index
        %parallel_loop3A_166 = tpu.vector_load %arg10[%parallel_loop3A_164, %parallel_loop3A_165] {strides = array<i32>} : memref<80x64xi32, #tpu.memory_space<vmem>>, vector<16xi32>,
        %parallel_loop3A_167 = vector.bitcast %parallel_loop3A_166 : vector<16xi32> to vector<32xbf16>
        %parallel_loop3A_168 = arith.mulf %parallel_loop3A_163, %parallel_loop3A_167 : vector<32xbf16>
        %parallel_loop3A_169 = arith.addf %parallel_loop3A_159, %parallel_loop3A_168 : vector<32xbf16>
        %parallel_loop3A_170 = arith.index_cast %parallel_loop3A_150 : i32 to index
        %parallel_loop3A_171 = arith.constant 32 : index
        %parallel_loop3A_172 = tpu.vector_load %arg9[%parallel_loop3A_170, %parallel_loop3A_171] {strides = array<i32>} : memref<80x64xi32, #tpu.memory_space<vmem>>, vector<16xi32>,
        %parallel_loop3A_173 = vector.bitcast %parallel_loop3A_172 : vector<16xi32> to vector<32xbf16>
        %parallel_loop3A_174 = arith.index_cast %parallel_loop3A_150 : i32 to index
        %parallel_loop3A_175 = arith.constant 32 : index
        %parallel_loop3A_176 = tpu.vector_load %arg10[%parallel_loop3A_174, %parallel_loop3A_175] {strides = array<i32>} : memref<80x64xi32, #tpu.memory_space<vmem>>, vector<16xi32>,
        %parallel_loop3A_177 = vector.bitcast %parallel_loop3A_176 : vector<16xi32> to vector<32xbf16>
        %parallel_loop3A_178 = arith.mulf %parallel_loop3A_173, %parallel_loop3A_177 : vector<32xbf16>
        %parallel_loop3A_179 = arith.addf %parallel_loop3A_169, %parallel_loop3A_178 : vector<32xbf16>
        %parallel_loop3A_180 = arith.index_cast %parallel_loop3A_150 : i32 to index
        %parallel_loop3A_181 = arith.constant 48 : index
        %parallel_loop3A_182 = tpu.vector_load %arg9[%parallel_loop3A_180, %parallel_loop3A_181] {strides = array<i32>} : memref<80x64xi32, #tpu.memory_space<vmem>>, vector<16xi32>,
        %parallel_loop3A_183 = vector.bitcast %parallel_loop3A_182 : vector<16xi32> to vector<32xbf16>
        %parallel_loop3A_184 = arith.index_cast %parallel_loop3A_150 : i32 to index
        %parallel_loop3A_185 = arith.constant 48 : index
        %parallel_loop3A_186 = tpu.vector_load %arg10[%parallel_loop3A_184, %parallel_loop3A_185] {strides = array<i32>} : memref<80x64xi32, #tpu.memory_space<vmem>>, vector<16xi32>,
        %parallel_loop3A_187 = vector.bitcast %parallel_loop3A_186 : vector<16xi32> to vector<32xbf16>
        %parallel_loop3A_188 = arith.mulf %parallel_loop3A_183, %parallel_loop3A_187 : vector<32xbf16>
        %parallel_loop3A_189 = arith.addf %parallel_loop3A_179, %parallel_loop3A_188 : vector<32xbf16>
        %parallel_loop3A_190 = tpu.unpack_subelements %parallel_loop3A_189, 0 {pack_format = #tpu.pack_format<interleaved>} : vector<32xbf16> -> vector<16xf32>
        %parallel_loop3A_191 = tpu.unpack_subelements %parallel_loop3A_189, 1 {pack_format = #tpu.pack_format<interleaved>} : vector<32xbf16> -> vector<16xf32>
        %parallel_loop3A_192 = arith.addf %parallel_loop3A_190, %parallel_loop3A_191 : vector<16xf32>
        %parallel_loop3A_193 = arith.constant 16 : i32
        %parallel_loop3A_194 = arith.muli %parallel_loop3A_150, %parallel_loop3A_193 : i32
        %parallel_loop3A_195 = arith.index_cast %parallel_loop3A_194 : i32 to index
        %parallel_loop3A_196 = tpu.vector_load %arg12[%parallel_loop3A_195] {strides = array<i32>} : memref<1280xf32, #tpu.memory_space<vmem>>, vector<16xf32>,
        tpu.vector_store %arg12[%parallel_loop3A_195], %parallel_loop3A_192 {strides = array<i32>} : memref<1280xf32, #tpu.memory_space<vmem>>, vector<16xf32>,
      } {sc.loop_unroll_factor = 4 : i64, sc.parallel_access}
      %parallel_loop3A_140 = arith.constant 0 : i32
      %parallel_loop3A_141 = arith.constant 5 : i32
      %parallel_loop3A_142 = arith.constant 1 : i32
      scf.for %parallel_loop3A_150 = %parallel_loop3A_140 to %parallel_loop3A_141 step %parallel_loop3A_142  : i32 {
        %parallel_loop3A_151 = arith.constant 16 : i32
        %parallel_loop3A_152 = arith.muli %parallel_loop3A_150, %parallel_loop3A_151 : i32
        %parallel_loop3A_153 = arith.constant 16 : i32
        %parallel_loop3A_154 = arith.muli %parallel_loop3A_152, %parallel_loop3A_153 : i32
        %parallel_loop3A_155 = vector.broadcast %parallel_loop3A_154 : i32 to vector<16xi32>
        %parallel_loop3A_156 = arith.addi %parallel_loop3A_155, %mul3A_5 : vector<16xi32>
        %parallel_loop3A_157 = tpu.vector_load_idx %arg12[%parallel_loop3A_156] : memref<1280xf32, #tpu.memory_space<vmem>>[vector<16xi32>], vector<16xf32>,
        %parallel_loop3A_158 = vector.broadcast %parallel_loop3A_154 : i32 to vector<16xi32>
        %parallel_loop3A_159 = arith.addi %parallel_loop3A_158, %mul3A_5 : vector<16xi32>
        %parallel_loop3A_160 = arith.constant 1 : i32
        %parallel_loop3A_161 = vector.broadcast %parallel_loop3A_160 : i32 to vector<16xi32>
        %parallel_loop3A_162 = arith.addi %parallel_loop3A_159, %parallel_loop3A_161 : vector<16xi32>
        %parallel_loop3A_163 = tpu.vector_load_idx %arg12[%parallel_loop3A_162] : memref<1280xf32, #tpu.memory_space<vmem>>[vector<16xi32>], vector<16xf32>,
        %parallel_loop3A_164 = arith.addf %parallel_loop3A_157, %parallel_loop3A_163 : vector<16xf32>
        %parallel_loop3A_165 = vector.broadcast %parallel_loop3A_154 : i32 to vector<16xi32>
        %parallel_loop3A_166 = arith.addi %parallel_loop3A_165, %mul3A_5 : vector<16xi32>
        %parallel_loop3A_167 = arith.constant 2 : i32
        %parallel_loop3A_168 = vector.broadcast %parallel_loop3A_167 : i32 to vector<16xi32>
        %parallel_loop3A_169 = arith.addi %parallel_loop3A_166, %parallel_loop3A_168 : vector<16xi32>
        %parallel_loop3A_170 = tpu.vector_load_idx %arg12[%parallel_loop3A_169] : memref<1280xf32, #tpu.memory_space<vmem>>[vector<16xi32>], vector<16xf32>,
        %parallel_loop3A_171 = arith.addf %parallel_loop3A_164, %parallel_loop3A_170 : vector<16xf32>
        %parallel_loop3A_172 = vector.broadcast %parallel_loop3A_154 : i32 to vector<16xi32>
        %parallel_loop3A_173 = arith.addi %parallel_loop3A_172, %mul3A_5 : vector<16xi32>
        %parallel_loop3A_174 = arith.constant 3 : i32
        %parallel_loop3A_175 = vector.broadcast %parallel_loop3A_174 : i32 to vector<16xi32>
        %parallel_loop3A_176 = arith.addi %parallel_loop3A_173, %parallel_loop3A_175 : vector<16xi32>
        %parallel_loop3A_177 = tpu.vector_load_idx %arg12[%parallel_loop3A_176] : memref<1280xf32, #tpu.memory_space<vmem>>[vector<16xi32>], vector<16xf32>,
        %parallel_loop3A_178 = arith.addf %parallel_loop3A_171, %parallel_loop3A_177 : vector<16xf32>
        %parallel_loop3A_179 = vector.broadcast %parallel_loop3A_154 : i32 to vector<16xi32>
        %parallel_loop3A_180 = arith.addi %parallel_loop3A_179, %mul3A_5 : vector<16xi32>
        %parallel_loop3A_181 = arith.constant 4 : i32
        %parallel_loop3A_182 = vector.broadcast %parallel_loop3A_181 : i32 to vector<16xi32>
        %parallel_loop3A_183 = arith.addi %parallel_loop3A_180, %parallel_loop3A_182 : vector<16xi32>
        %parallel_loop3A_184 = tpu.vector_load_idx %arg12[%parallel_loop3A_183] : memref<1280xf32, #tpu.memory_space<vmem>>[vector<16xi32>], vector<16xf32>,
        %parallel_loop3A_185 = arith.addf %parallel_loop3A_178, %parallel_loop3A_184 : vector<16xf32>
        %parallel_loop3A_186 = vector.broadcast %parallel_loop3A_154 : i32 to vector<16xi32>
        %parallel_loop3A_187 = arith.addi %parallel_loop3A_186, %mul3A_5 : vector<16xi32>
        %parallel_loop3A_188 = arith.constant 5 : i32
        %parallel_loop3A_189 = vector.broadcast %parallel_loop3A_188 : i32 to vector<16xi32>
        %parallel_loop3A_190 = arith.addi %parallel_loop3A_187, %parallel_loop3A_189 : vector<16xi32>
        %parallel_loop3A_191 = tpu.vector_load_idx %arg12[%parallel_loop3A_190] : memref<1280xf32, #tpu.memory_space<vmem>>[vector<16xi32>], vector<16xf32>,
        %parallel_loop3A_192 = arith.addf %parallel_loop3A_185, %parallel_loop3A_191 : vector<16xf32>
        %parallel_loop3A_193 = vector.broadcast %parallel_loop3A_154 : i32 to vector<16xi32>
        %parallel_loop3A_194 = arith.addi %parallel_loop3A_193, %mul3A_5 : vector<16xi32>
        %parallel_loop3A_195 = arith.constant 6 : i32
        %parallel_loop3A_196 = vector.broadcast %parallel_loop3A_195 : i32 to vector<16xi32>
        %parallel_loop3A_197 = arith.addi %parallel_loop3A_194, %parallel_loop3A_196 : vector<16xi32>
        %parallel_loop3A_198 = tpu.vector_load_idx %arg12[%parallel_loop3A_197] : memref<1280xf32, #tpu.memory_space<vmem>>[vector<16xi32>], vector<16xf32>,
        %parallel_loop3A_199 = arith.addf %parallel_loop3A_192, %parallel_loop3A_198 : vector<16xf32>
        %parallel_loop3A_200 = vector.broadcast %parallel_loop3A_154 : i32 to vector<16xi32>
        %parallel_loop3A_201 = arith.addi %parallel_loop3A_200, %mul3A_5 : vector<16xi32>
        %parallel_loop3A_202 = arith.constant 7 : i32
        %parallel_loop3A_203 = vector.broadcast %parallel_loop3A_202 : i32 to vector<16xi32>
        %parallel_loop3A_204 = arith.addi %parallel_loop3A_201, %parallel_loop3A_203 : vector<16xi32>
        %parallel_loop3A_205 = tpu.vector_load_idx %arg12[%parallel_loop3A_204] : memref<1280xf32, #tpu.memory_space<vmem>>[vector<16xi32>], vector<16xf32>,
        %parallel_loop3A_206 = arith.addf %parallel_loop3A_199, %parallel_loop3A_205 : vector<16xf32>
        %parallel_loop3A_207 = vector.broadcast %parallel_loop3A_154 : i32 to vector<16xi32>
        %parallel_loop3A_208 = arith.addi %parallel_loop3A_207, %mul3A_5 : vector<16xi32>
        %parallel_loop3A_209 = arith.constant 8 : i32
        %parallel_loop3A_210 = vector.broadcast %parallel_loop3A_209 : i32 to vector<16xi32>
        %parallel_loop3A_211 = arith.addi %parallel_loop3A_208, %parallel_loop3A_210 : vector<16xi32>
        %parallel_loop3A_212 = tpu.vector_load_idx %arg12[%parallel_loop3A_211] : memref<1280xf32, #tpu.memory_space<vmem>>[vector<16xi32>], vector<16xf32>,
        %parallel_loop3A_213 = arith.addf %parallel_loop3A_206, %parallel_loop3A_212 : vector<16xf32>
        %parallel_loop3A_214 = vector.broadcast %parallel_loop3A_154 : i32 to vector<16xi32>
        %parallel_loop3A_215 = arith.addi %parallel_loop3A_214, %mul3A_5 : vector<16xi32>
        %parallel_loop3A_216 = arith.constant 9 : i32
        %parallel_loop3A_217 = vector.broadcast %parallel_loop3A_216 : i32 to vector<16xi32>
        %parallel_loop3A_218 = arith.addi %parallel_loop3A_215, %parallel_loop3A_217 : vector<16xi32>
        %parallel_loop3A_219 = tpu.vector_load_idx %arg12[%parallel_loop3A_218] : memref<1280xf32, #tpu.memory_space<vmem>>[vector<16xi32>], vector<16xf32>,
        %parallel_loop3A_220 = arith.addf %parallel_loop3A_213, %parallel_loop3A_219 : vector<16xf32>
        %parallel_loop3A_221 = vector.broadcast %parallel_loop3A_154 : i32 to vector<16xi32>
        %parallel_loop3A_222 = arith.addi %parallel_loop3A_221, %mul3A_5 : vector<16xi32>
        %parallel_loop3A_223 = arith.constant 10 : i32
        %parallel_loop3A_224 = vector.broadcast %parallel_loop3A_223 : i32 to vector<16xi32>
        %parallel_loop3A_225 = arith.addi %parallel_loop3A_222, %parallel_loop3A_224 : vector<16xi32>
        %parallel_loop3A_226 = tpu.vector_load_idx %arg12[%parallel_loop3A_225] : memref<1280xf32, #tpu.memory_space<vmem>>[vector<16xi32>], vector<16xf32>,
        %parallel_loop3A_227 = arith.addf %parallel_loop3A_220, %parallel_loop3A_226 : vector<16xf32>
        %parallel_loop3A_228 = vector.broadcast %parallel_loop3A_154 : i32 to vector<16xi32>
        %parallel_loop3A_229 = arith.addi %parallel_loop3A_228, %mul3A_5 : vector<16xi32>
        %parallel_loop3A_230 = arith.constant 11 : i32
        %parallel_loop3A_231 = vector.broadcast %parallel_loop3A_230 : i32 to vector<16xi32>
        %parallel_loop3A_232 = arith.addi %parallel_loop3A_229, %parallel_loop3A_231 : vector<16xi32>
        %parallel_loop3A_233 = tpu.vector_load_idx %arg12[%parallel_loop3A_232] : memref<1280xf32, #tpu.memory_space<vmem>>[vector<16xi32>], vector<16xf32>,
        %parallel_loop3A_234 = arith.addf %parallel_loop3A_227, %parallel_loop3A_233 : vector<16xf32>
        %parallel_loop3A_235 = vector.broadcast %parallel_loop3A_154 : i32 to vector<16xi32>
        %parallel_loop3A_236 = arith.addi %parallel_loop3A_235, %mul3A_5 : vector<16xi32>
        %parallel_loop3A_237 = arith.constant 12 : i32
        %parallel_loop3A_238 = vector.broadcast %parallel_loop3A_237 : i32 to vector<16xi32>
        %parallel_loop3A_239 = arith.addi %parallel_loop3A_236, %parallel_loop3A_238 : vector<16xi32>
        %parallel_loop3A_240 = tpu.vector_load_idx %arg12[%parallel_loop3A_239] : memref<1280xf32, #tpu.memory_space<vmem>>[vector<16xi32>], vector<16xf32>,
        %parallel_loop3A_241 = arith.addf %parallel_loop3A_234, %parallel_loop3A_240 : vector<16xf32>
        %parallel_loop3A_242 = vector.broadcast %parallel_loop3A_154 : i32 to vector<16xi32>
        %parallel_loop3A_243 = arith.addi %parallel_loop3A_242, %mul3A_5 : vector<16xi32>
        %parallel_loop3A_244 = arith.constant 13 : i32
        %parallel_loop3A_245 = vector.broadcast %parallel_loop3A_244 : i32 to vector<16xi32>
        %parallel_loop3A_246 = arith.addi %parallel_loop3A_243, %parallel_loop3A_245 : vector<16xi32>
        %parallel_loop3A_247 = tpu.vector_load_idx %arg12[%parallel_loop3A_246] : memref<1280xf32, #tpu.memory_space<vmem>>[vector<16xi32>], vector<16xf32>,
        %parallel_loop3A_248 = arith.addf %parallel_loop3A_241, %parallel_loop3A_247 : vector<16xf32>
        %parallel_loop3A_249 = vector.broadcast %parallel_loop3A_154 : i32 to vector<16xi32>
        %parallel_loop3A_250 = arith.addi %parallel_loop3A_249, %mul3A_5 : vector<16xi32>
        %parallel_loop3A_251 = arith.constant 14 : i32
        %parallel_loop3A_252 = vector.broadcast %parallel_loop3A_251 : i32 to vector<16xi32>
        %parallel_loop3A_253 = arith.addi %parallel_loop3A_250, %parallel_loop3A_252 : vector<16xi32>
        %parallel_loop3A_254 = tpu.vector_load_idx %arg12[%parallel_loop3A_253] : memref<1280xf32, #tpu.memory_space<vmem>>[vector<16xi32>], vector<16xf32>,
        %parallel_loop3A_255 = arith.addf %parallel_loop3A_248, %parallel_loop3A_254 : vector<16xf32>
        %parallel_loop3A_256 = vector.broadcast %parallel_loop3A_154 : i32 to vector<16xi32>
        %parallel_loop3A_257 = arith.addi %parallel_loop3A_256, %mul3A_5 : vector<16xi32>
        %parallel_loop3A_258 = arith.constant 15 : i32
        %parallel_loop3A_259 = vector.broadcast %parallel_loop3A_258 : i32 to vector<16xi32>
        %parallel_loop3A_260 = arith.addi %parallel_loop3A_257, %parallel_loop3A_259 : vector<16xi32>
        %parallel_loop3A_261 = tpu.vector_load_idx %arg12[%parallel_loop3A_260] : memref<1280xf32, #tpu.memory_space<vmem>>[vector<16xi32>], vector<16xf32>,
        %parallel_loop3A_262 = arith.addf %parallel_loop3A_255, %parallel_loop3A_261 : vector<16xf32>
        %parallel_loop3A_263 = arith.constant 80 : i32
        %parallel_loop3A_264 = arith.muli %add3A_136, %parallel_loop3A_263 : i32
        %parallel_loop3A_265 = arith.constant 16 : i32
        %parallel_loop3A_266 = arith.muli %parallel_loop3A_150, %parallel_loop3A_265 : i32
        %parallel_loop3A_267 = arith.addi %parallel_loop3A_264, %parallel_loop3A_266 : i32
        %parallel_loop3A_268 = arith.index_cast %parallel_loop3A_267 : i32 to index
        %parallel_loop3A_269 = tpu.vector_load %arg11[%parallel_loop3A_268] {strides = array<i32>} : memref<10080xf32, #tpu.memory_space<vmem>>, vector<16xf32>,
        tpu.vector_store %arg11[%parallel_loop3A_268], %parallel_loop3A_262 {strides = array<i32>} : memref<10080xf32, #tpu.memory_space<vmem>>, vector<16xf32>,
      } {sc.loop_unroll_factor = 1 : i64, sc.parallel_access}
      %add3A_143 = arith.constant 3 : i32
      %add3A_144 = arith.addi %mul3A_105, %add3A_143 : i32
      %lt3A_145 = arith.constant 126 : i32
      %lt3A_146 = arith.cmpi slt, %add3A_144, %lt3A_145 : i32
      %convert_element_type3A_147 = arith.extui %lt3A_146 : i1 to i32
      %cond3A_148 = arith.constant 0 : i32
      %cond3A_149 = arith.cmpi ne, %convert_element_type3A_147, %cond3A_148 : i32
      scf.if %cond3A_149 {
        %add3A_150 = arith.constant 3 : i32
        %add3A_151 = arith.addi %mul3A_105, %add3A_150 : i32
        %mul3A_152 = arith.constant 80 : i32
        %mul3A_153 = arith.muli %add3A_151, %mul3A_152 : i32
        %dma_start3A_154 = tpu.memref_slice %arg5[%mul3A_153] : memref<10080xi32, #tpu.memory_space<vmem>> -> memref<80xi32, #tpu.memory_space<vmem>>
        %dma_start3A_155 = arith.constant 0 : i32
        %dma_start3A_156 = arith.constant 0 : i32
        %dma_start3A_157 = tpu.memref_slice %arg15[%dma_start3A_155, %dma_start3A_156] : memref<10000x64xi32, #tpu.memory_space<vmem_shared>> -> memref<10000x64xi32, #tpu.memory_space<vmem_shared>>
        tpu.enqueue_indirect_dma source(%dma_start3A_157 : memref<10000x64xi32, #tpu.memory_space<vmem_shared>>) target(%arg9 : memref<80x64xi32, #tpu.memory_space<vmem>>) offsets(%dma_start3A_154 : memref<80xi32, #tpu.memory_space<vmem>>) semaphore(%arg17 : memref<!tpu.dma_semaphore, #tpu.memory_space<semaphore_mem>>)
        %mul3A_158 = arith.constant 80 : i32
        %mul3A_159 = arith.muli %add3A_151, %mul3A_158 : i32
        %dma_start3A_160 = tpu.memref_slice %arg6[%mul3A_159] : memref<10080xi32, #tpu.memory_space<vmem>> -> memref<80xi32, #tpu.memory_space<vmem>>
        %dma_start3A_161 = arith.constant 0 : i32
        %dma_start3A_162 = arith.constant 0 : i32
        %dma_start3A_163 = tpu.memref_slice %arg15[%dma_start3A_161, %dma_start3A_162] : memref<10000x64xi32, #tpu.memory_space<vmem_shared>> -> memref<10000x64xi32, #tpu.memory_space<vmem_shared>>
        tpu.enqueue_indirect_dma source(%dma_start3A_163 : memref<10000x64xi32, #tpu.memory_space<vmem_shared>>) target(%arg10 : memref<80x64xi32, #tpu.memory_space<vmem>>) offsets(%dma_start3A_160 : memref<80xi32, #tpu.memory_space<vmem>>) semaphore(%arg17 : memref<!tpu.dma_semaphore, #tpu.memory_space<semaphore_mem>>)
      } else {
      }
    }
    %scan3A_102 = arith.constant 63 : i32
    "tpu.region"() ({
      %run_scoped3A_103 = tpu.sem_alloc : memref<!tpu.dma_semaphore, #tpu.memory_space<semaphore_mem>>
      %dma_start3A_104 = arith.constant 0 : i32
      %dma_start3A_105 = tpu.memref_slice %arg11[%dma_start3A_104] : memref<10080xf32, #tpu.memory_space<vmem>> -> memref<10000xf32, #tpu.memory_space<vmem>>
      %dma_start3A_106 = arith.constant 0 : i32
      %dma_start3A_107 = tpu.memref_slice %arg4[%add3A, %dma_start3A_106] : memref<32x10000xf32, #tpu.memory_space<hbm>> -> memref<1x10000xf32, #tpu.memory_space<hbm>>
      %dma_start3A_108 = tpu.memref_squeeze %dma_start3A_107 : memref<1x10000xf32, #tpu.memory_space<hbm>> -> memref<10000xf32, #tpu.memory_space<hbm>>
      %dma_start3A_109 = arith.constant 0 : i32
      %dma_start3A_110 = tpu.memref_slice %arg4[%add3A, %dma_start3A_109] : memref<32x10000xf32, #tpu.memory_space<hbm>> -> memref<1x10000xf32, #tpu.memory_space<hbm>>
      %dma_start3A_111 = tpu.memref_squeeze %dma_start3A_110 : memref<1x10000xf32, #tpu.memory_space<hbm>> -> memref<10000xf32, #tpu.memory_space<hbm>>
      %dma_start3A_112 = arith.constant 0 : i32
      %dma_start3A_113 = tpu.memref_slice %arg11[%dma_start3A_112] : memref<10080xf32, #tpu.memory_space<vmem>> -> memref<10000xf32, #tpu.memory_space<vmem>>
      tpu.enqueue_dma source(%dma_start3A_113 : memref<10000xf32, #tpu.memory_space<vmem>>) target(%dma_start3A_111 : memref<10000xf32, #tpu.memory_space<hbm>>) target_semaphore(%run_scoped3A_103 : memref<!tpu.dma_semaphore, #tpu.memory_space<semaphore_mem>>)
      %dma_wait3A = arith.constant 0 : i32
      %dma_wait3A_114 = tpu.memref_slice %arg11[%dma_wait3A] : memref<10080xf32, #tpu.memory_space<vmem>> -> memref<10000xf32, #tpu.memory_space<vmem>>
      %dma_wait3A_115 = arith.constant 0 : i32
      %dma_wait3A_116 = tpu.memref_slice %arg4[%add3A, %dma_wait3A_115] : memref<32x10000xf32, #tpu.memory_space<hbm>> -> memref<1x10000xf32, #tpu.memory_space<hbm>>
      %dma_wait3A_117 = tpu.memref_squeeze %dma_wait3A_116 : memref<1x10000xf32, #tpu.memory_space<hbm>> -> memref<10000xf32, #tpu.memory_space<hbm>>
      %dma_wait3A_118 = arith.constant 0 : i32
      %dma_wait3A_119 = tpu.memref_slice %arg4[%add3A, %dma_wait3A_118] : memref<32x10000xf32, #tpu.memory_space<hbm>> -> memref<1x10000xf32, #tpu.memory_space<hbm>>
      %dma_wait3A_120 = tpu.memref_squeeze %dma_wait3A_119 : memref<1x10000xf32, #tpu.memory_space<hbm>> -> memref<10000xf32, #tpu.memory_space<hbm>>
      %dma_wait3A_121 = arith.constant 0 : i32
      %dma_wait3A_122 = tpu.memref_slice %arg11[%dma_wait3A_121] : memref<10080xf32, #tpu.memory_space<vmem>> -> memref<10000xf32, #tpu.memory_space<vmem>>
      tpu.wait_dma2 semaphore(%run_scoped3A_103 : memref<!tpu.dma_semaphore, #tpu.memory_space<semaphore_mem>>) src(%dma_wait3A_122 : memref<10000xf32, #tpu.memory_space<vmem>>) dst(%dma_wait3A_120 : memref<10000xf32, #tpu.memory_space<hbm>>)
      tpu.yield
    }) : () -> ()
    return
  }
}

</mosaic_0001>

<sc_bundles>
// kernel: kernel.3.cloned.1.call-start
scs
__scs_entry_jumppad:
0x0: {  	(pc) =	sbr.rel $0x88, $3  }
0x1: {  	(tag) =	ssettag $0x0;
	lr =	simm.s32 $0x1  }
0x2: {  	[smem:$0x3F9F] =	sst lr;
	_ =	strace $0xD0000000  }
0x3: {  	_ = 	snop  }
0x4: {  	_ = 	snop  }
0x5: {  	_ = 	snop  }
0x6: {  	_ = 	snop  }
0x7: {  	_ = 	snop  }
__scs_overlays_trampoline_lowered:
0x8: {  	[smem:$0x3FAE] =	sst s0  }
0x9: {  	[smem:$0x3FAF] =	sst s1  }
0xa: {  	[smem:$0x3FB0] =	sst s2  }
0xb: {  	[smem:$0x3FB1] =	sst s3  }
0xc: {  	[smem:$0x3FB2] =	sst s4  }
0xd: {  	[smem:$0x3FB3] =	sst s5  }
0xe: {  	[smem:$0x3FB4] =	sst s6  }
0xf: {  	[smem:$0x3FB5] =	sst s7  }
0x10: {  	[smem:$0x3FB6] =	sst s8  }
0x11: {  	[smem:$0x3FB7] =	sst s9;
	s0 =	simm.s32 @!p0 $0x0  }
0x12: {  	s1 =	sld [smem:$0x3F9D];
	s0 =	simm.s32 @p0 $0x1  }
0x13: {  	[smem:$0x3FB8] =	sst s0;
	s0 =	simm.s32 @!p1 $0x0  }
0x14: {  	s2 =	sld [smem:$0x3F9C];
	s0 =	simm.s32 @p1 $0x1  }
0x15: {  	[smem:$0x3FB9] =	sst s0;
	s0 =	simm.s32 @!p2 $0x0  }
0x16: {  	s3 =	sld [smem:$0x3FDB];
	s0 =	simm.s32 @p2 $0x1  }
0x17: {  	s4 =	simm.s32 $0x1BF5;
	[smem:$0x3FBB] =	sst s0  }
0x18: {  	s0 =	sld [smem:$0x3F9E];
	_ =	swait.ge [sflag:s4], $0x0  }
0x19: {  	s7 =	sld [smem:$0x3F9F]  }
0x1a: {  	s8 =	sadd.s32 $0xFFFFE003, lr  }
0x1b: {  	s9 =	sadd.s32 $0xFFFFFEF7, lr;
	s5 =	simm.s32 $0xFFFFFFFF;
	p2 =	slt.u32 s8, $0xFFFFF086  }
0x1c: {  	p1 =	slt.u32 s9, $0xF7A;
	s5 =	simm.s32 @!p2 $0x0  }
0x1d: {  	s5 =	simm.s32 @p1 $0x1;
	p0 =	seq.s32 s7, s2  }
0x1e: {  	s7 =	smul.u32 @!p0 $0xF7A, s2;
	p2 =	seq.s32 @!p0 s5, $0x0  }
0x1f: {  	s9 =	smul.u32 $0xF7A, s1;
	s8 =	simm.s32 @!p0 $0x1BF5;
	p2 =	por !p2, p0  }
0x20: {  	[sflag:s8] =	ssyncset.s32 @!p0 $0xFFFFF086;
	s6 =	sadd.s32 @!p0 s3, s7;
	s7 =	simm.s32 @!p0 $0x108  }
0x21: {  	s3 =	sadd.s32 s3, s9;
	s6 =	sadd.s32 @!p0 $0x88, s6;
	s7 =	simm.s32 @p2 $0x1082  }
0x22: {  	[simem:s7], [sflag:s8] =	dma.local @!p0 [hbm:s6], $0xF7A  }
0x23: {  	s9 =	sor.u32 $0xD0000000, s2;
	s6 =	simm.s32 $0x108;
	_ =	swait.ge @!p0 [sflag:s8], $0x0  }
0x24: {  	s3 =	sadd.s32 $0x88, s3;
	s6 =	simm.s32 @!p1 $0x1082;
	[sflag:s4] =	ssyncset.s32 $0xFFFFF086  }
0x25: {  	[simem:s6], [sflag:s4] =	dma.local [hbm:s3], $0xF7A  }
0x26: {  	[smem:$0x3F9F] =	sst s1;
	(tag) =	ssettag s2;
	_ =	strace s9  }
0x27: {  	s1 =	sld [smem:$0x3FAF]  }
0x28: {  	s2 =	sld [smem:$0x3FB0]  }
0x29: {  	s4 =	sld [smem:$0x3FB2]  }
0x2a: {  	p0 =	seq.s32 s5, $0x0;
	s5 =	sld [smem:$0x3FB3]  }
0x2b: {  	s6 =	sld [smem:$0x3FB4]  }
0x2c: {  	s7 =	sld [smem:$0x3FB5]  }
0x2d: {  	s3 =	simm.s32 $0x108;
	s8 =	sld [smem:$0x3FB6]  }
0x2e: {  	s3 =	simm.s32 @!p0 $0x1082;
	s9 =	sld [smem:$0x3FB7]  }
0x2f: {  	lr =	sadd.s32 s0, s3;
	s0 =	sld [smem:$0x3FAE]  }
0x30: {  	s3 =	sld [smem:$0x3FB1]  }
0x31: {  	[smem:$0x3FBA] =	sst s10  }
0x32: {  	s10 =	sld [smem:$0x3FB8];
	_ =	sdelay $0x3  }
0x33: {  	p0 =	seq.s32 s10, $0x1;
	s10 =	sld [smem:$0x3FBA];
	_ =	sdelay $0x3  }
0x34: {  	[smem:$0x3FBA] =	sst s10  }
0x35: {  	s10 =	sld [smem:$0x3FB9];
	_ =	sdelay $0x3  }
0x36: {  	p1 =	seq.s32 s10, $0x1;
	s10 =	sld [smem:$0x3FBA];
	_ =	sdelay $0x3  }
0x37: {  	[smem:$0x3FBA] =	sst s10  }
0x38: {  	s10 =	sld [smem:$0x3FBB]  }
0x39: {  	_ = 	snop;
	(pc) =	sbr.ind lr, $3  }
0x3a: {  	_ = 	snop  }
0x3b: {  	_ = 	snop  }
0x3c: {  	p2 =	seq.s32 s10, $0x1;
	s10 =	sld [smem:$0x3FBA]  }
0x3d: {  	_ =	shalt  }
0x3e: {  	_ =	shalt  }
0x3f: {  	_ =	shalt  }
0x40: {  	_ =	shalt  }
0x41: {  	_ =	shalt  }
0x42: {  	_ =	shalt  }
0x43: {  	_ =	shalt  }
0x44: {  	_ =	shalt  }
0x45: {  	_ =	shalt  }
0x46: {  	_ =	shalt  }
0x47: {  	_ =	shalt  }
0x48: {  	_ =	shalt  }
0x49: {  	_ =	shalt  }
0x4a: {  	_ =	shalt  }
0x4b: {  	_ =	shalt  }
0x4c: {  	_ =	shalt  }
0x4d: {  	_ =	shalt  }
0x4e: {  	_ =	shalt  }
0x4f: {  	_ =	shalt  }
0x50: {  	_ =	shalt  }
0x51: {  	_ =	shalt  }
0x52: {  	_ =	shalt  }
0x53: {  	_ =	shalt  }
0x54: {  	_ =	shalt  }
0x55: {  	_ =	shalt  }
0x56: {  	_ =	shalt  }
0x57: {  	_ =	shalt  }
0x58: {  	_ =	shalt  }
0x59: {  	_ =	shalt  }
0x5a: {  	_ =	shalt  }
0x5b: {  	_ =	shalt  }
0x5c: {  	_ =	shalt  }
0x5d: {  	_ =	shalt  }
0x5e: {  	_ =	shalt  }
0x5f: {  	_ =	shalt  }
0x60: {  	_ =	shalt  }
0x61: {  	_ =	shalt  }
0x62: {  	_ =	shalt  }
0x63: {  	_ =	shalt  }
0x64: {  	_ =	shalt  }
0x65: {  	_ =	shalt  }
0x66: {  	_ =	shalt  }
0x67: {  	_ =	shalt  }
0x68: {  	_ =	shalt  }
0x69: {  	_ =	shalt  }
0x6a: {  	_ =	shalt  }
0x6b: {  	_ =	shalt  }
0x6c: {  	_ =	shalt  }
0x6d: {  	_ =	shalt  }
0x6e: {  	_ =	shalt  }
0x6f: {  	_ =	shalt  }
0x70: {  	_ =	shalt  }
0x71: {  	_ =	shalt  }
0x72: {  	_ =	shalt  }
0x73: {  	_ =	shalt  }
0x74: {  	_ =	shalt  }
0x75: {  	_ =	shalt  }
0x76: {  	_ =	shalt  }
0x77: {  	_ =	shalt  }
0x78: {  	_ =	shalt  }
0x79: {  	_ =	shalt  }
0x7a: {  	_ =	shalt  }
0x7b: {  	_ =	shalt  }
0x7c: {  	_ =	shalt  }
0x7d: {  	_ =	shalt  }
0x7e: {  	_ =	shalt  }
0x7f: {  	_ =	shalt  }
0x80: {  	_ =	shalt  }
0x81: {  	_ =	shalt  }
0x82: {  	_ =	shalt  }
0x83: {  	_ =	shalt  }
0x84: {  	_ =	shalt  }
0x85: {  	_ =	shalt  }
0x86: {  	_ =	shalt  }
0x87: {  	_ =	shalt  }
.Lfunc_end0:
.L_simem_size_0:
called_computation_lowered:
.L_overlay_start_0:
0x88: {  	s2 =	sld [smem:$0x3FD9]  }
0x89: {  	s3 =	sld [smem:$0x3FFE];
	_ =	sdelay $0x1  }
0x8a: {  	s1 =	srdreg.scid  }
0x8b: {  	s0 =	sand.u32 $0x1, s1  }
0x8c: {  	s17 =	sshll.u32 s0, $0xA;
	s2 =	sadd.s32 s3, s2  }
0x8d: {  	s2 =	sadd.s32 s2, s17  }
0x8e: {  	[smem:$0x3FC6] =	sst s2  }
0x8f: {  	_ = 	snop  }
0x90: {  	s2 =	sld [smem:$0x3FC9];
	(tm) =	ssettm $0x1  }
0x91: {  	s18 =	sld [smem:$0x3FFB];
	_ =	sdelay $0x3  }
0x92: {  	_ =	strace s18  }
0x93: {  	s3 =	sld [smem:$0x3FFC];
	_ =	sdelay $0x3  }
0x94: {  	_ =	strace s3  }
0x95: {  	s3 =	sld [smem:$0x3FFD];
	_ =	sdelay $0x3  }
0x96: {  	_ =	strace s3  }
0x97: {  	_ =	strace $0x8FFFFFFF  }
0x98: {  	s19 =	sld [smem:$0x3FDB];
	_ =	sdelay $0x1  }
0x99: {  	s4 =	simm.s32 $_scs_section_size  }
0x9a: {  	s5 =	simm.s32 $_size__tile_overlayer_lowered;
	s6 =	simm.s32 $_tile_overlayer_lowered  }
0x9b: {  	s22 =	simm.s32 $0x1BFF;
	s21 =	sshll.u32 s6, $0x1;
	s3 =	sadd.s32 s4, s19  }
0x9c: {  	s7 =	simm.s32 $0x0;
	s20 =	sshll.u32 s5, $0x1;
	s5 =	sadd.s32 s21, s3  }
0x9d: {  	[timem:s7], [sflag:s22] =	dma.local [hbm:s5], s20  }
0x9e: {  	_ =	swait.ge [sflag:s22], s20  }
0x9f: {  	s4 =	ssub.s32 $0x0, s20;
	[sflag:s22] =	ssyncset.done $0x0  }
0xa0: {  	[sflag:s22] =	ssyncadd.s32 s4;
	_ =	sdelay $0x1  }
0xa1: {  	s23 =	simm.s32 $0x1B8B  }
0xa2: {  	_ =	swait.ge [sflag:s23], $0x1  }
0xa3: {  	[sflag:s23] =	ssyncset.done $0x0  }
0xa4: {  	s25 =	simm.s32 $0x1B8E;
	s24 =	sld [smem:$0x3FFE];
	[sflag:s23] =	ssyncadd.s32 $0xFFFFFFFF  }
0xa5: {  	s26 =	simm.s32 $execute0_lowered;
	[smem:$0x3FD2] =	sst s25  }
0xa6: {  	s5 =	sshll.u32 s26, $0x1;
	_ =	strace $0x80000046;
	[dreg:$0x1] =	wrdreg $0xFFFFFFFF  }
0xa7: {  	s28 =	simm.s32 $_size_execute0_lowered;
	s3 =	sadd.s32 s3, s5;
	[dreg:$0x0] =	wrdreg $0x0  }
0xa8: {  	s5 =	sshll.u32 s28, $0x1;
	[dreg:$0x2] =	wrdreg s3  }
0xa9: {  	[dreg:$0x3] =	wrdreg s5  }
0xaa: {  	[dreg:$0x4] =	wrdreg $0xC0  }
0xab: {  	_ =	task [dreg:s7], $0x5FFFF  }
0xac: {  	[dreg:$0x1] =	wrdreg $0xFFFFFFFF  }
0xad: {  	[dreg:$0x0] =	wrdreg $0x60  }
0xae: {  	[dreg:$0x2] =	wrdreg s2  }
0xaf: {  	[dreg:$0x3] =	wrdreg s24  }
0xb0: {  	[dreg:$0x4] =	wrdreg $0x128E00  }
0xb1: {  	[dreg:$0x5] =	wrdreg $0x9  }
0xb2: {  	_ =	task.clear_ibuf [dreg:s7], $0x6FFFF;
	_ =	strace $0x90000046  }
0xb3: {  	s29 =	simm.s32 $0x9;
	_ =	strace $0x80000048  }
0xb4: {  	_ =	swait.ge [sflag:s29], $0x1  }
0xb5: {  	[sflag:s29] =	ssyncadd.s32 $0xFFFFFFFF  }
0xb6: {  	_ =	strace $0x90000048  }
0xb7: {  	_ =	sfence  }
0xb8: {  	s30 =	sld [smem:$0x0];
	_ =	sdelay $0x2  }
0xb9: {  	s31 =	sshll.u32 s1, $0xD;
	s1 =	sshrl.u32 s1, $0x2  }
0xba: {  	s3 =	sand.u32 $0x4000, s31;
	s1 =	sadd.s32 s1, s30  }
0xbb: {  	s0 =	sor.u32 s3, s0;
	s1 =	sshll.u32 s1, $0x11  }
0xbc: {  	s0 =	sor.u32 s1, s0  }
0xbd: {  	s0 =	sadd.s32 $0x8F2B, s0  }
0xbe: {  	[sflag:s0] =	ssyncadd.remote.s32 $0x1  }
0xbf: {  	_ =	sfence.sel $0xFFFF  }
0xc0: {  	[dreg:$0x0] =	wrdreg $0xFFFFFFFF;
	(pc) =	sbr.abs _section_cstart, $3  }
0xc1: {  	[dreg:$0x1] =	wrdreg $0xFFFFFFFF  }
0xc2: {  	_ =	task.clear_ibuf [dreg:s7], $0x2FFFF;
	_ =	strace $0x9FFFFFFF  }
0xc3: {  	(tm) =	ssettm $0x7FFFFFFF  }
tec
execute0_lowered:
.L_overlay_start_1:
0x0: {  	(tag) =	ssettag $0x1  }
0x1: {  	s0 =	srdreg.scid;
	s1 =	rddreg [dreg:$0x0]  }
0x2: {  	s9 =	stileid.u32;
	s4 =	rddreg [dreg:$0x1]  }
0x3: {  	s28 =	simm.s32 $0x8AC0;
	s29 =	simm.s32 $0x1;
	s6 =	smul.u32 $0x271, s9  }
0x4: {  	s30 =	simm.s32 $0xC620;
	s31 =	simm.s32 $0x2;
	s7 =	smul.u32 $0x2710, s9  }
0x5: {  	s0 =	sand.u32 $0x1, s0;
	s2 =	sshll.u32 s9, $0x1;
	s9 =	smul.u32 $0x27100, s9  }
0x6: {  	s3 =	sor.u32 s0, s2;
	s2 =	rddreg [dreg:$0x2];
	s0 =	ssub.s32 $0x2, s0  }
0x7: {  	s5 =	smul.u32 $0x2710, s3;
	s3 =	simm.s32 $0x0;
	s8 =	sshrl.u32 s0, $0x1  }
0x8: {  	s18 =	sadd.s32 s1, s7;
	s19 =	sshrl.u32 s9, $0x2;
	s20 =	sadd.s32 $0x7D, s6  }
0x9: {  	s22 =	sadd.s32 $0xFA, s6;
	s11 =	sadd.s32 $0x177, s6;
	s6 =	sadd.s32 $0x1F4, s6  }
0xa: {  	[smem:$0x7FF] =	sst s3;
	s0 =	ssub.s32 s0, s8;
	s21 =	sshll.u32 s20, $0x4  }
0xb: {  	s7 =	sshll.u32 s20, $0x6;
	s23 =	sshll.u32 s22, $0x4;
	s24 =	sshll.u32 s11, $0x4  }
0xc: {  	s25 =	sshll.u32 s11, $0x6;
	s26 =	sshll.u32 s6, $0x4;
	s6 =	sshll.u32 s6, $0x6  }
0xd: {  	s20 =	simm.s32 $0x109A0;
	s5 =	sshrl.u32 s5, $0x3;
	_ =	strace $0x80000047  }
0xe: {  	v0 =	vlaneseq.u32;
	[dreg:$0x4] =	wrdreg s18;
	s7 =	sadd.s32 s7, s2;
	s8 =	sadd.s32 s1, s23  }
0xf: {  	v0 =	vmul.u32 $0x10, v0;
	s10 =	sadd.s32 s1, s24;
	s11 =	sadd.s32 s25, s2;
	s12 =	sadd.s32 s1, s26  }
0x10: {  	s13 =	sadd.s32 s6, s2;
	s17 =	smax.u32 s0, $0x1;
	s18 =	simm.s32 $0xCB20  }
.Ltmp0:
0x11: {  	v1 =	vor.u32 $0x1, v0;
	v2 =	vor.u32 $0x2, v0;
	v3 =	vor.u32 $0x3, v0;
	s25 =	simm.s32 $0x76C0;
	s0 =	simm.s32 $0x0;
	(pc) =	sbr.rel .LBB2_1-.Ltmp0, $4  }
0x12: {  	v4 =	vor.u32 $0x4, v0;
	v5 =	vor.u32 $0x5, v0;
	v6 =	vor.u32 $0x6, v0;
	s4 =	sadd.s32 s5, s4;
	s5 =	sadd.s32 s19, s2;
	s19 =	simm.s32 $0x3  }
0x13: {  	v7 =	vor.u32 $0x7, v0;
	v8 =	vor.u32 $0x8, v0;
	v9 =	vor.u32 $0x9, v0;
	[dreg:$0x5] =	wrdreg s5;
	s5 =	sadd.s32 s1, s21;
	s14 =	sadd.s32 $0x400, s4  }
0x14: {  	v10 =	vor.u32 $0xA, v0;
	v11 =	vor.u32 $0xB, v0;
	v12 =	vor.u32 $0xC, v0;
	s15 =	sadd.s32 $0xA040, s4;
	[dreg:$0x6] =	wrdreg s5;
	s5 =	sshll.u32 s22, $0x6  }
0x15: {  	v13 =	vor.u32 $0xD, v0;
	v14 =	vor.u32 $0xE, v0;
	v15 =	vor.u32 $0xF, v0;
	s16 =	sadd.s32 $0x13E00, s4;
	s22 =	simm.s32 $0x50;
	s9 =	sadd.s32 s5, s2  }
.LBB2_22:
0x16: {  	s0 =	sadd.s32 $0x1, s0  }
0x17: {  	p0 =	sne.s32 s0, s17  }
.Ltmp1:
0x18: {  	s1 =	simm.s32 $0x9EC0;
	(pc) =	sbr.rel @!p0 .LBB2_23-.Ltmp1, $4  }
0x19: {  	[hbm4b:s16+s3] =	stream.linear.scatter [tilespmem:s1], [sflag:$0x3], $0x2710, $0x38;
	[tilespmem:$0x1C520] =	vst v63  }
0x1a: {  	_ =	swait.ge [sflag:s19], $0x2710  }
0x1b: {  	[sflag:s19] =	ssyncset.done $0x0  }
0x1c: {  	[sflag:s19] =	ssyncadd.s32 $0xFFFFD8F0  }
.LBB2_1:
0x1d: {  	s1 =	rddreg [dreg:$0x4]  }
0x1e: {  	[tilespmem:s18], [sflag:$0x3] =	stream.linear.gather [hbm4b:s1+s3], $0x3E80, $0x38;
	[tilespmem:$0x1C520] =	vst v63  }
0x1f: {  	_ =	swait.ge [sflag:s19], $0x3E80  }
0x20: {  	[sflag:s19] =	ssyncset.done $0x0  }
0x21: {  	s4 =	simm.s32 $0xCC60;
	[sflag:s19] =	ssyncadd.s32 $0xFFFFC180  }
0x22: {  	v16 =	vld [tilespmem:s4+$0xC0]  }
0x23: {  	v17 =	vld [tilespmem:s4+$0xD0]  }
0x24: {  	v18 =	vld [tilespmem:s4+$0xFFFFFED0]  }
0x25: {  	v19 =	vld [tilespmem:s4+$0xFFFFFF40]  }
0x26: {  	v20 =	vld [tilespmem:s4+$0xFFFFFF50]  }
0x27: {  	v21 =	vld [tilespmem:s4+$0xFFFFFFC0]  }
0x28: {  	s23 =	simm.s32 $0x10A40;
	v22 =	vld [tilespmem:s4+$0xFFFFFFD0];
	v16 =	vpack.i.f32.bf16 v17, v16  }
0x29: {  	v17 =	vld [tilespmem:s4+$0x40];
	[tilespmem:s23+$0x60] =	vst v16  }
0x2a: {  	v16 =	vld [tilespmem:s4+$0xE0]  }
0x2b: {  	v23 =	vld [tilespmem:s4+$0xF0]  }
0x2c: {  	v19 =	vpack.i.f32.bf16 v20, v19;
	v20 =	vld [tilespmem:s4+$0x50]  }
0x2d: {  	[tilespmem:s23+$0xFFFFFFA0] =	vst v19;
	v19 =	vld [tilespmem:s4+$0xFFFFFEC0]  }
0x2e: {  	v21 =	vpack.i.f32.bf16 v22, v21;
	v22 =	vld [tilespmem:s4+$0xFFFFFF60]  }
0x2f: {  	[tilespmem:s23+$0xFFFFFFE0] =	vst v21;
	v21 =	vld [tilespmem:s4+$0xFFFFFF70]  }
0x30: {  	v24 =	vld [tilespmem:s4+$0xFFFFFFE0];
	v16 =	vpack.i.f32.bf16 v23, v16  }
0x31: {  	v23 =	vld [tilespmem:s4+$0xFFFFFFF0];
	[tilespmem:s23+$0x70] =	vst v16  }
0x32: {  	v16 =	vpack.i.f32.bf16 v18, v19;
	v18 =	vld [tilespmem:s4+$0x100]  }
0x33: {  	[tilespmem:s23+$0xFFFFFF60] =	vst v16;
	v16 =	vld [tilespmem:s4+$0x110]  }
0x34: {  	v17 =	vpack.i.f32.bf16 v20, v17;
	v19 =	vld [tilespmem:s4+$0xFFFFFEE0]  }
0x35: {  	[tilespmem:s23+$0x20] =	vst v17;
	v17 =	vld [tilespmem:s4+$0xFFFFFEF0]  }
0x36: {  	v20 =	vpack.i.f32.bf16 v21, v22;
	v21 =	vld [tilespmem:s4+$0x60]  }
0x37: {  	[tilespmem:s23+$0xFFFFFFB0] =	vst v20;
	v20 =	vld [tilespmem:s4+$0x70]  }
0x38: {  	v22 =	vld [tilespmem:s4+$0xFFFFFF80];
	v16 =	vpack.i.f32.bf16 v16, v18  }
0x39: {  	v18 =	vld [tilespmem:s4+$0xFFFFFF90];
	[tilespmem:s23+$0x80] =	vst v16  }
0x3a: {  	v16 =	vpack.i.f32.bf16 v17, v19;
	v19 =	vld [tilespmem:s4+$0x120]  }
0x3b: {  	[tilespmem:s23+$0xFFFFFF70] =	vst v16;
	v25 =	vld [tilespmem:s4+$0x130]  }
0x3c: {  	v16 =	vpack.i.f32.bf16 v23, v24;
	v17 =	vld [tilespmem:s4+$0xFFFFFF00]  }
0x3d: {  	[tilespmem:s23+$0xFFFFFFF0] =	vst v16;
	v16 =	vld [tilespmem:s4+$0xFFFFFF10]  }
0x3e: {  	v20 =	vpack.i.f32.bf16 v20, v21;
	v21 =	vld [tilespmem:s4+$0x0]  }
0x3f: {  	[tilespmem:s23+$0x30] =	vst v20;
	v20 =	vld [tilespmem:s4+$0x10]  }
0x40: {  	v23 =	vld [tilespmem:s4+$0x90];
	v18 =	vpack.i.f32.bf16 v18, v22  }
0x41: {  	v22 =	vld [tilespmem:s4+$0x80];
	[tilespmem:s23+$0xFFFFFFC0] =	vst v18  }
0x42: {  	v63 =	vld [tilespmem:s4+$0xFFFFFFA0];
	v16 =	vpack.i.f32.bf16 v16, v17  }
0x43: {  	v26 =	vld [tilespmem:s4+$0xFFFFFFB0];
	[tilespmem:s23+$0xFFFFFF80] =	vst v16  }
0x44: {  	v17 =	vpack.i.f32.bf16 v20, v21;
	v16 =	vld [tilespmem:s4+$0xFFFFFF20]  }
0x45: {  	v18 =	vld [tilespmem:s4+$0xFFFFFF30];
	[tilespmem:s23+$0x0] =	vst v17  }
0x46: {  	v21 =	vpack.i.f32.bf16 v23, v22;
	v17 =	vld [tilespmem:s4+$0x20]  }
0x47: {  	v19 =	vpack.i.f32.bf16 v25, v19;
	v20 =	vld [tilespmem:s4+$0x30];
	[tilespmem:s23+$0x40] =	vst v21  }
0x48: {  	[tilespmem:s23+$0x90] =	vst v19;
	v21 =	vpack.i.f32.bf16 v26, v63;
	v19 =	vld [tilespmem:s4+$0xA0]  }
0x49: {  	s1 =	simm.s32 $0x0;
	[tilespmem:s23+$0xFFFFFFD0] =	vst v21;
	v21 =	vld [tilespmem:s4+$0xB0];
	s4 =	simm.s32 $0xCEE0  }
.LBB2_2:
0x4a: {  	v22 =	vld [tilespmem:s4+$0xC0];
	v16 =	vpack.i.f32.bf16 v18, v16  }
0x4b: {  	v18 =	vld [tilespmem:s4+$0xD0];
	[tilespmem:s23+$0xFFFFFF90] =	vst v16  }
0x4c: {  	v16 =	vld [tilespmem:s4+$0xFFFFFED0];
	v17 =	vpack.i.f32.bf16 v20, v17  }
0x4d: {  	v20 =	vld [tilespmem:s4+$0xFFFFFF40];
	[tilespmem:s23+$0x10] =	vst v17  }
0x4e: {  	s1 =	sadd.s32 $0x5, s1;
	v17 =	vld [tilespmem:s4+$0xFFFFFF50];
	v19 =	vpack.i.f32.bf16 v21, v19  }
0x4f: {  	p0 =	slt.u32 s1, $0x78;
	v21 =	vld [tilespmem:s4+$0xFFFFFFC0];
	[tilespmem:s23+$0x50] =	vst v19  }
0x50: {  	s23 =	sadd.s32 $0x140, s23;
	v19 =	vld [tilespmem:s4+$0xFFFFFFD0];
	v18 =	vpack.i.f32.bf16 v18, v22  }
0x51: {  	v22 =	vld [tilespmem:s4+$0x40];
	[tilespmem:s23+$0x60] =	vst v18  }
0x52: {  	v18 =	vld [tilespmem:s4+$0xE0]  }
0x53: {  	v17 =	vpack.i.f32.bf16 v17, v20;
	v20 =	vld [tilespmem:s4+$0xF0]  }
0x54: {  	[tilespmem:s23+$0xFFFFFFA0] =	vst v17;
	v17 =	vld [tilespmem:s4+$0x50]  }
0x55: {  	v23 =	vld [tilespmem:s4+$0xFFFFFEC0];
	v19 =	vpack.i.f32.bf16 v19, v21  }
0x56: {  	v21 =	vld [tilespmem:s4+$0xFFFFFF60];
	[tilespmem:s23+$0xFFFFFFE0] =	vst v19  }
0x57: {  	v19 =	vld [tilespmem:s4+$0xFFFFFF70]  }
0x58: {  	v24 =	vld [tilespmem:s4+$0xFFFFFFE0];
	v18 =	vpack.i.f32.bf16 v20, v18  }
0x59: {  	v20 =	vld [tilespmem:s4+$0xFFFFFFF0];
	v17 =	vpack.i.f32.bf16 v17, v22;
	[tilespmem:s23+$0x70] =	vst v18  }
0x5a: {  	v16 =	vpack.i.f32.bf16 v16, v23;
	[tilespmem:s23+$0x20] =	vst v17;
	v17 =	vld [tilespmem:s4+$0x100]  }
0x5b: {  	[tilespmem:s23+$0xFFFFFF60] =	vst v16;
	v16 =	vld [tilespmem:s4+$0x110]  }
0x5c: {  	v18 =	vld [tilespmem:s4+$0xFFFFFEE0];
	v19 =	vpack.i.f32.bf16 v19, v21  }
0x5d: {  	v21 =	vld [tilespmem:s4+$0xFFFFFEF0];
	[tilespmem:s23+$0xFFFFFFB0] =	vst v19  }
0x5e: {  	v19 =	vpack.i.f32.bf16 v20, v24;
	v20 =	vld [tilespmem:s4+$0x60]  }
0x5f: {  	[tilespmem:s23+$0xFFFFFFF0] =	vst v19;
	v19 =	vld [tilespmem:s4+$0x70]  }
0x60: {  	v22 =	vld [tilespmem:s4+$0xFFFFFF80];
	v16 =	vpack.i.f32.bf16 v16, v17  }
0x61: {  	v17 =	vld [tilespmem:s4+$0xFFFFFF90];
	[tilespmem:s23+$0x80] =	vst v16  }
0x62: {  	v16 =	vpack.i.f32.bf16 v21, v18;
	v18 =	vld [tilespmem:s4+$0x120]  }
0x63: {  	[tilespmem:s23+$0xFFFFFF70] =	vst v16;
	v16 =	vld [tilespmem:s4+$0x130]  }
0x64: {  	v21 =	vld [tilespmem:s4+$0xFFFFFF00];
	v19 =	vpack.i.f32.bf16 v19, v20  }
0x65: {  	v20 =	vld [tilespmem:s4+$0xFFFFFF10];
	[tilespmem:s23+$0x30] =	vst v19  }
0x66: {  	v17 =	vpack.i.f32.bf16 v17, v22;
	v19 =	vld [tilespmem:s4+$0x0]  }
0x67: {  	[tilespmem:s23+$0xFFFFFFC0] =	vst v17;
	v17 =	vld [tilespmem:s4+$0x10]  }
0x68: {  	v22 =	vld [tilespmem:s4+$0x80];
	v16 =	vpack.i.f32.bf16 v16, v18  }
0x69: {  	v23 =	vld [tilespmem:s4+$0x90];
	[tilespmem:s23+$0x90] =	vst v16  }
0x6a: {  	v16 =	vpack.i.f32.bf16 v20, v21;
	v21 =	vld [tilespmem:s4+$0xFFFFFFA0]  }
0x6b: {  	[tilespmem:s23+$0xFFFFFF80] =	vst v16;
	v24 =	vld [tilespmem:s4+$0xFFFFFFB0]  }
0x6c: {  	v16 =	vld [tilespmem:s4+$0xFFFFFF20];
	v17 =	vpack.i.f32.bf16 v17, v19  }
.Ltmp2:
0x6d: {  	v18 =	vld [tilespmem:s4+$0xFFFFFF30];
	[tilespmem:s23+$0x0] =	vst v17;
	(pc) =	sbr.rel @p0 .LBB2_2-.Ltmp2, $4  }
0x6e: {  	v17 =	vld [tilespmem:s4+$0x20];
	v19 =	vpack.i.f32.bf16 v23, v22  }
0x6f: {  	v20 =	vld [tilespmem:s4+$0x30];
	[tilespmem:s23+$0x40] =	vst v19  }
0x70: {  	v21 =	vpack.i.f32.bf16 v24, v21;
	v19 =	vld [tilespmem:s4+$0xA0]  }
0x71: {  	[tilespmem:s23+$0xFFFFFFD0] =	vst v21;
	v21 =	vld [tilespmem:s4+$0xB0];
	s4 =	sadd.s32 $0x280, s4  }
0x72: {  	_ =	sdelay $0x1  }
0x73: {  	v16 =	vpack.i.f32.bf16 v18, v16  }
0x74: {  	[tilespmem:s23+$0xFFFFFF90] =	vst v16;
	v16 =	vpack.i.f32.bf16 v20, v17  }
0x75: {  	[tilespmem:s23+$0x10] =	vst v16;
	v16 =	vpack.i.f32.bf16 v21, v19  }
0x76: {  	[tilespmem:s23+$0x50] =	vst v16  }
0x77: {  	s1 =	rddreg [dreg:$0x5]  }
0x78: {  	[spmem:s1] =	stream.linear.scatter [tilespmem:s20], [sflag:$0x3], $0x1F40, $0x38;
	[tilespmem:$0x1C520] =	vst v63  }
0x79: {  	_ =	swait.ge [sflag:s19], $0x1F40  }
0x7a: {  	[sflag:s19] =	ssyncset.done $0x0  }
0x7b: {  	s26 =	rddreg [dreg:$0x6];
	[sflag:s19] =	ssyncadd.s32 $0xFFFFE0C0  }
0x7c: {  	[tilespmem:s18], [sflag:$0x3] =	stream.linear.gather [hbm4b:s26+s3], $0x3E80, $0x38;
	[tilespmem:$0x1C520] =	vst v63  }
0x7d: {  	_ =	swait.ge [sflag:s19], $0x3E80  }
0x7e: {  	[sflag:s19] =	ssyncset.done $0x0  }
0x7f: {  	s4 =	simm.s32 $0xCC60;
	[sflag:s19] =	ssyncadd.s32 $0xFFFFC180  }
0x80: {  	v16 =	vld [tilespmem:s4+$0xC0]  }
0x81: {  	v17 =	vld [tilespmem:s4+$0xD0]  }
0x82: {  	v18 =	vld [tilespmem:s4+$0xFFFFFED0]  }
0x83: {  	v19 =	vld [tilespmem:s4+$0xFFFFFF40]  }
0x84: {  	v20 =	vld [tilespmem:s4+$0xFFFFFF50]  }
0x85: {  	v21 =	vld [tilespmem:s4+$0xFFFFFFC0]  }
0x86: {  	s23 =	simm.s32 $0x10A40;
	v22 =	vld [tilespmem:s4+$0xFFFFFFD0];
	v16 =	vpack.i.f32.bf16 v17, v16  }
0x87: {  	v17 =	vld [tilespmem:s4+$0x40];
	[tilespmem:s23+$0x60] =	vst v16  }
0x88: {  	v16 =	vld [tilespmem:s4+$0xE0]  }
0x89: {  	v23 =	vld [tilespmem:s4+$0xF0]  }
0x8a: {  	v19 =	vpack.i.f32.bf16 v20, v19;
	v20 =	vld [tilespmem:s4+$0x50]  }
0x8b: {  	[tilespmem:s23+$0xFFFFFFA0] =	vst v19;
	v19 =	vld [tilespmem:s4+$0xFFFFFEC0]  }
0x8c: {  	v21 =	vpack.i.f32.bf16 v22, v21;
	v22 =	vld [tilespmem:s4+$0xFFFFFF60]  }
0x8d: {  	[tilespmem:s23+$0xFFFFFFE0] =	vst v21;
	v21 =	vld [tilespmem:s4+$0xFFFFFF70]  }
0x8e: {  	v24 =	vld [tilespmem:s4+$0xFFFFFFE0];
	v16 =	vpack.i.f32.bf16 v23, v16  }
0x8f: {  	v23 =	vld [tilespmem:s4+$0xFFFFFFF0];
	[tilespmem:s23+$0x70] =	vst v16  }
0x90: {  	v16 =	vpack.i.f32.bf16 v18, v19;
	v18 =	vld [tilespmem:s4+$0x100]  }
0x91: {  	[tilespmem:s23+$0xFFFFFF60] =	vst v16;
	v16 =	vld [tilespmem:s4+$0x110]  }
0x92: {  	v17 =	vpack.i.f32.bf16 v20, v17;
	v19 =	vld [tilespmem:s4+$0xFFFFFEE0]  }
0x93: {  	[tilespmem:s23+$0x20] =	vst v17;
	v17 =	vld [tilespmem:s4+$0xFFFFFEF0]  }
0x94: {  	v20 =	vpack.i.f32.bf16 v21, v22;
	v21 =	vld [tilespmem:s4+$0x60]  }
0x95: {  	[tilespmem:s23+$0xFFFFFFB0] =	vst v20;
	v20 =	vld [tilespmem:s4+$0x70]  }
0x96: {  	v22 =	vld [tilespmem:s4+$0xFFFFFF80];
	v16 =	vpack.i.f32.bf16 v16, v18  }
0x97: {  	v18 =	vld [tilespmem:s4+$0xFFFFFF90];
	[tilespmem:s23+$0x80] =	vst v16  }
0x98: {  	v16 =	vpack.i.f32.bf16 v17, v19;
	v19 =	vld [tilespmem:s4+$0x120]  }
0x99: {  	[tilespmem:s23+$0xFFFFFF70] =	vst v16;
	v25 =	vld [tilespmem:s4+$0x130]  }
0x9a: {  	v16 =	vpack.i.f32.bf16 v23, v24;
	v17 =	vld [tilespmem:s4+$0xFFFFFF00]  }
0x9b: {  	[tilespmem:s23+$0xFFFFFFF0] =	vst v16;
	v16 =	vld [tilespmem:s4+$0xFFFFFF10]  }
0x9c: {  	v20 =	vpack.i.f32.bf16 v20, v21;
	v21 =	vld [tilespmem:s4+$0x0]  }
0x9d: {  	[tilespmem:s23+$0x30] =	vst v20;
	v20 =	vld [tilespmem:s4+$0x10]  }
0x9e: {  	v23 =	vld [tilespmem:s4+$0x90];
	v18 =	vpack.i.f32.bf16 v18, v22  }
0x9f: {  	v22 =	vld [tilespmem:s4+$0x80];
	[tilespmem:s23+$0xFFFFFFC0] =	vst v18  }
0xa0: {  	v63 =	vld [tilespmem:s4+$0xFFFFFFA0];
	v16 =	vpack.i.f32.bf16 v16, v17  }
0xa1: {  	v26 =	vld [tilespmem:s4+$0xFFFFFFB0];
	[tilespmem:s23+$0xFFFFFF80] =	vst v16  }
0xa2: {  	v17 =	vpack.i.f32.bf16 v20, v21;
	v16 =	vld [tilespmem:s4+$0xFFFFFF20]  }
0xa3: {  	v18 =	vld [tilespmem:s4+$0xFFFFFF30];
	[tilespmem:s23+$0x0] =	vst v17  }
0xa4: {  	v21 =	vpack.i.f32.bf16 v23, v22;
	v17 =	vld [tilespmem:s4+$0x20]  }
0xa5: {  	v19 =	vpack.i.f32.bf16 v25, v19;
	v20 =	vld [tilespmem:s4+$0x30];
	[tilespmem:s23+$0x40] =	vst v21  }
0xa6: {  	[tilespmem:s23+$0x90] =	vst v19;
	v21 =	vpack.i.f32.bf16 v26, v63;
	v19 =	vld [tilespmem:s4+$0xA0]  }
0xa7: {  	s1 =	simm.s32 $0x0;
	[tilespmem:s23+$0xFFFFFFD0] =	vst v21;
	v21 =	vld [tilespmem:s4+$0xB0];
	s4 =	simm.s32 $0xCEE0  }
.LBB2_4:
0xa8: {  	v22 =	vld [tilespmem:s4+$0xC0];
	v16 =	vpack.i.f32.bf16 v18, v16  }
0xa9: {  	v18 =	vld [tilespmem:s4+$0xD0];
	[tilespmem:s23+$0xFFFFFF90] =	vst v16  }
0xaa: {  	v16 =	vld [tilespmem:s4+$0xFFFFFED0];
	v17 =	vpack.i.f32.bf16 v20, v17  }
0xab: {  	v20 =	vld [tilespmem:s4+$0xFFFFFF40];
	[tilespmem:s23+$0x10] =	vst v17  }
0xac: {  	s1 =	sadd.s32 $0x5, s1;
	v17 =	vld [tilespmem:s4+$0xFFFFFF50];
	v19 =	vpack.i.f32.bf16 v21, v19  }
0xad: {  	p0 =	slt.u32 s1, $0x78;
	v21 =	vld [tilespmem:s4+$0xFFFFFFC0];
	[tilespmem:s23+$0x50] =	vst v19  }
0xae: {  	s23 =	sadd.s32 $0x140, s23;
	v19 =	vld [tilespmem:s4+$0xFFFFFFD0];
	v18 =	vpack.i.f32.bf16 v18, v22  }
0xaf: {  	v22 =	vld [tilespmem:s4+$0x40];
	[tilespmem:s23+$0x60] =	vst v18  }
0xb0: {  	v18 =	vld [tilespmem:s4+$0xE0]  }
0xb1: {  	v17 =	vpack.i.f32.bf16 v17, v20;
	v20 =	vld [tilespmem:s4+$0xF0]  }
0xb2: {  	[tilespmem:s23+$0xFFFFFFA0] =	vst v17;
	v17 =	vld [tilespmem:s4+$0x50]  }
0xb3: {  	v23 =	vld [tilespmem:s4+$0xFFFFFEC0];
	v19 =	vpack.i.f32.bf16 v19, v21  }
0xb4: {  	v21 =	vld [tilespmem:s4+$0xFFFFFF60];
	[tilespmem:s23+$0xFFFFFFE0] =	vst v19  }
0xb5: {  	v19 =	vld [tilespmem:s4+$0xFFFFFF70]  }
0xb6: {  	v24 =	vld [tilespmem:s4+$0xFFFFFFE0];
	v18 =	vpack.i.f32.bf16 v20, v18  }
0xb7: {  	v20 =	vld [tilespmem:s4+$0xFFFFFFF0];
	v17 =	vpack.i.f32.bf16 v17, v22;
	[tilespmem:s23+$0x70] =	vst v18  }
0xb8: {  	v16 =	vpack.i.f32.bf16 v16, v23;
	[tilespmem:s23+$0x20] =	vst v17;
	v17 =	vld [tilespmem:s4+$0x100]  }
0xb9: {  	[tilespmem:s23+$0xFFFFFF60] =	vst v16;
	v16 =	vld [tilespmem:s4+$0x110]  }
0xba: {  	v18 =	vld [tilespmem:s4+$0xFFFFFEE0];
	v19 =	vpack.i.f32.bf16 v19, v21  }
0xbb: {  	v21 =	vld [tilespmem:s4+$0xFFFFFEF0];
	[tilespmem:s23+$0xFFFFFFB0] =	vst v19  }
0xbc: {  	v19 =	vpack.i.f32.bf16 v20, v24;
	v20 =	vld [tilespmem:s4+$0x60]  }
0xbd: {  	[tilespmem:s23+$0xFFFFFFF0] =	vst v19;
	v19 =	vld [tilespmem:s4+$0x70]  }
0xbe: {  	v22 =	vld [tilespmem:s4+$0xFFFFFF80];
	v16 =	vpack.i.f32.bf16 v16, v17  }
0xbf: {  	v17 =	vld [tilespmem:s4+$0xFFFFFF90];
	[tilespmem:s23+$0x80] =	vst v16  }
0xc0: {  	v16 =	vpack.i.f32.bf16 v21, v18;
	v18 =	vld [tilespmem:s4+$0x120]  }
0xc1: {  	[tilespmem:s23+$0xFFFFFF70] =	vst v16;
	v16 =	vld [tilespmem:s4+$0x130]  }
0xc2: {  	v21 =	vld [tilespmem:s4+$0xFFFFFF00];
	v19 =	vpack.i.f32.bf16 v19, v20  }
0xc3: {  	v20 =	vld [tilespmem:s4+$0xFFFFFF10];
	[tilespmem:s23+$0x30] =	vst v19  }
0xc4: {  	v17 =	vpack.i.f32.bf16 v17, v22;
	v19 =	vld [tilespmem:s4+$0x0]  }
0xc5: {  	[tilespmem:s23+$0xFFFFFFC0] =	vst v17;
	v17 =	vld [tilespmem:s4+$0x10]  }
0xc6: {  	v22 =	vld [tilespmem:s4+$0x80];
	v16 =	vpack.i.f32.bf16 v16, v18  }
0xc7: {  	v23 =	vld [tilespmem:s4+$0x90];
	[tilespmem:s23+$0x90] =	vst v16  }
0xc8: {  	v16 =	vpack.i.f32.bf16 v20, v21;
	v21 =	vld [tilespmem:s4+$0xFFFFFFA0]  }
0xc9: {  	[tilespmem:s23+$0xFFFFFF80] =	vst v16;
	v24 =	vld [tilespmem:s4+$0xFFFFFFB0]  }
0xca: {  	v16 =	vld [tilespmem:s4+$0xFFFFFF20];
	v17 =	vpack.i.f32.bf16 v17, v19  }
.Ltmp3:
0xcb: {  	v18 =	vld [tilespmem:s4+$0xFFFFFF30];
	[tilespmem:s23+$0x0] =	vst v17;
	(pc) =	sbr.rel @p0 .LBB2_4-.Ltmp3, $4  }
0xcc: {  	v17 =	vld [tilespmem:s4+$0x20];
	v19 =	vpack.i.f32.bf16 v23, v22  }
0xcd: {  	v20 =	vld [tilespmem:s4+$0x30];
	[tilespmem:s23+$0x40] =	vst v19  }
0xce: {  	v21 =	vpack.i.f32.bf16 v24, v21;
	v19 =	vld [tilespmem:s4+$0xA0]  }
0xcf: {  	[tilespmem:s23+$0xFFFFFFD0] =	vst v21;
	v21 =	vld [tilespmem:s4+$0xB0];
	s4 =	sadd.s32 $0x280, s4  }
0xd0: {  	_ =	sdelay $0x1  }
0xd1: {  	v16 =	vpack.i.f32.bf16 v18, v16  }
0xd2: {  	[tilespmem:s23+$0xFFFFFF90] =	vst v16;
	v16 =	vpack.i.f32.bf16 v20, v17  }
0xd3: {  	[tilespmem:s23+$0x10] =	vst v16;
	v16 =	vpack.i.f32.bf16 v21, v19  }
0xd4: {  	[tilespmem:s23+$0x50] =	vst v16  }
0xd5: {  	[spmem:s7] =	stream.linear.scatter [tilespmem:s20], [sflag:$0x3], $0x1F40, $0x38;
	[tilespmem:$0x1C520] =	vst v63  }
0xd6: {  	_ =	swait.ge [sflag:s19], $0x1F40  }
0xd7: {  	[sflag:s19] =	ssyncset.done $0x0  }
0xd8: {  	[sflag:s19] =	ssyncadd.s32 $0xFFFFE0C0  }
0xd9: {  	[tilespmem:s18], [sflag:$0x3] =	stream.linear.gather [hbm4b:s8+s3], $0x3E80, $0x38;
	[tilespmem:$0x1C520] =	vst v63  }
0xda: {  	_ =	swait.ge [sflag:s19], $0x3E80  }
0xdb: {  	[sflag:s19] =	ssyncset.done $0x0  }
0xdc: {  	s4 =	simm.s32 $0xCC60;
	[sflag:s19] =	ssyncadd.s32 $0xFFFFC180  }
0xdd: {  	v16 =	vld [tilespmem:s4+$0xC0]  }
0xde: {  	v17 =	vld [tilespmem:s4+$0xD0]  }
0xdf: {  	v18 =	vld [tilespmem:s4+$0xFFFFFED0]  }
0xe0: {  	v19 =	vld [tilespmem:s4+$0xFFFFFF40]  }
0xe1: {  	v20 =	vld [tilespmem:s4+$0xFFFFFF50]  }
0xe2: {  	v21 =	vld [tilespmem:s4+$0xFFFFFFC0]  }
0xe3: {  	s23 =	simm.s32 $0x10A40;
	v22 =	vld [tilespmem:s4+$0xFFFFFFD0];
	v16 =	vpack.i.f32.bf16 v17, v16  }
0xe4: {  	v17 =	vld [tilespmem:s4+$0x40];
	[tilespmem:s23+$0x60] =	vst v16  }
0xe5: {  	v16 =	vld [tilespmem:s4+$0xE0]  }
0xe6: {  	v23 =	vld [tilespmem:s4+$0xF0]  }
0xe7: {  	v19 =	vpack.i.f32.bf16 v20, v19;
	v20 =	vld [tilespmem:s4+$0x50]  }
0xe8: {  	[tilespmem:s23+$0xFFFFFFA0] =	vst v19;
	v19 =	vld [tilespmem:s4+$0xFFFFFEC0]  }
0xe9: {  	v21 =	vpack.i.f32.bf16 v22, v21;
	v22 =	vld [tilespmem:s4+$0xFFFFFF60]  }
0xea: {  	[tilespmem:s23+$0xFFFFFFE0] =	vst v21;
	v21 =	vld [tilespmem:s4+$0xFFFFFF70]  }
0xeb: {  	v24 =	vld [tilespmem:s4+$0xFFFFFFE0];
	v16 =	vpack.i.f32.bf16 v23, v16  }
0xec: {  	v23 =	vld [tilespmem:s4+$0xFFFFFFF0];
	[tilespmem:s23+$0x70] =	vst v16  }
0xed: {  	v16 =	vpack.i.f32.bf16 v18, v19;
	v18 =	vld [tilespmem:s4+$0x100]  }
0xee: {  	[tilespmem:s23+$0xFFFFFF60] =	vst v16;
	v16 =	vld [tilespmem:s4+$0x110]  }
0xef: {  	v17 =	vpack.i.f32.bf16 v20, v17;
	v19 =	vld [tilespmem:s4+$0xFFFFFEE0]  }
0xf0: {  	[tilespmem:s23+$0x20] =	vst v17;
	v17 =	vld [tilespmem:s4+$0xFFFFFEF0]  }
0xf1: {  	v20 =	vpack.i.f32.bf16 v21, v22;
	v21 =	vld [tilespmem:s4+$0x60]  }
0xf2: {  	[tilespmem:s23+$0xFFFFFFB0] =	vst v20;
	v20 =	vld [tilespmem:s4+$0x70]  }
0xf3: {  	v22 =	vld [tilespmem:s4+$0xFFFFFF80];
	v16 =	vpack.i.f32.bf16 v16, v18  }
0xf4: {  	v18 =	vld [tilespmem:s4+$0xFFFFFF90];
	[tilespmem:s23+$0x80] =	vst v16  }
0xf5: {  	v16 =	vpack.i.f32.bf16 v17, v19;
	v19 =	vld [tilespmem:s4+$0x120]  }
0xf6: {  	[tilespmem:s23+$0xFFFFFF70] =	vst v16;
	v25 =	vld [tilespmem:s4+$0x130]  }
0xf7: {  	v16 =	vpack.i.f32.bf16 v23, v24;
	v17 =	vld [tilespmem:s4+$0xFFFFFF00]  }
0xf8: {  	[tilespmem:s23+$0xFFFFFFF0] =	vst v16;
	v16 =	vld [tilespmem:s4+$0xFFFFFF10]  }
0xf9: {  	v20 =	vpack.i.f32.bf16 v20, v21;
	v21 =	vld [tilespmem:s4+$0x0]  }
0xfa: {  	[tilespmem:s23+$0x30] =	vst v20;
	v20 =	vld [tilespmem:s4+$0x10]  }
0xfb: {  	v23 =	vld [tilespmem:s4+$0x90];
	v18 =	vpack.i.f32.bf16 v18, v22  }
0xfc: {  	v22 =	vld [tilespmem:s4+$0x80];
	[tilespmem:s23+$0xFFFFFFC0] =	vst v18  }
0xfd: {  	v63 =	vld [tilespmem:s4+$0xFFFFFFA0];
	v16 =	vpack.i.f32.bf16 v16, v17  }
0xfe: {  	v26 =	vld [tilespmem:s4+$0xFFFFFFB0];
	[tilespmem:s23+$0xFFFFFF80] =	vst v16  }
0xff: {  	v17 =	vpack.i.f32.bf16 v20, v21;
	v16 =	vld [tilespmem:s4+$0xFFFFFF20]  }
0x100: {  	v18 =	vld [tilespmem:s4+$0xFFFFFF30];
	[tilespmem:s23+$0x0] =	vst v17  }
0x101: {  	v21 =	vpack.i.f32.bf16 v23, v22;
	v17 =	vld [tilespmem:s4+$0x20]  }
0x102: {  	v19 =	vpack.i.f32.bf16 v25, v19;
	v20 =	vld [tilespmem:s4+$0x30];
	[tilespmem:s23+$0x40] =	vst v21  }
0x103: {  	[tilespmem:s23+$0x90] =	vst v19;
	v21 =	vpack.i.f32.bf16 v26, v63;
	v19 =	vld [tilespmem:s4+$0xA0]  }
0x104: {  	s1 =	simm.s32 $0x0;
	[tilespmem:s23+$0xFFFFFFD0] =	vst v21;
	v21 =	vld [tilespmem:s4+$0xB0];
	s4 =	simm.s32 $0xCEE0  }
.LBB2_6:
0x105: {  	v22 =	vld [tilespmem:s4+$0xC0];
	v16 =	vpack.i.f32.bf16 v18, v16  }
0x106: {  	v18 =	vld [tilespmem:s4+$0xD0];
	[tilespmem:s23+$0xFFFFFF90] =	vst v16  }
0x107: {  	v16 =	vld [tilespmem:s4+$0xFFFFFED0];
	v17 =	vpack.i.f32.bf16 v20, v17  }
0x108: {  	v20 =	vld [tilespmem:s4+$0xFFFFFF40];
	[tilespmem:s23+$0x10] =	vst v17  }
0x109: {  	s1 =	sadd.s32 $0x5, s1;
	v17 =	vld [tilespmem:s4+$0xFFFFFF50];
	v19 =	vpack.i.f32.bf16 v21, v19  }
0x10a: {  	p0 =	slt.u32 s1, $0x78;
	v21 =	vld [tilespmem:s4+$0xFFFFFFC0];
	[tilespmem:s23+$0x50] =	vst v19  }
0x10b: {  	s23 =	sadd.s32 $0x140, s23;
	v19 =	vld [tilespmem:s4+$0xFFFFFFD0];
	v18 =	vpack.i.f32.bf16 v18, v22  }
0x10c: {  	v22 =	vld [tilespmem:s4+$0x40];
	[tilespmem:s23+$0x60] =	vst v18  }
0x10d: {  	v18 =	vld [tilespmem:s4+$0xE0]  }
0x10e: {  	v17 =	vpack.i.f32.bf16 v17, v20;
	v20 =	vld [tilespmem:s4+$0xF0]  }
0x10f: {  	[tilespmem:s23+$0xFFFFFFA0] =	vst v17;
	v17 =	vld [tilespmem:s4+$0x50]  }
0x110: {  	v23 =	vld [tilespmem:s4+$0xFFFFFEC0];
	v19 =	vpack.i.f32.bf16 v19, v21  }
0x111: {  	v21 =	vld [tilespmem:s4+$0xFFFFFF60];
	[tilespmem:s23+$0xFFFFFFE0] =	vst v19  }
0x112: {  	v19 =	vld [tilespmem:s4+$0xFFFFFF70]  }
0x113: {  	v24 =	vld [tilespmem:s4+$0xFFFFFFE0];
	v18 =	vpack.i.f32.bf16 v20, v18  }
0x114: {  	v20 =	vld [tilespmem:s4+$0xFFFFFFF0];
	v17 =	vpack.i.f32.bf16 v17, v22;
	[tilespmem:s23+$0x70] =	vst v18  }
0x115: {  	v16 =	vpack.i.f32.bf16 v16, v23;
	[tilespmem:s23+$0x20] =	vst v17;
	v17 =	vld [tilespmem:s4+$0x100]  }
0x116: {  	[tilespmem:s23+$0xFFFFFF60] =	vst v16;
	v16 =	vld [tilespmem:s4+$0x110]  }
0x117: {  	v18 =	vld [tilespmem:s4+$0xFFFFFEE0];
	v19 =	vpack.i.f32.bf16 v19, v21  }
0x118: {  	v21 =	vld [tilespmem:s4+$0xFFFFFEF0];
	[tilespmem:s23+$0xFFFFFFB0] =	vst v19  }
0x119: {  	v19 =	vpack.i.f32.bf16 v20, v24;
	v20 =	vld [tilespmem:s4+$0x60]  }
0x11a: {  	[tilespmem:s23+$0xFFFFFFF0] =	vst v19;
	v19 =	vld [tilespmem:s4+$0x70]  }
0x11b: {  	v22 =	vld [tilespmem:s4+$0xFFFFFF80];
	v16 =	vpack.i.f32.bf16 v16, v17  }
0x11c: {  	v17 =	vld [tilespmem:s4+$0xFFFFFF90];
	[tilespmem:s23+$0x80] =	vst v16  }
0x11d: {  	v16 =	vpack.i.f32.bf16 v21, v18;
	v18 =	vld [tilespmem:s4+$0x120]  }
0x11e: {  	[tilespmem:s23+$0xFFFFFF70] =	vst v16;
	v16 =	vld [tilespmem:s4+$0x130]  }
0x11f: {  	v21 =	vld [tilespmem:s4+$0xFFFFFF00];
	v19 =	vpack.i.f32.bf16 v19, v20  }
0x120: {  	v20 =	vld [tilespmem:s4+$0xFFFFFF10];
	[tilespmem:s23+$0x30] =	vst v19  }
0x121: {  	v17 =	vpack.i.f32.bf16 v17, v22;
	v19 =	vld [tilespmem:s4+$0x0]  }
0x122: {  	[tilespmem:s23+$0xFFFFFFC0] =	vst v17;
	v17 =	vld [tilespmem:s4+$0x10]  }
0x123: {  	v22 =	vld [tilespmem:s4+$0x80];
	v16 =	vpack.i.f32.bf16 v16, v18  }
0x124: {  	v23 =	vld [tilespmem:s4+$0x90];
	[tilespmem:s23+$0x90] =	vst v16  }
0x125: {  	v16 =	vpack.i.f32.bf16 v20, v21;
	v21 =	vld [tilespmem:s4+$0xFFFFFFA0]  }
0x126: {  	[tilespmem:s23+$0xFFFFFF80] =	vst v16;
	v24 =	vld [tilespmem:s4+$0xFFFFFFB0]  }
0x127: {  	v16 =	vld [tilespmem:s4+$0xFFFFFF20];
	v17 =	vpack.i.f32.bf16 v17, v19  }
.Ltmp4:
0x128: {  	v18 =	vld [tilespmem:s4+$0xFFFFFF30];
	[tilespmem:s23+$0x0] =	vst v17;
	(pc) =	sbr.rel @p0 .LBB2_6-.Ltmp4, $4  }
0x129: {  	v17 =	vld [tilespmem:s4+$0x20];
	v19 =	vpack.i.f32.bf16 v23, v22  }
0x12a: {  	v20 =	vld [tilespmem:s4+$0x30];
	[tilespmem:s23+$0x40] =	vst v19  }
0x12b: {  	v21 =	vpack.i.f32.bf16 v24, v21;
	v19 =	vld [tilespmem:s4+$0xA0]  }
0x12c: {  	[tilespmem:s23+$0xFFFFFFD0] =	vst v21;
	v21 =	vld [tilespmem:s4+$0xB0];
	s4 =	sadd.s32 $0x280, s4  }
0x12d: {  	_ =	sdelay $0x1  }
0x12e: {  	v16 =	vpack.i.f32.bf16 v18, v16  }
0x12f: {  	[tilespmem:s23+$0xFFFFFF90] =	vst v16;
	v16 =	vpack.i.f32.bf16 v20, v17  }
0x130: {  	[tilespmem:s23+$0x10] =	vst v16;
	v16 =	vpack.i.f32.bf16 v21, v19  }
0x131: {  	[tilespmem:s23+$0x50] =	vst v16  }
0x132: {  	[spmem:s9] =	stream.linear.scatter [tilespmem:s20], [sflag:$0x3], $0x1F40, $0x38;
	[tilespmem:$0x1C520] =	vst v63  }
0x133: {  	_ =	swait.ge [sflag:s19], $0x1F40  }
0x134: {  	[sflag:s19] =	ssyncset.done $0x0  }
0x135: {  	[sflag:s19] =	ssyncadd.s32 $0xFFFFE0C0  }
0x136: {  	[tilespmem:s18], [sflag:$0x3] =	stream.linear.gather [hbm4b:s10+s3], $0x3E80, $0x38;
	[tilespmem:$0x1C520] =	vst v63  }
0x137: {  	_ =	swait.ge [sflag:s19], $0x3E80  }
0x138: {  	[sflag:s19] =	ssyncset.done $0x0  }
0x139: {  	s4 =	simm.s32 $0xCC60;
	[sflag:s19] =	ssyncadd.s32 $0xFFFFC180  }
0x13a: {  	v16 =	vld [tilespmem:s4+$0xC0]  }
0x13b: {  	v17 =	vld [tilespmem:s4+$0xD0]  }
0x13c: {  	v18 =	vld [tilespmem:s4+$0xFFFFFED0]  }
0x13d: {  	v19 =	vld [tilespmem:s4+$0xFFFFFF40]  }
0x13e: {  	v20 =	vld [tilespmem:s4+$0xFFFFFF50]  }
0x13f: {  	v21 =	vld [tilespmem:s4+$0xFFFFFFC0]  }
0x140: {  	s23 =	simm.s32 $0x10A40;
	v22 =	vld [tilespmem:s4+$0xFFFFFFD0];
	v16 =	vpack.i.f32.bf16 v17, v16  }
0x141: {  	v17 =	vld [tilespmem:s4+$0x40];
	[tilespmem:s23+$0x60] =	vst v16  }
0x142: {  	v16 =	vld [tilespmem:s4+$0xE0]  }
0x143: {  	v23 =	vld [tilespmem:s4+$0xF0]  }
0x144: {  	v19 =	vpack.i.f32.bf16 v20, v19;
	v20 =	vld [tilespmem:s4+$0x50]  }
0x145: {  	[tilespmem:s23+$0xFFFFFFA0] =	vst v19;
	v19 =	vld [tilespmem:s4+$0xFFFFFEC0]  }
0x146: {  	v21 =	vpack.i.f32.bf16 v22, v21;
	v22 =	vld [tilespmem:s4+$0xFFFFFF60]  }
0x147: {  	[tilespmem:s23+$0xFFFFFFE0] =	vst v21;
	v21 =	vld [tilespmem:s4+$0xFFFFFF70]  }
0x148: {  	v24 =	vld [tilespmem:s4+$0xFFFFFFE0];
	v16 =	vpack.i.f32.bf16 v23, v16  }
0x149: {  	v23 =	vld [tilespmem:s4+$0xFFFFFFF0];
	[tilespmem:s23+$0x70] =	vst v16  }
0x14a: {  	v16 =	vpack.i.f32.bf16 v18, v19;
	v18 =	vld [tilespmem:s4+$0x100]  }
0x14b: {  	[tilespmem:s23+$0xFFFFFF60] =	vst v16;
	v16 =	vld [tilespmem:s4+$0x110]  }
0x14c: {  	v17 =	vpack.i.f32.bf16 v20, v17;
	v19 =	vld [tilespmem:s4+$0xFFFFFEE0]  }
0x14d: {  	[tilespmem:s23+$0x20] =	vst v17;
	v17 =	vld [tilespmem:s4+$0xFFFFFEF0]  }
0x14e: {  	v20 =	vpack.i.f32.bf16 v21, v22;
	v21 =	vld [tilespmem:s4+$0x60]  }
0x14f: {  	[tilespmem:s23+$0xFFFFFFB0] =	vst v20;
	v20 =	vld [tilespmem:s4+$0x70]  }
0x150: {  	v22 =	vld [tilespmem:s4+$0xFFFFFF80];
	v16 =	vpack.i.f32.bf16 v16, v18  }
0x151: {  	v18 =	vld [tilespmem:s4+$0xFFFFFF90];
	[tilespmem:s23+$0x80] =	vst v16  }
0x152: {  	v16 =	vpack.i.f32.bf16 v17, v19;
	v19 =	vld [tilespmem:s4+$0x120]  }
0x153: {  	[tilespmem:s23+$0xFFFFFF70] =	vst v16;
	v25 =	vld [tilespmem:s4+$0x130]  }
0x154: {  	v16 =	vpack.i.f32.bf16 v23, v24;
	v17 =	vld [tilespmem:s4+$0xFFFFFF00]  }
0x155: {  	[tilespmem:s23+$0xFFFFFFF0] =	vst v16;
	v16 =	vld [tilespmem:s4+$0xFFFFFF10]  }
0x156: {  	v20 =	vpack.i.f32.bf16 v20, v21;
	v21 =	vld [tilespmem:s4+$0x0]  }
0x157: {  	[tilespmem:s23+$0x30] =	vst v20;
	v20 =	vld [tilespmem:s4+$0x10]  }
0x158: {  	v23 =	vld [tilespmem:s4+$0x90];
	v18 =	vpack.i.f32.bf16 v18, v22  }
0x159: {  	v22 =	vld [tilespmem:s4+$0x80];
	[tilespmem:s23+$0xFFFFFFC0] =	vst v18  }
0x15a: {  	v63 =	vld [tilespmem:s4+$0xFFFFFFA0];
	v16 =	vpack.i.f32.bf16 v16, v17  }
0x15b: {  	v26 =	vld [tilespmem:s4+$0xFFFFFFB0];
	[tilespmem:s23+$0xFFFFFF80] =	vst v16  }
0x15c: {  	v17 =	vpack.i.f32.bf16 v20, v21;
	v16 =	vld [tilespmem:s4+$0xFFFFFF20]  }
0x15d: {  	v18 =	vld [tilespmem:s4+$0xFFFFFF30];
	[tilespmem:s23+$0x0] =	vst v17  }
0x15e: {  	v21 =	vpack.i.f32.bf16 v23, v22;
	v17 =	vld [tilespmem:s4+$0x20]  }
0x15f: {  	v19 =	vpack.i.f32.bf16 v25, v19;
	v20 =	vld [tilespmem:s4+$0x30];
	[tilespmem:s23+$0x40] =	vst v21  }
0x160: {  	[tilespmem:s23+$0x90] =	vst v19;
	v21 =	vpack.i.f32.bf16 v26, v63;
	v19 =	vld [tilespmem:s4+$0xA0]  }
0x161: {  	s1 =	simm.s32 $0x0;
	[tilespmem:s23+$0xFFFFFFD0] =	vst v21;
	v21 =	vld [tilespmem:s4+$0xB0];
	s4 =	simm.s32 $0xCEE0  }
.LBB2_8:
0x162: {  	v22 =	vld [tilespmem:s4+$0xC0];
	v16 =	vpack.i.f32.bf16 v18, v16  }
0x163: {  	v18 =	vld [tilespmem:s4+$0xD0];
	[tilespmem:s23+$0xFFFFFF90] =	vst v16  }
0x164: {  	v16 =	vld [tilespmem:s4+$0xFFFFFED0];
	v17 =	vpack.i.f32.bf16 v20, v17  }
0x165: {  	v20 =	vld [tilespmem:s4+$0xFFFFFF40];
	[tilespmem:s23+$0x10] =	vst v17  }
0x166: {  	s1 =	sadd.s32 $0x5, s1;
	v17 =	vld [tilespmem:s4+$0xFFFFFF50];
	v19 =	vpack.i.f32.bf16 v21, v19  }
0x167: {  	p0 =	slt.u32 s1, $0x78;
	v21 =	vld [tilespmem:s4+$0xFFFFFFC0];
	[tilespmem:s23+$0x50] =	vst v19  }
0x168: {  	s23 =	sadd.s32 $0x140, s23;
	v19 =	vld [tilespmem:s4+$0xFFFFFFD0];
	v18 =	vpack.i.f32.bf16 v18, v22  }
0x169: {  	v22 =	vld [tilespmem:s4+$0x40];
	[tilespmem:s23+$0x60] =	vst v18  }
0x16a: {  	v18 =	vld [tilespmem:s4+$0xE0]  }
0x16b: {  	v17 =	vpack.i.f32.bf16 v17, v20;
	v20 =	vld [tilespmem:s4+$0xF0]  }
0x16c: {  	[tilespmem:s23+$0xFFFFFFA0] =	vst v17;
	v17 =	vld [tilespmem:s4+$0x50]  }
0x16d: {  	v23 =	vld [tilespmem:s4+$0xFFFFFEC0];
	v19 =	vpack.i.f32.bf16 v19, v21  }
0x16e: {  	v21 =	vld [tilespmem:s4+$0xFFFFFF60];
	[tilespmem:s23+$0xFFFFFFE0] =	vst v19  }
0x16f: {  	v19 =	vld [tilespmem:s4+$0xFFFFFF70]  }
0x170: {  	v24 =	vld [tilespmem:s4+$0xFFFFFFE0];
	v18 =	vpack.i.f32.bf16 v20, v18  }
0x171: {  	v20 =	vld [tilespmem:s4+$0xFFFFFFF0];
	v17 =	vpack.i.f32.bf16 v17, v22;
	[tilespmem:s23+$0x70] =	vst v18  }
0x172: {  	v16 =	vpack.i.f32.bf16 v16, v23;
	[tilespmem:s23+$0x20] =	vst v17;
	v17 =	vld [tilespmem:s4+$0x100]  }
0x173: {  	[tilespmem:s23+$0xFFFFFF60] =	vst v16;
	v16 =	vld [tilespmem:s4+$0x110]  }
0x174: {  	v18 =	vld [tilespmem:s4+$0xFFFFFEE0];
	v19 =	vpack.i.f32.bf16 v19, v21  }
0x175: {  	v21 =	vld [tilespmem:s4+$0xFFFFFEF0];
	[tilespmem:s23+$0xFFFFFFB0] =	vst v19  }
0x176: {  	v19 =	vpack.i.f32.bf16 v20, v24;
	v20 =	vld [tilespmem:s4+$0x60]  }
0x177: {  	[tilespmem:s23+$0xFFFFFFF0] =	vst v19;
	v19 =	vld [tilespmem:s4+$0x70]  }
0x178: {  	v22 =	vld [tilespmem:s4+$0xFFFFFF80];
	v16 =	vpack.i.f32.bf16 v16, v17  }
0x179: {  	v17 =	vld [tilespmem:s4+$0xFFFFFF90];
	[tilespmem:s23+$0x80] =	vst v16  }
0x17a: {  	v16 =	vpack.i.f32.bf16 v21, v18;
	v18 =	vld [tilespmem:s4+$0x120]  }
0x17b: {  	[tilespmem:s23+$0xFFFFFF70] =	vst v16;
	v16 =	vld [tilespmem:s4+$0x130]  }
0x17c: {  	v21 =	vld [tilespmem:s4+$0xFFFFFF00];
	v19 =	vpack.i.f32.bf16 v19, v20  }
0x17d: {  	v20 =	vld [tilespmem:s4+$0xFFFFFF10];
	[tilespmem:s23+$0x30] =	vst v19  }
0x17e: {  	v17 =	vpack.i.f32.bf16 v17, v22;
	v19 =	vld [tilespmem:s4+$0x0]  }
0x17f: {  	[tilespmem:s23+$0xFFFFFFC0] =	vst v17;
	v17 =	vld [tilespmem:s4+$0x10]  }
0x180: {  	v22 =	vld [tilespmem:s4+$0x80];
	v16 =	vpack.i.f32.bf16 v16, v18  }
0x181: {  	v23 =	vld [tilespmem:s4+$0x90];
	[tilespmem:s23+$0x90] =	vst v16  }
0x182: {  	v16 =	vpack.i.f32.bf16 v20, v21;
	v21 =	vld [tilespmem:s4+$0xFFFFFFA0]  }
0x183: {  	[tilespmem:s23+$0xFFFFFF80] =	vst v16;
	v24 =	vld [tilespmem:s4+$0xFFFFFFB0]  }
0x184: {  	v16 =	vld [tilespmem:s4+$0xFFFFFF20];
	v17 =	vpack.i.f32.bf16 v17, v19  }
.Ltmp5:
0x185: {  	v18 =	vld [tilespmem:s4+$0xFFFFFF30];
	[tilespmem:s23+$0x0] =	vst v17;
	(pc) =	sbr.rel @p0 .LBB2_8-.Ltmp5, $4  }
0x186: {  	v17 =	vld [tilespmem:s4+$0x20];
	v19 =	vpack.i.f32.bf16 v23, v22  }
0x187: {  	v20 =	vld [tilespmem:s4+$0x30];
	[tilespmem:s23+$0x40] =	vst v19  }
0x188: {  	v21 =	vpack.i.f32.bf16 v24, v21;
	v19 =	vld [tilespmem:s4+$0xA0]  }
0x189: {  	[tilespmem:s23+$0xFFFFFFD0] =	vst v21;
	v21 =	vld [tilespmem:s4+$0xB0];
	s4 =	sadd.s32 $0x280, s4  }
0x18a: {  	_ =	sdelay $0x1  }
0x18b: {  	v16 =	vpack.i.f32.bf16 v18, v16  }
0x18c: {  	[tilespmem:s23+$0xFFFFFF90] =	vst v16;
	v16 =	vpack.i.f32.bf16 v20, v17  }
0x18d: {  	[tilespmem:s23+$0x10] =	vst v16;
	v16 =	vpack.i.f32.bf16 v21, v19  }
0x18e: {  	[tilespmem:s23+$0x50] =	vst v16  }
0x18f: {  	[spmem:s11] =	stream.linear.scatter [tilespmem:s20], [sflag:$0x3], $0x1F40, $0x38;
	[tilespmem:$0x1C520] =	vst v63  }
0x190: {  	_ =	swait.ge [sflag:s19], $0x1F40  }
0x191: {  	[sflag:s19] =	ssyncset.done $0x0  }
0x192: {  	[sflag:s19] =	ssyncadd.s32 $0xFFFFE0C0  }
0x193: {  	[tilespmem:s18], [sflag:$0x3] =	stream.linear.gather [hbm4b:s12+s3], $0x3E80, $0x38;
	[tilespmem:$0x1C520] =	vst v63  }
0x194: {  	_ =	swait.ge [sflag:s19], $0x3E80  }
0x195: {  	[sflag:s19] =	ssyncset.done $0x0  }
0x196: {  	s4 =	simm.s32 $0xCC60;
	[sflag:s19] =	ssyncadd.s32 $0xFFFFC180  }
0x197: {  	v16 =	vld [tilespmem:s4+$0xC0]  }
0x198: {  	v17 =	vld [tilespmem:s4+$0xD0]  }
0x199: {  	v18 =	vld [tilespmem:s4+$0xFFFFFED0]  }
0x19a: {  	v19 =	vld [tilespmem:s4+$0xFFFFFF40]  }
0x19b: {  	v20 =	vld [tilespmem:s4+$0xFFFFFF50]  }
0x19c: {  	v21 =	vld [tilespmem:s4+$0xFFFFFFC0]  }
0x19d: {  	s23 =	simm.s32 $0x10A40;
	v22 =	vld [tilespmem:s4+$0xFFFFFFD0];
	v16 =	vpack.i.f32.bf16 v17, v16  }
0x19e: {  	v17 =	vld [tilespmem:s4+$0x40];
	[tilespmem:s23+$0x60] =	vst v16  }
0x19f: {  	v16 =	vld [tilespmem:s4+$0xE0]  }
0x1a0: {  	v23 =	vld [tilespmem:s4+$0xF0]  }
0x1a1: {  	v19 =	vpack.i.f32.bf16 v20, v19;
	v20 =	vld [tilespmem:s4+$0x50]  }
0x1a2: {  	[tilespmem:s23+$0xFFFFFFA0] =	vst v19;
	v19 =	vld [tilespmem:s4+$0xFFFFFEC0]  }
0x1a3: {  	v21 =	vpack.i.f32.bf16 v22, v21;
	v22 =	vld [tilespmem:s4+$0xFFFFFF60]  }
0x1a4: {  	[tilespmem:s23+$0xFFFFFFE0] =	vst v21;
	v21 =	vld [tilespmem:s4+$0xFFFFFF70]  }
0x1a5: {  	v24 =	vld [tilespmem:s4+$0xFFFFFFE0];
	v16 =	vpack.i.f32.bf16 v23, v16  }
0x1a6: {  	v23 =	vld [tilespmem:s4+$0xFFFFFFF0];
	[tilespmem:s23+$0x70] =	vst v16  }
0x1a7: {  	v16 =	vpack.i.f32.bf16 v18, v19;
	v18 =	vld [tilespmem:s4+$0x100]  }
0x1a8: {  	[tilespmem:s23+$0xFFFFFF60] =	vst v16;
	v16 =	vld [tilespmem:s4+$0x110]  }
0x1a9: {  	v17 =	vpack.i.f32.bf16 v20, v17;
	v19 =	vld [tilespmem:s4+$0xFFFFFEE0]  }
0x1aa: {  	[tilespmem:s23+$0x20] =	vst v17;
	v17 =	vld [tilespmem:s4+$0xFFFFFEF0]  }
0x1ab: {  	v20 =	vpack.i.f32.bf16 v21, v22;
	v21 =	vld [tilespmem:s4+$0x60]  }
0x1ac: {  	[tilespmem:s23+$0xFFFFFFB0] =	vst v20;
	v20 =	vld [tilespmem:s4+$0x70]  }
0x1ad: {  	v22 =	vld [tilespmem:s4+$0xFFFFFF80];
	v16 =	vpack.i.f32.bf16 v16, v18  }
0x1ae: {  	v18 =	vld [tilespmem:s4+$0xFFFFFF90];
	[tilespmem:s23+$0x80] =	vst v16  }
0x1af: {  	v16 =	vpack.i.f32.bf16 v17, v19;
	v19 =	vld [tilespmem:s4+$0x120]  }
0x1b0: {  	[tilespmem:s23+$0xFFFFFF70] =	vst v16;
	v25 =	vld [tilespmem:s4+$0x130]  }
0x1b1: {  	v16 =	vpack.i.f32.bf16 v23, v24;
	v17 =	vld [tilespmem:s4+$0xFFFFFF00]  }
0x1b2: {  	[tilespmem:s23+$0xFFFFFFF0] =	vst v16;
	v16 =	vld [tilespmem:s4+$0xFFFFFF10]  }
0x1b3: {  	v20 =	vpack.i.f32.bf16 v20, v21;
	v21 =	vld [tilespmem:s4+$0x0]  }
0x1b4: {  	[tilespmem:s23+$0x30] =	vst v20;
	v20 =	vld [tilespmem:s4+$0x10]  }
0x1b5: {  	v23 =	vld [tilespmem:s4+$0x90];
	v18 =	vpack.i.f32.bf16 v18, v22  }
0x1b6: {  	v22 =	vld [tilespmem:s4+$0x80];
	[tilespmem:s23+$0xFFFFFFC0] =	vst v18  }
0x1b7: {  	v63 =	vld [tilespmem:s4+$0xFFFFFFA0];
	v16 =	vpack.i.f32.bf16 v16, v17  }
0x1b8: {  	v26 =	vld [tilespmem:s4+$0xFFFFFFB0];
	[tilespmem:s23+$0xFFFFFF80] =	vst v16  }
0x1b9: {  	v17 =	vpack.i.f32.bf16 v20, v21;
	v16 =	vld [tilespmem:s4+$0xFFFFFF20]  }
0x1ba: {  	v18 =	vld [tilespmem:s4+$0xFFFFFF30];
	[tilespmem:s23+$0x0] =	vst v17  }
0x1bb: {  	v21 =	vpack.i.f32.bf16 v23, v22;
	v17 =	vld [tilespmem:s4+$0x20]  }
0x1bc: {  	v19 =	vpack.i.f32.bf16 v25, v19;
	v20 =	vld [tilespmem:s4+$0x30];
	[tilespmem:s23+$0x40] =	vst v21  }
0x1bd: {  	[tilespmem:s23+$0x90] =	vst v19;
	v21 =	vpack.i.f32.bf16 v26, v63;
	v19 =	vld [tilespmem:s4+$0xA0]  }
0x1be: {  	s1 =	simm.s32 $0x0;
	[tilespmem:s23+$0xFFFFFFD0] =	vst v21;
	v21 =	vld [tilespmem:s4+$0xB0];
	s4 =	simm.s32 $0xCEE0  }
.LBB2_10:
0x1bf: {  	v22 =	vld [tilespmem:s4+$0xC0];
	v16 =	vpack.i.f32.bf16 v18, v16  }
0x1c0: {  	v18 =	vld [tilespmem:s4+$0xD0];
	[tilespmem:s23+$0xFFFFFF90] =	vst v16  }
0x1c1: {  	v16 =	vld [tilespmem:s4+$0xFFFFFED0];
	v17 =	vpack.i.f32.bf16 v20, v17  }
0x1c2: {  	v20 =	vld [tilespmem:s4+$0xFFFFFF40];
	[tilespmem:s23+$0x10] =	vst v17  }
0x1c3: {  	s1 =	sadd.s32 $0x5, s1;
	v17 =	vld [tilespmem:s4+$0xFFFFFF50];
	v19 =	vpack.i.f32.bf16 v21, v19  }
0x1c4: {  	p0 =	slt.u32 s1, $0x78;
	v21 =	vld [tilespmem:s4+$0xFFFFFFC0];
	[tilespmem:s23+$0x50] =	vst v19  }
0x1c5: {  	s23 =	sadd.s32 $0x140, s23;
	v19 =	vld [tilespmem:s4+$0xFFFFFFD0];
	v18 =	vpack.i.f32.bf16 v18, v22  }
0x1c6: {  	v22 =	vld [tilespmem:s4+$0x40];
	[tilespmem:s23+$0x60] =	vst v18  }
0x1c7: {  	v18 =	vld [tilespmem:s4+$0xE0]  }
0x1c8: {  	v17 =	vpack.i.f32.bf16 v17, v20;
	v20 =	vld [tilespmem:s4+$0xF0]  }
0x1c9: {  	[tilespmem:s23+$0xFFFFFFA0] =	vst v17;
	v17 =	vld [tilespmem:s4+$0x50]  }
0x1ca: {  	v23 =	vld [tilespmem:s4+$0xFFFFFEC0];
	v19 =	vpack.i.f32.bf16 v19, v21  }
0x1cb: {  	v21 =	vld [tilespmem:s4+$0xFFFFFF60];
	[tilespmem:s23+$0xFFFFFFE0] =	vst v19  }
0x1cc: {  	v19 =	vld [tilespmem:s4+$0xFFFFFF70]  }
0x1cd: {  	v24 =	vld [tilespmem:s4+$0xFFFFFFE0];
	v18 =	vpack.i.f32.bf16 v20, v18  }
0x1ce: {  	v20 =	vld [tilespmem:s4+$0xFFFFFFF0];
	v17 =	vpack.i.f32.bf16 v17, v22;
	[tilespmem:s23+$0x70] =	vst v18  }
0x1cf: {  	v16 =	vpack.i.f32.bf16 v16, v23;
	[tilespmem:s23+$0x20] =	vst v17;
	v17 =	vld [tilespmem:s4+$0x100]  }
0x1d0: {  	[tilespmem:s23+$0xFFFFFF60] =	vst v16;
	v16 =	vld [tilespmem:s4+$0x110]  }
0x1d1: {  	v18 =	vld [tilespmem:s4+$0xFFFFFEE0];
	v19 =	vpack.i.f32.bf16 v19, v21  }
0x1d2: {  	v21 =	vld [tilespmem:s4+$0xFFFFFEF0];
	[tilespmem:s23+$0xFFFFFFB0] =	vst v19  }
0x1d3: {  	v19 =	vpack.i.f32.bf16 v20, v24;
	v20 =	vld [tilespmem:s4+$0x60]  }
0x1d4: {  	[tilespmem:s23+$0xFFFFFFF0] =	vst v19;
	v19 =	vld [tilespmem:s4+$0x70]  }
0x1d5: {  	v22 =	vld [tilespmem:s4+$0xFFFFFF80];
	v16 =	vpack.i.f32.bf16 v16, v17  }
0x1d6: {  	v17 =	vld [tilespmem:s4+$0xFFFFFF90];
	[tilespmem:s23+$0x80] =	vst v16  }
0x1d7: {  	v16 =	vpack.i.f32.bf16 v21, v18;
	v18 =	vld [tilespmem:s4+$0x120]  }
0x1d8: {  	[tilespmem:s23+$0xFFFFFF70] =	vst v16;
	v16 =	vld [tilespmem:s4+$0x130]  }
0x1d9: {  	v21 =	vld [tilespmem:s4+$0xFFFFFF00];
	v19 =	vpack.i.f32.bf16 v19, v20  }
0x1da: {  	v20 =	vld [tilespmem:s4+$0xFFFFFF10];
	[tilespmem:s23+$0x30] =	vst v19  }
0x1db: {  	v17 =	vpack.i.f32.bf16 v17, v22;
	v19 =	vld [tilespmem:s4+$0x0]  }
0x1dc: {  	[tilespmem:s23+$0xFFFFFFC0] =	vst v17;
	v17 =	vld [tilespmem:s4+$0x10]  }
0x1dd: {  	v22 =	vld [tilespmem:s4+$0x80];
	v16 =	vpack.i.f32.bf16 v16, v18  }
0x1de: {  	v23 =	vld [tilespmem:s4+$0x90];
	[tilespmem:s23+$0x90] =	vst v16  }
0x1df: {  	v16 =	vpack.i.f32.bf16 v20, v21;
	v21 =	vld [tilespmem:s4+$0xFFFFFFA0]  }
0x1e0: {  	[tilespmem:s23+$0xFFFFFF80] =	vst v16;
	v24 =	vld [tilespmem:s4+$0xFFFFFFB0]  }
0x1e1: {  	v16 =	vld [tilespmem:s4+$0xFFFFFF20];
	v17 =	vpack.i.f32.bf16 v17, v19  }
.Ltmp6:
0x1e2: {  	v18 =	vld [tilespmem:s4+$0xFFFFFF30];
	[tilespmem:s23+$0x0] =	vst v17;
	(pc) =	sbr.rel @p0 .LBB2_10-.Ltmp6, $4  }
0x1e3: {  	v17 =	vld [tilespmem:s4+$0x20];
	v19 =	vpack.i.f32.bf16 v23, v22  }
0x1e4: {  	v20 =	vld [tilespmem:s4+$0x30];
	[tilespmem:s23+$0x40] =	vst v19  }
0x1e5: {  	v21 =	vpack.i.f32.bf16 v24, v21;
	v19 =	vld [tilespmem:s4+$0xA0]  }
0x1e6: {  	[tilespmem:s23+$0xFFFFFFD0] =	vst v21;
	v21 =	vld [tilespmem:s4+$0xB0];
	s4 =	sadd.s32 $0x280, s4  }
0x1e7: {  	_ =	sdelay $0x1  }
0x1e8: {  	v16 =	vpack.i.f32.bf16 v18, v16  }
0x1e9: {  	[tilespmem:s23+$0xFFFFFF90] =	vst v16;
	v16 =	vpack.i.f32.bf16 v20, v17  }
0x1ea: {  	[tilespmem:s23+$0x10] =	vst v16;
	v16 =	vpack.i.f32.bf16 v21, v19  }
0x1eb: {  	[tilespmem:s23+$0x50] =	vst v16  }
0x1ec: {  	[spmem:s13] =	stream.linear.scatter [tilespmem:s20], [sflag:$0x3], $0x1F40, $0x38;
	[tilespmem:$0x1C520] =	vst v63  }
0x1ed: {  	_ =	swait.ge [sflag:s19], $0x1F40  }
0x1ee: {  	[sflag:s19] =	ssyncset.done $0x0  }
0x1ef: {  	s23 =	simm.s32 $0x0;
	[sflag:s19] =	ssyncadd.s32 $0xFFFFE0C0  }
0x1f0: {  	[tilespmem:s23], [sflag:$0x3] =	stream.linear.gather [hbm4b:s14+s23], $0x2710, $0x38;
	[tilespmem:$0x1C520] =	vst v63  }
0x1f1: {  	_ =	swait.ge [sflag:s19], $0x2710  }
0x1f2: {  	[sflag:s19] =	ssyncset.done $0x0  }
0x1f3: {  	s1 =	simm.s32 $0x2760;
	[sflag:s19] =	ssyncadd.s32 $0xFFFFD8F0  }
0x1f4: {  	[tilespmem:s1], [sflag:$0x3] =	stream.linear.gather [hbm4b:s15+s23], $0x2710, $0x38;
	[tilespmem:$0x1C520] =	vst v63  }
0x1f5: {  	_ =	swait.ge [sflag:s19], $0x2710  }
0x1f6: {  	[sflag:s19] =	ssyncset.done $0x0  }
0x1f7: {  	[sflag:s19] =	ssyncadd.s32 $0xFFFFD8F0  }
0x1f8: {  	v16 =	vld [tilespmem:$0x0]  }
0x1f9: {  	v17 =	vld [tilespmem:$0x2760]  }
0x1fa: {  	v58 =	vld [tilespmem:$0x10]  }
0x1fb: {  	v59 =	vld [tilespmem:$0x2770]  }
0x1fc: {  	v60 =	vld [tilespmem:$0x20]  }
0x1fd: {  	v61 =	vld [tilespmem:$0x2790];
	[tilespmem:$0x2710] =	vst v16  }
0x1fe: {  	v62 =	vld [tilespmem:$0x40];
	[tilespmem:$0x4E70] =	vst v17  }
0x1ff: {  	v63 =	vld [tilespmem:$0x27A0];
	[tilespmem:$0x2720] =	vst v58  }
0x200: {  	v16 =	vld [tilespmem:$0x2780];
	[tilespmem:$0x4E80] =	vst v59  }
0x201: {  	v17 =	vld [tilespmem:$0x30];
	[tilespmem:$0x2730] =	vst v60  }
0x202: {  	[tilespmem:$0x4EA0] =	vst v61  }
0x203: {  	[tilespmem:$0x2750] =	vst v62  }
0x204: {  	[tilespmem:$0x4EB0] =	vst v63  }
0x205: {  	[tilespmem:$0x4E90] =	vst v16  }
0x206: {  	[tilespmem:$0x2740] =	vst v17  }
0x207: {  	s4 =	simm.s32 $0x4EC0;
	[bflag:$0x0] =	sbarrier.arrive $0xFFFF  }
0x208: {  	[tilespmem:s4], [sflag:$0x1] =	stream.indirect.gather [spmem:s2], $0x40, s23, s22, $0xb8;
	[tilespmem:$0x1C520] =	vst v63  }
0x209: {  	s24 =	simm.s32 $0x62C0  }
0x20a: {  	[tilespmem:s24], [sflag:$0x1] =	stream.indirect.gather [spmem:s2], $0x40, s1, s22, $0xb8;
	[tilespmem:$0x1C520] =	vst v63  }
0x20b: {  	_ = 	snop  }
0x20c: {  	[tilespmem:s25], [sflag:$0x2] =	stream.indirect.gather [spmem:s2], $0x40, s22, s22, $0xb8;
	[tilespmem:$0x1C520] =	vst v63  }
0x20d: {  	s26 =	simm.s32 $0x27B0  }
0x20e: {  	[tilespmem:s28], [sflag:$0x2] =	stream.indirect.gather [spmem:s2], $0x40, s26, s22, $0xb8;
	[tilespmem:$0x1C520] =	vst v63  }
0x20f: {  	s24 =	simm.s32 $0x9EC0;
	s26 =	simm.s32 $0x9F10  }
.LBB2_12:
0x210: {  	_ =	swait.ge [sflag:s29], $0x1400  }
0x211: {  	[sflag:s29] =	ssyncset.done $0x0  }
0x212: {  	[sflag:s29] =	ssyncadd.s32 $0xFFFFEC00  }
0x213: {  	_ =	swait.ge [sflag:s29], $0x1400  }
0x214: {  	[sflag:s29] =	ssyncset.done $0x0  }
0x215: {  	s5 =	simm.s32 $0x4F40;
	[sflag:s29] =	ssyncadd.s32 $0xFFFFEC00  }
0x216: {  	s1 =	simm.s32 $0x6340;
	v16 =	vld [tilespmem:s5+$0x40]  }
0x217: {  	v17 =	vld [tilespmem:s1+$0x40]  }
0x218: {  	v18 =	vld [tilespmem:s5+$0x50]  }
0x219: {  	v19 =	vld [tilespmem:s1+$0x50]  }
0x21a: {  	v20 =	vld [tilespmem:s5+$0x60]  }
0x21b: {  	v21 =	vld [tilespmem:s1+$0x60]  }
0x21c: {  	v22 =	vld [tilespmem:s5+$0x70]  }
0x21d: {  	v23 =	vld [tilespmem:s1+$0x70]  }
0x21e: {  	v24 =	vld [tilespmem:s1+$0xFFFFFF80]  }
0x21f: {  	v25 =	vld [tilespmem:s5+$0xFFFFFF90]  }
0x220: {  	v26 =	vld [tilespmem:s1+$0xFFFFFF90]  }
0x221: {  	v27 =	vld [tilespmem:s5+$0xFFFFFFC0]  }
0x222: {  	v28 =	vld [tilespmem:s1+$0xFFFFFFC0]  }
0x223: {  	v29 =	vld [tilespmem:s5+$0xFFFFFFD0]  }
0x224: {  	v30 =	vld [tilespmem:s1+$0xFFFFFFD0]  }
0x225: {  	v31 =	vld [tilespmem:s5+$0x0]  }
0x226: {  	v32 =	vld [tilespmem:s1+$0x0]  }
0x227: {  	v33 =	vld [tilespmem:s5+$0x10]  }
0x228: {  	v34 =	vld [tilespmem:s1+$0xFFFFFFA0];
	v16 =	vmul.bf16 v17, v16;
	v17 =	vmul.bf16 v19, v18  }
0x229: {  	v35 =	vld [tilespmem:s5+$0x20]  }
0x22a: {  	v19 =	vld [tilespmem:s5+$0xFFFFFF80];
	v16 =	vadd.bf16 v17, v16;
	v17 =	vmul.bf16 v21, v20  }
0x22b: {  	v18 =	vld [tilespmem:s1+$0x10]  }
0x22c: {  	v21 =	vld [tilespmem:s5+$0xFFFFFFA0];
	v16 =	vadd.bf16 v17, v16;
	v17 =	vmul.bf16 v23, v22  }
0x22d: {  	v22 =	vld [tilespmem:s5+$0xFFFFFFE0]  }
0x22e: {  	v25 =	vmul.bf16 v26, v25;
	v23 =	vld [tilespmem:s1+$0xFFFFFFE0];
	v16 =	vadd.bf16 v17, v16  }
0x22f: {  	v19 =	vmul.bf16 v24, v19;
	v17 =	vmul.bf16 v28, v27;
	v27 =	vld [tilespmem:s1+$0x20]  }
0x230: {  	v29 =	vmul.bf16 v30, v29;
	v20 =	vunpack.i.u.bf16.f32 v16;
	v61 =	vunpack.i.l.bf16.f32 v16;
	v16 =	vld [tilespmem:s5+$0xFFFFFFB0]  }
0x231: {  	v62 =	vmul.bf16 v18, v33;
	v25 =	vadd.bf16 v25, v19;
	v26 =	vadd.f32 v61, v20;
	v20 =	vld [tilespmem:s1+$0xFFFFFFB0]  }
0x232: {  	v18 =	vld [tilespmem:s5+$0xFFFFFFF0];
	v21 =	vmul.bf16 v34, v21;
	v24 =	vadd.bf16 v29, v17;
	v17 =	vmul.bf16 v32, v31  }
0x233: {  	v63 =	vmul.bf16 v23, v22;
	v22 =	vld [tilespmem:s1+$0xFFFFFFF0]  }
0x234: {  	s4 =	simm.s32 $0xC640;
	v19 =	vld [tilespmem:s5+$0x30];
	v23 =	vadd.bf16 v21, v25;
	v17 =	vadd.bf16 v62, v17;
	v25 =	vmul.bf16 v27, v35  }
0x235: {  	s21 =	simm.s32 $0x0;
	s5 =	simm.s32 $0x5040;
	[tilespmem:s4+$0x10] =	vst v26;
	v21 =	vadd.bf16 v63, v24;
	v24 =	vld [tilespmem:s1+$0x30]  }
.LBB2_13:
0x236: {  	v26 =	vld [tilespmem:s5+$0x40];
	v16 =	vmul.bf16 v20, v16;
	v17 =	vadd.bf16 v25, v17;
	s1 =	sadd.s32 $0x100, s1  }
0x237: {  	v20 =	vld [tilespmem:s1+$0x40]  }
0x238: {  	v25 =	vld [tilespmem:s5+$0x50];
	v16 =	vadd.bf16 v16, v23;
	v18 =	vmul.bf16 v22, v18  }
0x239: {  	s21 =	sadd.s32 $0x4, s21;
	v22 =	vld [tilespmem:s1+$0x50]  }
0x23a: {  	p0 =	slt.u32 s21, $0x4C;
	v23 =	vld [tilespmem:s5+$0x60];
	v27 =	vunpack.i.u.bf16.f32 v16;
	v18 =	vadd.bf16 v18, v21;
	v19 =	vmul.bf16 v24, v19  }
0x23b: {  	v16 =	vunpack.i.l.bf16.f32 v16;
	v21 =	vld [tilespmem:s1+$0x60]  }
0x23c: {  	v24 =	vld [tilespmem:s5+$0x70];
	v28 =	vunpack.i.u.bf16.f32 v18;
	v18 =	vunpack.i.l.bf16.f32 v18;
	v17 =	vadd.bf16 v19, v17  }
0x23d: {  	v16 =	vadd.f32 v16, v27;
	v19 =	vld [tilespmem:s1+$0x70];
	v18 =	vadd.f32 v18, v28  }
0x23e: {  	v20 =	vmul.bf16 v20, v26;
	v27 =	vld [tilespmem:s1+$0xFFFFFF80];
	v22 =	vmul.bf16 v22, v25;
	v25 =	vunpack.i.u.bf16.f32 v17  }
0x23f: {  	v26 =	vld [tilespmem:s5+$0xFFFFFF90];
	[tilespmem:s4+$0xFFFFFFE0] =	vst v16;
	v16 =	vunpack.i.l.bf16.f32 v17  }
0x240: {  	v17 =	vld [tilespmem:s1+$0xFFFFFF90];
	v20 =	vadd.bf16 v22, v20;
	v21 =	vmul.bf16 v21, v23;
	[tilespmem:s4+$0xFFFFFFF0] =	vst v18;
	v16 =	vadd.f32 v16, v25  }
0x241: {  	v18 =	vld [tilespmem:s5+$0xFFFFFFC0]  }
0x242: {  	v22 =	vld [tilespmem:s1+$0xFFFFFFC0];
	v20 =	vadd.bf16 v21, v20;
	v19 =	vmul.bf16 v19, v24;
	[tilespmem:s4+$0x0] =	vst v16  }
0x243: {  	v16 =	vld [tilespmem:s5+$0xFFFFFFD0]  }
0x244: {  	v21 =	vld [tilespmem:s1+$0xFFFFFFD0];
	v19 =	vadd.bf16 v19, v20  }
0x245: {  	v20 =	vmul.bf16 v17, v26;
	v17 =	vld [tilespmem:s5+$0x0]  }
0x246: {  	v23 =	vld [tilespmem:s1+$0x0];
	v24 =	vunpack.i.u.bf16.f32 v19;
	v19 =	vunpack.i.l.bf16.f32 v19  }
0x247: {  	v18 =	vmul.bf16 v22, v18;
	v22 =	vld [tilespmem:s5+$0x10];
	v19 =	vadd.f32 v19, v24  }
0x248: {  	s4 =	sadd.s32 $0x40, s4;
	v24 =	vld [tilespmem:s1+$0x10]  }
0x249: {  	s6 =	simm.s32 $0x0;
	v25 =	vld [tilespmem:s5+$0xFFFFFF80];
	v16 =	vmul.bf16 v21, v16;
	[tilespmem:s4+$0x10] =	vst v19  }
0x24a: {  	v19 =	vld [tilespmem:s5+$0xFFFFFFA0]  }
0x24b: {  	v21 =	vld [tilespmem:s1+$0xFFFFFFA0];
	v26 =	vadd.bf16 v16, v18;
	v16 =	vmul.bf16 v23, v17  }
0x24c: {  	v18 =	vld [tilespmem:s5+$0xFFFFFFE0]  }
0x24d: {  	v28 =	vld [tilespmem:s1+$0xFFFFFFE0];
	v17 =	vmul.bf16 v24, v22  }
0x24e: {  	v22 =	vmul.bf16 v27, v25;
	v24 =	vld [tilespmem:s5+$0x20]  }
0x24f: {  	v17 =	vadd.bf16 v17, v16;
	v25 =	vld [tilespmem:s1+$0x20]  }
0x250: {  	v22 =	vadd.bf16 v20, v22;
	v19 =	vmul.bf16 v21, v19;
	v16 =	vld [tilespmem:s5+$0xFFFFFFB0]  }
.Ltmp7:
0x251: {  	v20 =	vld [tilespmem:s1+$0xFFFFFFB0];
	(pc) =	sbr.rel @p0 .LBB2_13-.Ltmp7, $4  }
0x252: {  	v23 =	vadd.bf16 v19, v22;
	v19 =	vmul.bf16 v28, v18;
	v18 =	vld [tilespmem:s5+$0xFFFFFFF0]  }
0x253: {  	v22 =	vld [tilespmem:s1+$0xFFFFFFF0]  }
0x254: {  	v21 =	vadd.bf16 v19, v26;
	v25 =	vmul.bf16 v25, v24;
	v19 =	vld [tilespmem:s5+$0x30]  }
0x255: {  	s5 =	sadd.s32 $0x100, s5;
	v24 =	vld [tilespmem:s1+$0x30]  }
0x256: {  	_ = 	snop  }
0x257: {  	v16 =	vmul.bf16 v20, v16  }
0x258: {  	v18 =	vmul.bf16 v22, v18  }
0x259: {  	v16 =	vadd.bf16 v16, v23  }
0x25a: {  	v17 =	vadd.bf16 v25, v17;
	v18 =	vadd.bf16 v18, v21;
	v19 =	vmul.bf16 v24, v19  }
0x25b: {  	v20 =	vunpack.i.u.bf16.f32 v16;
	v16 =	vunpack.i.l.bf16.f32 v16  }
0x25c: {  	v21 =	vunpack.i.u.bf16.f32 v18;
	v18 =	vunpack.i.l.bf16.f32 v18;
	v17 =	vadd.bf16 v19, v17  }
0x25d: {  	v16 =	vadd.f32 v16, v20;
	v19 =	vor.u32 s6, v0;
	v18 =	vadd.f32 v18, v21  }
0x25e: {  	v21 =	vor.u32 s6, v1;
	v20 =	vunpack.i.u.bf16.f32 v17;
	v17 =	vunpack.i.l.bf16.f32 v17  }
0x25f: {  	v22 =	vor.u32 s6, v7;
	[tilespmem:s4+$0xFFFFFFE0] =	vst v16;
	v16 =	vadd.f32 v17, v20  }
0x260: {  	v23 =	vor.u32 s6, v6;
	[tilespmem:s4+$0xFFFFFFF0] =	vst v18  }
0x261: {  	v17 =	vor.u32 s6, v2;
	[tilespmem:s4+$0x0] =	vst v16  }
0x262: {  	v24 =	vor.u32 s6, v5;
	v19 =	vld.idx.msk [tilespmem:v19+s30+$0x0], $0xffff  }
0x263: {  	s21 =	simm.s32 $0x100;
	v18 =	vor.u32 s6, v3;
	v21 =	vld.idx.msk [tilespmem:v21+s30+$0x0], $0xffff  }
0x264: {  	v26 =	vor.u32 s21, v1;
	v22 =	vld.idx.msk [tilespmem:v22+s30+$0x0], $0xffff  }
0x265: {  	v16 =	vor.u32 s6, v4;
	v23 =	vld.idx.msk [tilespmem:v23+s30+$0x0], $0xffff  }
0x266: {  	v30 =	vor.u32 s6, v15;
	v17 =	vld.idx.msk [tilespmem:v17+s30+$0x0], $0xffff  }
0x267: {  	v31 =	vor.u32 s6, v14;
	v24 =	vld.idx.msk [tilespmem:v24+s30+$0x0], $0xffff  }
0x268: {  	v25 =	vor.u32 s21, v0;
	v18 =	vld.idx.msk [tilespmem:v18+s30+$0x0], $0xffff  }
0x269: {  	v32 =	vor.u32 s6, v12;
	v26 =	vld.idx.msk [tilespmem:v26+s30+$0x0], $0xffff;
	v19 =	vadd.f32 v21, v19  }
0x26a: {  	s1 =	simm.s32 $0x200;
	v27 =	vor.u32 s21, v2;
	v16 =	vld.idx.msk [tilespmem:v16+s30+$0x0], $0xffff  }
0x26b: {  	v35 =	vor.u32 s1, v2;
	v33 =	vld.idx.msk [tilespmem:v30+s30+$0x0], $0xffff;
	v17 =	vadd.f32 v17, v19  }
0x26c: {  	v28 =	vor.u32 s21, v4;
	v31 =	vld.idx.msk [tilespmem:v31+s30+$0x0], $0xffff  }
0x26d: {  	v19 =	vld.idx.msk [tilespmem:v25+s30+$0x0], $0xffff;
	v25 =	vor.u32 s6, v8;
	v17 =	vadd.f32 v18, v17  }
0x26e: {  	v32 =	vld.idx.msk [tilespmem:v32+s30+$0x0], $0xffff;
	v21 =	vor.u32 s21, v3  }
0x26f: {  	v18 =	vld.idx.msk [tilespmem:v27+s30+$0x0], $0xffff;
	v27 =	vor.u32 s6, v9;
	v16 =	vadd.f32 v16, v17  }
0x270: {  	v29 =	vor.u32 s21, v11;
	v61 =	vld.idx.msk [tilespmem:v35+s30+$0x0], $0xffff  }
0x271: {  	v17 =	vld.idx.msk [tilespmem:v28+s30+$0x0], $0xffff;
	v28 =	vor.u32 s6, v10;
	v24 =	vadd.f32 v24, v16  }
0x272: {  	v20 =	vor.u32 s6, v11;
	v25 =	vld.idx.msk [tilespmem:v25+s30+$0x0], $0xffff  }
0x273: {  	v30 =	vor.u32 s21, v6;
	v21 =	vld.idx.msk [tilespmem:v21+s30+$0x0], $0xffff;
	v23 =	vadd.f32 v23, v24  }
0x274: {  	v27 =	vld.idx.msk [tilespmem:v27+s30+$0x0], $0xffff;
	v24 =	vor.u32 s21, v7  }
0x275: {  	v16 =	vld.idx.msk [tilespmem:v29+s30+$0x0], $0xffff;
	v29 =	vor.u32 s6, v13;
	v22 =	vadd.f32 v22, v23  }
0x276: {  	v28 =	vld.idx.msk [tilespmem:v28+s30+$0x0], $0xffff;
	v23 =	vor.u32 s21, v5  }
0x277: {  	v34 =	vor.u32 s1, v0;
	v20 =	vld.idx.msk [tilespmem:v20+s30+$0x0], $0xffff;
	v19 =	vadd.f32 v26, v19;
	v22 =	vadd.f32 v25, v22  }
0x278: {  	v26 =	vld.idx.msk [tilespmem:v30+s30+$0x0], $0xffff;
	v25 =	vor.u32 s1, v1  }
0x279: {  	v18 =	vadd.f32 v18, v19;
	v36 =	vld.idx.msk [tilespmem:v24+s30+$0x0], $0xffff;
	v24 =	vor.u32 s1, v3;
	v22 =	vadd.f32 v27, v22  }
0x27a: {  	v29 =	vld.idx.msk [tilespmem:v29+s30+$0x0], $0xffff;
	v27 =	vor.u32 s1, v4  }
0x27b: {  	v18 =	vadd.f32 v21, v18;
	v21 =	vor.u32 s21, v9;
	v23 =	vld.idx.msk [tilespmem:v23+s30+$0x0], $0xffff;
	v19 =	vadd.f32 v28, v22  }
0x27c: {  	v62 =	vor.u32 s21, v15;
	v28 =	vld.idx.msk [tilespmem:v34+s30+$0x0], $0xffff  }
0x27d: {  	v22 =	vor.u32 s21, v8;
	v25 =	vld.idx.msk [tilespmem:v25+s30+$0x0], $0xffff;
	v19 =	vadd.f32 v20, v19  }
0x27e: {  	v30 =	vor.u32 s1, v11;
	v17 =	vadd.f32 v17, v18;
	v20 =	vld.idx.msk [tilespmem:v24+s30+$0x0], $0xffff  }
0x27f: {  	v37 =	vor.u32 s21, v14;
	v18 =	vadd.f32 v32, v19;
	v19 =	vld.idx.msk [tilespmem:v27+s30+$0x0], $0xffff  }
0x280: {  	v27 =	vor.u32 s21, v10;
	v17 =	vadd.f32 v23, v17;
	v23 =	vld.idx.msk [tilespmem:v21+s30+$0x0], $0xffff  }
0x281: {  	v21 =	vld.idx.msk [tilespmem:v62+s30+$0x0], $0xffff;
	v29 =	vadd.f32 v29, v18  }
0x282: {  	v24 =	vld.idx.msk [tilespmem:v22+s30+$0x0], $0xffff;
	v22 =	vor.u32 s21, v13;
	v17 =	vadd.f32 v26, v17  }
0x283: {  	v18 =	vld.idx.msk [tilespmem:v30+s30+$0x0], $0xffff;
	v25 =	vadd.f32 v25, v28;
	v26 =	vor.u32 s21, v12;
	v63 =	vadd.f32 v31, v29  }
0x284: {  	v30 =	vor.u32 s1, v6;
	v29 =	vor.u32 s1, v7;
	v32 =	vadd.f32 v36, v17;
	v17 =	vld.idx.msk [tilespmem:v37+s30+$0x0], $0xffff  }
0x285: {  	s5 =	smov.u32 s24;
	s4 =	smov.u32 s24;
	s6 =	simm.s32 $0x300;
	v28 =	vadd.f32 v61, v25;
	v31 =	vor.u32 s1, v5;
	v25 =	vld.idx.msk [tilespmem:v27+s30+$0x0], $0xffff;
	v27 =	vadd.f32 v33, v63  }
.LBB2_15:
0x286: {  	p0 =	sne.s32 s6, $0x400  }
0x287: {  	v33 =	vor.u32 s6, v0;
	v24 =	vadd.f32 v24, v32;
	v22 =	vld.idx.msk [tilespmem:v22+s30+$0x0], $0xffff;
	s4 =	sadd.s32 $0x10, s4;
	s21 =	smov.u32 s6;
	s6 =	sadd.s32 $0x100, s6  }
0x288: {  	v32 =	vor.u32 s21, v1;
	v26 =	vld.idx.msk [tilespmem:v26+s30+$0x0], $0xffff;
	[tilespmem:s5+$0x0] =	vst v27;
	s5 =	smov.u32 s4  }
0x289: {  	v27 =	vor.u32 s21, v2;
	v34 =	vld.idx.msk [tilespmem:v29+s30+$0x0], $0xffff;
	v23 =	vadd.f32 v23, v24  }
0x28a: {  	v24 =	vor.u32 s21, v3;
	v35 =	vmov v21;
	v29 =	vld.idx.msk [tilespmem:v30+s30+$0x0], $0xffff  }
0x28b: {  	v21 =	vor.u32 s21, v4;
	v30 =	vld.idx.msk [tilespmem:v31+s30+$0x0], $0xffff;
	v23 =	vadd.f32 v25, v23  }
0x28c: {  	v31 =	vor.u32 s1, v8;
	v25 =	vld.idx.msk [tilespmem:v33+s30+$0x0], $0xffff  }
0x28d: {  	v28 =	vadd.f32 v20, v28;
	v33 =	vor.u32 s21, v11;
	v32 =	vld.idx.msk [tilespmem:v32+s30+$0x0], $0xffff;
	v23 =	vadd.f32 v16, v23;
	v16 =	vmovc v18  }
0x28e: {  	v36 =	vor.u32 s1, v9;
	v27 =	vld.idx.msk [tilespmem:v27+s30+$0x0], $0xffff  }
0x28f: {  	v18 =	vadd.f32 v19, v28;
	v28 =	vor.u32 s1, v15;
	v20 =	vld.idx.msk [tilespmem:v24+s30+$0x0], $0xffff;
	v23 =	vadd.f32 v26, v23  }
0x290: {  	v37 =	vor.u32 s1, v10;
	v19 =	vld.idx.msk [tilespmem:v21+s30+$0x0], $0xffff  }
0x291: {  	v38 =	vor.u32 s1, v14;
	v21 =	vadd.f32 v30, v18;
	v24 =	vld.idx.msk [tilespmem:v31+s30+$0x0], $0xffff;
	v30 =	vadd.f32 v22, v23  }
.Ltmp8:
0x292: {  	v22 =	vor.u32 s1, v13;
	v18 =	vld.idx.msk [tilespmem:v33+s30+$0x0], $0xffff;
	(pc) =	sbr.rel @p0 .LBB2_15-.Ltmp8, $4  }
0x293: {  	v26 =	vor.u32 s1, v12;
	s1 =	smov.u32 s21;
	v25 =	vadd.f32 v32, v25;
	v31 =	vadd.f32 v29, v21;
	v23 =	vld.idx.msk [tilespmem:v36+s30+$0x0], $0xffff  }
0x294: {  	v29 =	vor.u32 s1, v7;
	v33 =	vadd.f32 v17, v30;
	v21 =	vld.idx.msk [tilespmem:v28+s30+$0x0], $0xffff  }
0x295: {  	v30 =	vor.u32 s1, v6;
	v28 =	vadd.f32 v27, v25;
	v32 =	vadd.f32 v34, v31;
	v25 =	vld.idx.msk [tilespmem:v37+s30+$0x0], $0xffff  }
0x296: {  	v31 =	vor.u32 s1, v5;
	v27 =	vadd.f32 v35, v33;
	v17 =	vld.idx.msk [tilespmem:v38+s30+$0x0], $0xffff  }
0x297: {  	_ =	sdelay $0x3  }
0x298: {  	v31 =	vld.idx.msk [tilespmem:v31+s30+$0x0], $0xffff  }
0x299: {  	v33 =	vor.u32 s1, v8;
	v20 =	vadd.f32 v20, v28  }
0x29a: {  	v47 =	vld.idx.msk [tilespmem:v30+s30+$0x0], $0xffff  }
0x29b: {  	v48 =	vor.u32 s1, v9;
	v19 =	vadd.f32 v19, v20  }
0x29c: {  	v20 =	vld.idx.msk [tilespmem:v29+s30+$0x0], $0xffff  }
0x29d: {  	v49 =	vor.u32 s1, v10;
	v19 =	vadd.f32 v31, v19  }
0x29e: {  	v50 =	vld.idx.msk [tilespmem:v33+s30+$0x0], $0xffff  }
0x29f: {  	v19 =	vadd.f32 v47, v19  }
0x2a0: {  	v51 =	vld.idx.msk [tilespmem:v48+s30+$0x0], $0xffff  }
0x2a1: {  	v52 =	vor.u32 s1, v12;
	v19 =	vadd.f32 v20, v19  }
0x2a2: {  	v20 =	vadd.f32 v24, v32;
	v24 =	vld.idx.msk [tilespmem:v49+s30+$0x0], $0xffff  }
0x2a3: {  	v53 =	vor.u32 s1, v13;
	v19 =	vadd.f32 v50, v19  }
0x2a4: {  	v20 =	vadd.f32 v23, v20  }
0x2a5: {  	v23 =	vld.idx.msk [tilespmem:v26+s30+$0x0], $0xffff;
	v26 =	vor.u32 s1, v14;
	v19 =	vadd.f32 v51, v19  }
0x2a6: {  	v20 =	vadd.f32 v25, v20;
	v25 =	vld.idx.msk [tilespmem:v52+s30+$0x0], $0xffff  }
0x2a7: {  	v22 =	vld.idx.msk [tilespmem:v22+s30+$0x0], $0xffff;
	v54 =	vor.u32 s1, v15;
	v19 =	vadd.f32 v24, v19  }
0x2a8: {  	v16 =	vadd.f32 v16, v20;
	v20 =	vld.idx.msk [tilespmem:v53+s30+$0x0], $0xffff  }
0x2a9: {  	v18 =	vadd.f32 v18, v19  }
0x2aa: {  	v16 =	vadd.f32 v23, v16;
	v19 =	vld.idx.msk [tilespmem:v26+s30+$0x0], $0xffff  }
0x2ab: {  	v18 =	vadd.f32 v25, v18  }
0x2ac: {  	v16 =	vadd.f32 v22, v16;
	v22 =	vld.idx.msk [tilespmem:v54+s30+$0x0], $0xffff  }
0x2ad: {  	v18 =	vadd.f32 v20, v18  }
0x2ae: {  	v16 =	vadd.f32 v17, v16  }
0x2af: {  	v17 =	vadd.f32 v19, v18  }
0x2b0: {  	p0 =	seq.s32 s23, $0x3E;
	v16 =	vadd.f32 v21, v16  }
0x2b1: {  	s21 =	sadd.s32 $0x10, s4;
	[tilespmem:s5+$0x0] =	vst v27;
	s4 =	smul.u32 @!p0 $0xA0, s23;
	v17 =	vadd.f32 v22, v17  }
0x2b2: {  	s6 =	sadd.s32 $0x10, s21;
	[tilespmem:s21+$0x0] =	vst v16  }
0x2b3: {  	s5 =	simm.s32 @!p0 $0x50;
	s1 =	sadd.s32 @!p0 $0xA0, s4;
	[tilespmem:s6+$0x0] =	vst v17;
	s6 =	simm.s32 @!p0 $0x4EC0  }
0x2b4: {  	[tilespmem:s6], [sflag:$0x1] =	stream.indirect.gather @!p0 [spmem:s2], $0x40, s1, s5, $0xb8;
	[tilespmem:$0x1C520] =	vst v63  }
0x2b5: {  	s1 =	sadd.s32 @!p0 $0x2800, s4;
	s4 =	simm.s32 @!p0 $0x62C0  }
0x2b6: {  	[tilespmem:s4], [sflag:$0x1] =	stream.indirect.gather @!p0 [spmem:s2], $0x40, s1, s5, $0xb8;
	[tilespmem:$0x1C520] =	vst v63  }
0x2b7: {  	_ =	swait.ge [sflag:s31], $0x1400  }
0x2b8: {  	[sflag:s31] =	ssyncset.done $0x0  }
0x2b9: {  	[sflag:s31] =	ssyncadd.s32 $0xFFFFEC00  }
0x2ba: {  	_ =	swait.ge [sflag:s31], $0x1400  }
0x2bb: {  	[sflag:s31] =	ssyncset.done $0x0  }
0x2bc: {  	s21 =	simm.s32 $0x7740;
	[sflag:s31] =	ssyncadd.s32 $0xFFFFEC00  }
0x2bd: {  	s1 =	simm.s32 $0x8B40;
	v16 =	vld [tilespmem:s21+$0x40]  }
0x2be: {  	v17 =	vld [tilespmem:s1+$0x40]  }
0x2bf: {  	v18 =	vld [tilespmem:s21+$0x50]  }
0x2c0: {  	v19 =	vld [tilespmem:s1+$0x50]  }
0x2c1: {  	v20 =	vld [tilespmem:s21+$0x60]  }
0x2c2: {  	v21 =	vld [tilespmem:s1+$0x60]  }
0x2c3: {  	v22 =	vld [tilespmem:s21+$0x70]  }
0x2c4: {  	v23 =	vld [tilespmem:s1+$0x70]  }
0x2c5: {  	v24 =	vld [tilespmem:s1+$0xFFFFFF80]  }
0x2c6: {  	v25 =	vld [tilespmem:s21+$0xFFFFFF90]  }
0x2c7: {  	v26 =	vld [tilespmem:s1+$0xFFFFFF90]  }
0x2c8: {  	v27 =	vld [tilespmem:s21+$0xFFFFFFC0]  }
0x2c9: {  	v55 =	vld [tilespmem:s1+$0xFFFFFFC0]  }
0x2ca: {  	v56 =	vld [tilespmem:s21+$0xFFFFFFD0]  }
0x2cb: {  	v57 =	vld [tilespmem:s1+$0xFFFFFFD0]  }
0x2cc: {  	v58 =	vld [tilespmem:s21+$0x0]  }
0x2cd: {  	v59 =	vld [tilespmem:s1+$0x0]  }
0x2ce: {  	v60 =	vld [tilespmem:s21+$0x10]  }
0x2cf: {  	v34 =	vld [tilespmem:s1+$0xFFFFFFA0];
	v16 =	vmul.bf16 v17, v16;
	v17 =	vmul.bf16 v19, v18  }
0x2d0: {  	v35 =	vld [tilespmem:s21+$0x20]  }
0x2d1: {  	v19 =	vld [tilespmem:s21+$0xFFFFFF80];
	v16 =	vadd.bf16 v17, v16;
	v17 =	vmul.bf16 v21, v20  }
0x2d2: {  	v18 =	vld [tilespmem:s1+$0x10]  }
0x2d3: {  	v21 =	vld [tilespmem:s21+$0xFFFFFFA0];
	v16 =	vadd.bf16 v17, v16;
	v17 =	vmul.bf16 v23, v22  }
0x2d4: {  	v22 =	vld [tilespmem:s21+$0xFFFFFFE0]  }
0x2d5: {  	v25 =	vmul.bf16 v26, v25;
	v23 =	vld [tilespmem:s1+$0xFFFFFFE0];
	v16 =	vadd.bf16 v17, v16  }
0x2d6: {  	v19 =	vmul.bf16 v24, v19;
	v17 =	vmul.bf16 v55, v27;
	v27 =	vld [tilespmem:s1+$0x20]  }
0x2d7: {  	v29 =	vmul.bf16 v57, v56;
	v20 =	vunpack.i.u.bf16.f32 v16;
	v61 =	vunpack.i.l.bf16.f32 v16;
	v16 =	vld [tilespmem:s21+$0xFFFFFFB0]  }
0x2d8: {  	v62 =	vmul.bf16 v18, v60;
	v25 =	vadd.bf16 v25, v19;
	v26 =	vadd.f32 v61, v20;
	v20 =	vld [tilespmem:s1+$0xFFFFFFB0]  }
0x2d9: {  	v18 =	vld [tilespmem:s21+$0xFFFFFFF0];
	v21 =	vmul.bf16 v34, v21;
	v24 =	vadd.bf16 v29, v17;
	v17 =	vmul.bf16 v59, v58  }
0x2da: {  	v63 =	vmul.bf16 v23, v22;
	v22 =	vld [tilespmem:s1+$0xFFFFFFF0]  }
0x2db: {  	s4 =	simm.s32 $0xC640;
	v19 =	vld [tilespmem:s21+$0x30];
	v23 =	vadd.bf16 v21, v25;
	v17 =	vadd.bf16 v62, v17;
	v25 =	vmul.bf16 v27, v35  }
0x2dc: {  	s5 =	simm.s32 $0x7840;
	s21 =	simm.s32 $0x0;
	[tilespmem:s4+$0x10] =	vst v26;
	v21 =	vadd.bf16 v63, v24;
	v24 =	vld [tilespmem:s1+$0x30]  }
.LBB2_17:
0x2dd: {  	v26 =	vld [tilespmem:s5+$0x40];
	v16 =	vmul.bf16 v20, v16;
	v17 =	vadd.bf16 v25, v17;
	s1 =	sadd.s32 $0x100, s1  }
0x2de: {  	v20 =	vld [tilespmem:s1+$0x40]  }
0x2df: {  	v25 =	vld [tilespmem:s5+$0x50];
	v16 =	vadd.bf16 v16, v23;
	v18 =	vmul.bf16 v22, v18  }
0x2e0: {  	s21 =	sadd.s32 $0x4, s21;
	v22 =	vld [tilespmem:s1+$0x50]  }
0x2e1: {  	p1 =	slt.u32 s21, $0x4C;
	v23 =	vld [tilespmem:s5+$0x60];
	v27 =	vunpack.i.u.bf16.f32 v16;
	v18 =	vadd.bf16 v18, v21;
	v19 =	vmul.bf16 v24, v19  }
0x2e2: {  	v16 =	vunpack.i.l.bf16.f32 v16;
	v21 =	vld [tilespmem:s1+$0x60]  }
0x2e3: {  	v24 =	vld [tilespmem:s5+$0x70];
	v28 =	vunpack.i.u.bf16.f32 v18;
	v18 =	vunpack.i.l.bf16.f32 v18;
	v17 =	vadd.bf16 v19, v17  }
0x2e4: {  	v16 =	vadd.f32 v16, v27;
	v19 =	vld [tilespmem:s1+$0x70];
	v18 =	vadd.f32 v18, v28  }
0x2e5: {  	v20 =	vmul.bf16 v20, v26;
	v27 =	vld [tilespmem:s1+$0xFFFFFF80];
	v22 =	vmul.bf16 v22, v25;
	v25 =	vunpack.i.u.bf16.f32 v17  }
0x2e6: {  	v26 =	vld [tilespmem:s5+$0xFFFFFF90];
	[tilespmem:s4+$0xFFFFFFE0] =	vst v16;
	v16 =	vunpack.i.l.bf16.f32 v17  }
0x2e7: {  	v17 =	vld [tilespmem:s1+$0xFFFFFF90];
	v20 =	vadd.bf16 v22, v20;
	v21 =	vmul.bf16 v21, v23;
	[tilespmem:s4+$0xFFFFFFF0] =	vst v18;
	v16 =	vadd.f32 v16, v25  }
0x2e8: {  	v18 =	vld [tilespmem:s5+$0xFFFFFFC0]  }
0x2e9: {  	v22 =	vld [tilespmem:s1+$0xFFFFFFC0];
	v20 =	vadd.bf16 v21, v20;
	v19 =	vmul.bf16 v19, v24;
	[tilespmem:s4+$0x0] =	vst v16  }
0x2ea: {  	v16 =	vld [tilespmem:s5+$0xFFFFFFD0]  }
0x2eb: {  	v21 =	vld [tilespmem:s1+$0xFFFFFFD0];
	v19 =	vadd.bf16 v19, v20  }
0x2ec: {  	v20 =	vmul.bf16 v17, v26;
	v17 =	vld [tilespmem:s5+$0x0]  }
0x2ed: {  	v23 =	vld [tilespmem:s1+$0x0];
	v24 =	vunpack.i.u.bf16.f32 v19;
	v19 =	vunpack.i.l.bf16.f32 v19  }
0x2ee: {  	v18 =	vmul.bf16 v22, v18;
	v22 =	vld [tilespmem:s5+$0x10];
	v19 =	vadd.f32 v19, v24  }
0x2ef: {  	s4 =	sadd.s32 $0x40, s4;
	v24 =	vld [tilespmem:s1+$0x10]  }
0x2f0: {  	s6 =	simm.s32 $0x0;
	v25 =	vld [tilespmem:s5+$0xFFFFFF80];
	v16 =	vmul.bf16 v21, v16;
	[tilespmem:s4+$0x10] =	vst v19  }
0x2f1: {  	v19 =	vld [tilespmem:s5+$0xFFFFFFA0]  }
0x2f2: {  	v21 =	vld [tilespmem:s1+$0xFFFFFFA0];
	v26 =	vadd.bf16 v16, v18;
	v16 =	vmul.bf16 v23, v17  }
0x2f3: {  	v18 =	vld [tilespmem:s5+$0xFFFFFFE0]  }
0x2f4: {  	v28 =	vld [tilespmem:s1+$0xFFFFFFE0];
	v17 =	vmul.bf16 v24, v22  }
0x2f5: {  	v22 =	vmul.bf16 v27, v25;
	v24 =	vld [tilespmem:s5+$0x20]  }
0x2f6: {  	v17 =	vadd.bf16 v17, v16;
	v25 =	vld [tilespmem:s1+$0x20]  }
0x2f7: {  	v22 =	vadd.bf16 v20, v22;
	v19 =	vmul.bf16 v21, v19;
	v16 =	vld [tilespmem:s5+$0xFFFFFFB0]  }
.Ltmp9:
0x2f8: {  	v20 =	vld [tilespmem:s1+$0xFFFFFFB0];
	(pc) =	sbr.rel @p1 .LBB2_17-.Ltmp9, $4  }
0x2f9: {  	v23 =	vadd.bf16 v19, v22;
	v19 =	vmul.bf16 v28, v18;
	v18 =	vld [tilespmem:s5+$0xFFFFFFF0]  }
0x2fa: {  	v22 =	vld [tilespmem:s1+$0xFFFFFFF0]  }
0x2fb: {  	v21 =	vadd.bf16 v19, v26;
	v25 =	vmul.bf16 v25, v24;
	v19 =	vld [tilespmem:s5+$0x30]  }
0x2fc: {  	s5 =	sadd.s32 $0x100, s5;
	v24 =	vld [tilespmem:s1+$0x30]  }
0x2fd: {  	_ = 	snop  }
0x2fe: {  	v16 =	vmul.bf16 v20, v16  }
0x2ff: {  	v18 =	vmul.bf16 v22, v18  }
0x300: {  	v16 =	vadd.bf16 v16, v23  }
0x301: {  	v17 =	vadd.bf16 v25, v17;
	v18 =	vadd.bf16 v18, v21;
	v19 =	vmul.bf16 v24, v19  }
0x302: {  	v20 =	vunpack.i.u.bf16.f32 v16;
	v16 =	vunpack.i.l.bf16.f32 v16  }
0x303: {  	v21 =	vunpack.i.u.bf16.f32 v18;
	v18 =	vunpack.i.l.bf16.f32 v18;
	v17 =	vadd.bf16 v19, v17  }
0x304: {  	v16 =	vadd.f32 v16, v20;
	v19 =	vor.u32 s6, v0;
	v18 =	vadd.f32 v18, v21  }
0x305: {  	v21 =	vor.u32 s6, v1;
	v20 =	vunpack.i.u.bf16.f32 v17;
	v17 =	vunpack.i.l.bf16.f32 v17  }
0x306: {  	v22 =	vor.u32 s6, v7;
	[tilespmem:s4+$0xFFFFFFE0] =	vst v16;
	v16 =	vadd.f32 v17, v20  }
0x307: {  	v23 =	vor.u32 s6, v6;
	[tilespmem:s4+$0xFFFFFFF0] =	vst v18  }
0x308: {  	v17 =	vor.u32 s6, v2;
	[tilespmem:s4+$0x0] =	vst v16  }
0x309: {  	v24 =	vor.u32 s6, v5;
	v19 =	vld.idx.msk [tilespmem:v19+s30+$0x0], $0xffff  }
0x30a: {  	s21 =	simm.s32 $0x100;
	v18 =	vor.u32 s6, v3;
	v21 =	vld.idx.msk [tilespmem:v21+s30+$0x0], $0xffff  }
0x30b: {  	v26 =	vor.u32 s21, v1;
	v22 =	vld.idx.msk [tilespmem:v22+s30+$0x0], $0xffff  }
0x30c: {  	v16 =	vor.u32 s6, v4;
	v23 =	vld.idx.msk [tilespmem:v23+s30+$0x0], $0xffff  }
0x30d: {  	v30 =	vor.u32 s6, v15;
	v17 =	vld.idx.msk [tilespmem:v17+s30+$0x0], $0xffff  }
0x30e: {  	v31 =	vor.u32 s6, v14;
	v24 =	vld.idx.msk [tilespmem:v24+s30+$0x0], $0xffff  }
0x30f: {  	v25 =	vor.u32 s21, v0;
	v18 =	vld.idx.msk [tilespmem:v18+s30+$0x0], $0xffff  }
0x310: {  	v32 =	vor.u32 s6, v12;
	v26 =	vld.idx.msk [tilespmem:v26+s30+$0x0], $0xffff;
	v19 =	vadd.f32 v21, v19  }
0x311: {  	s1 =	simm.s32 $0x200;
	v27 =	vor.u32 s21, v2;
	v16 =	vld.idx.msk [tilespmem:v16+s30+$0x0], $0xffff  }
0x312: {  	v35 =	vor.u32 s1, v2;
	v33 =	vld.idx.msk [tilespmem:v30+s30+$0x0], $0xffff;
	v17 =	vadd.f32 v17, v19  }
0x313: {  	v28 =	vor.u32 s21, v4;
	v31 =	vld.idx.msk [tilespmem:v31+s30+$0x0], $0xffff  }
0x314: {  	v19 =	vld.idx.msk [tilespmem:v25+s30+$0x0], $0xffff;
	v25 =	vor.u32 s6, v8;
	v17 =	vadd.f32 v18, v17  }
0x315: {  	v32 =	vld.idx.msk [tilespmem:v32+s30+$0x0], $0xffff;
	v21 =	vor.u32 s21, v3  }
0x316: {  	v18 =	vld.idx.msk [tilespmem:v27+s30+$0x0], $0xffff;
	v27 =	vor.u32 s6, v9;
	v16 =	vadd.f32 v16, v17  }
0x317: {  	v29 =	vor.u32 s21, v11;
	v61 =	vld.idx.msk [tilespmem:v35+s30+$0x0], $0xffff  }
0x318: {  	v17 =	vld.idx.msk [tilespmem:v28+s30+$0x0], $0xffff;
	v28 =	vor.u32 s6, v10;
	v24 =	vadd.f32 v24, v16  }
0x319: {  	v20 =	vor.u32 s6, v11;
	v25 =	vld.idx.msk [tilespmem:v25+s30+$0x0], $0xffff  }
0x31a: {  	v30 =	vor.u32 s21, v6;
	v21 =	vld.idx.msk [tilespmem:v21+s30+$0x0], $0xffff;
	v23 =	vadd.f32 v23, v24  }
0x31b: {  	v27 =	vld.idx.msk [tilespmem:v27+s30+$0x0], $0xffff;
	v24 =	vor.u32 s21, v7  }
0x31c: {  	v16 =	vld.idx.msk [tilespmem:v29+s30+$0x0], $0xffff;
	v29 =	vor.u32 s6, v13;
	v22 =	vadd.f32 v22, v23  }
0x31d: {  	v28 =	vld.idx.msk [tilespmem:v28+s30+$0x0], $0xffff;
	v23 =	vor.u32 s21, v5  }
0x31e: {  	v34 =	vor.u32 s1, v0;
	v20 =	vld.idx.msk [tilespmem:v20+s30+$0x0], $0xffff;
	v19 =	vadd.f32 v26, v19;
	v22 =	vadd.f32 v25, v22  }
0x31f: {  	v26 =	vld.idx.msk [tilespmem:v30+s30+$0x0], $0xffff;
	v25 =	vor.u32 s1, v1  }
0x320: {  	v18 =	vadd.f32 v18, v19;
	v36 =	vld.idx.msk [tilespmem:v24+s30+$0x0], $0xffff;
	v24 =	vor.u32 s1, v3;
	v22 =	vadd.f32 v27, v22  }
0x321: {  	v29 =	vld.idx.msk [tilespmem:v29+s30+$0x0], $0xffff;
	v27 =	vor.u32 s1, v4  }
0x322: {  	v18 =	vadd.f32 v21, v18;
	v21 =	vor.u32 s21, v9;
	v23 =	vld.idx.msk [tilespmem:v23+s30+$0x0], $0xffff;
	v19 =	vadd.f32 v28, v22  }
0x323: {  	v62 =	vor.u32 s21, v15;
	v28 =	vld.idx.msk [tilespmem:v34+s30+$0x0], $0xffff  }
0x324: {  	v22 =	vor.u32 s21, v8;
	v25 =	vld.idx.msk [tilespmem:v25+s30+$0x0], $0xffff;
	v19 =	vadd.f32 v20, v19  }
0x325: {  	v30 =	vor.u32 s1, v11;
	v17 =	vadd.f32 v17, v18;
	v20 =	vld.idx.msk [tilespmem:v24+s30+$0x0], $0xffff  }
0x326: {  	v37 =	vor.u32 s21, v14;
	v18 =	vadd.f32 v32, v19;
	v19 =	vld.idx.msk [tilespmem:v27+s30+$0x0], $0xffff  }
0x327: {  	v27 =	vor.u32 s21, v10;
	v17 =	vadd.f32 v23, v17;
	v23 =	vld.idx.msk [tilespmem:v21+s30+$0x0], $0xffff  }
0x328: {  	v21 =	vld.idx.msk [tilespmem:v62+s30+$0x0], $0xffff;
	v29 =	vadd.f32 v29, v18  }
0x329: {  	v24 =	vld.idx.msk [tilespmem:v22+s30+$0x0], $0xffff;
	v22 =	vor.u32 s21, v13;
	v17 =	vadd.f32 v26, v17  }
0x32a: {  	v18 =	vld.idx.msk [tilespmem:v30+s30+$0x0], $0xffff;
	v25 =	vadd.f32 v25, v28;
	v26 =	vor.u32 s21, v12;
	v63 =	vadd.f32 v31, v29  }
0x32b: {  	v30 =	vor.u32 s1, v6;
	v29 =	vor.u32 s1, v7;
	v32 =	vadd.f32 v36, v17;
	v17 =	vld.idx.msk [tilespmem:v37+s30+$0x0], $0xffff  }
0x32c: {  	s5 =	smov.u32 s26;
	s4 =	smov.u32 s26;
	s6 =	simm.s32 $0x300;
	v28 =	vadd.f32 v61, v25;
	v31 =	vor.u32 s1, v5;
	v25 =	vld.idx.msk [tilespmem:v27+s30+$0x0], $0xffff;
	v27 =	vadd.f32 v33, v63  }
.LBB2_19:
0x32d: {  	p1 =	sne.s32 s6, $0x400  }
0x32e: {  	v33 =	vor.u32 s6, v0;
	v24 =	vadd.f32 v24, v32;
	v22 =	vld.idx.msk [tilespmem:v22+s30+$0x0], $0xffff;
	s4 =	sadd.s32 $0x10, s4;
	s21 =	smov.u32 s6;
	s6 =	sadd.s32 $0x100, s6  }
0x32f: {  	v32 =	vor.u32 s21, v1;
	v26 =	vld.idx.msk [tilespmem:v26+s30+$0x0], $0xffff;
	[tilespmem:s5+$0x0] =	vst v27;
	s5 =	smov.u32 s4  }
0x330: {  	v27 =	vor.u32 s21, v2;
	v34 =	vld.idx.msk [tilespmem:v29+s30+$0x0], $0xffff;
	v23 =	vadd.f32 v23, v24  }
0x331: {  	v24 =	vor.u32 s21, v3;
	v35 =	vmov v21;
	v29 =	vld.idx.msk [tilespmem:v30+s30+$0x0], $0xffff  }
0x332: {  	v21 =	vor.u32 s21, v4;
	v30 =	vld.idx.msk [tilespmem:v31+s30+$0x0], $0xffff;
	v23 =	vadd.f32 v25, v23  }
0x333: {  	v31 =	vor.u32 s1, v8;
	v25 =	vld.idx.msk [tilespmem:v33+s30+$0x0], $0xffff  }
0x334: {  	v28 =	vadd.f32 v20, v28;
	v33 =	vor.u32 s21, v11;
	v32 =	vld.idx.msk [tilespmem:v32+s30+$0x0], $0xffff;
	v23 =	vadd.f32 v16, v23;
	v16 =	vmovc v18  }
0x335: {  	v36 =	vor.u32 s1, v9;
	v27 =	vld.idx.msk [tilespmem:v27+s30+$0x0], $0xffff  }
0x336: {  	v18 =	vadd.f32 v19, v28;
	v28 =	vor.u32 s1, v15;
	v20 =	vld.idx.msk [tilespmem:v24+s30+$0x0], $0xffff;
	v23 =	vadd.f32 v26, v23  }
0x337: {  	v37 =	vor.u32 s1, v10;
	v19 =	vld.idx.msk [tilespmem:v21+s30+$0x0], $0xffff  }
0x338: {  	v38 =	vor.u32 s1, v14;
	v21 =	vadd.f32 v30, v18;
	v24 =	vld.idx.msk [tilespmem:v31+s30+$0x0], $0xffff;
	v30 =	vadd.f32 v22, v23  }
.Ltmp10:
0x339: {  	v22 =	vor.u32 s1, v13;
	v18 =	vld.idx.msk [tilespmem:v33+s30+$0x0], $0xffff;
	(pc) =	sbr.rel @p1 .LBB2_19-.Ltmp10, $4  }
0x33a: {  	v26 =	vor.u32 s1, v12;
	s1 =	smov.u32 s21;
	v25 =	vadd.f32 v32, v25;
	v31 =	vadd.f32 v29, v21;
	v23 =	vld.idx.msk [tilespmem:v36+s30+$0x0], $0xffff  }
0x33b: {  	v29 =	vor.u32 s1, v7;
	v33 =	vadd.f32 v17, v30;
	v21 =	vld.idx.msk [tilespmem:v28+s30+$0x0], $0xffff  }
0x33c: {  	v30 =	vor.u32 s1, v6;
	v28 =	vadd.f32 v27, v25;
	v32 =	vadd.f32 v34, v31;
	v25 =	vld.idx.msk [tilespmem:v37+s30+$0x0], $0xffff  }
0x33d: {  	v31 =	vor.u32 s1, v5;
	v27 =	vadd.f32 v35, v33;
	v17 =	vld.idx.msk [tilespmem:v38+s30+$0x0], $0xffff  }
0x33e: {  	_ =	sdelay $0x3  }
0x33f: {  	v31 =	vld.idx.msk [tilespmem:v31+s30+$0x0], $0xffff  }
0x340: {  	v20 =	vadd.f32 v20, v28;
	v50 =	vor.u32 s1, v8  }
0x341: {  	v30 =	vld.idx.msk [tilespmem:v30+s30+$0x0], $0xffff  }
0x342: {  	v51 =	vor.u32 s1, v9;
	v19 =	vadd.f32 v19, v20  }
0x343: {  	v29 =	vld.idx.msk [tilespmem:v29+s30+$0x0], $0xffff  }
0x344: {  	v52 =	vor.u32 s1, v10;
	v19 =	vadd.f32 v31, v19  }
0x345: {  	v28 =	vld.idx.msk [tilespmem:v50+s30+$0x0], $0xffff  }
0x346: {  	v19 =	vadd.f32 v30, v19  }
0x347: {  	v20 =	vld.idx.msk [tilespmem:v51+s30+$0x0], $0xffff  }
0x348: {  	v53 =	vor.u32 s1, v12;
	v19 =	vadd.f32 v29, v19  }
0x349: {  	v24 =	vadd.f32 v24, v32;
	v54 =	vld.idx.msk [tilespmem:v52+s30+$0x0], $0xffff  }
0x34a: {  	v55 =	vor.u32 s1, v13;
	v19 =	vadd.f32 v28, v19  }
0x34b: {  	v23 =	vadd.f32 v23, v24  }
0x34c: {  	v56 =	vld.idx.msk [tilespmem:v26+s30+$0x0], $0xffff;
	v57 =	vor.u32 s1, v14;
	v19 =	vadd.f32 v20, v19  }
0x34d: {  	v58 =	vadd.f32 v25, v23;
	v59 =	vld.idx.msk [tilespmem:v53+s30+$0x0], $0xffff  }
0x34e: {  	v22 =	vld.idx.msk [tilespmem:v22+s30+$0x0], $0xffff;
	v60 =	vor.u32 s1, v15;
	v19 =	vadd.f32 v54, v19  }
0x34f: {  	v61 =	vld.idx.msk [tilespmem:v55+s30+$0x0], $0xffff;
	v16 =	vadd.f32 v16, v58  }
0x350: {  	v18 =	vadd.f32 v18, v19  }
0x351: {  	v62 =	vld.idx.msk [tilespmem:v57+s30+$0x0], $0xffff;
	v16 =	vadd.f32 v56, v16  }
0x352: {  	v18 =	vadd.f32 v59, v18  }
0x353: {  	v63 =	vld.idx.msk [tilespmem:v60+s30+$0x0], $0xffff;
	v16 =	vadd.f32 v22, v16  }
0x354: {  	v18 =	vadd.f32 v61, v18  }
0x355: {  	v16 =	vadd.f32 v17, v16  }
.Ltmp11:
0x356: {  	v17 =	vadd.f32 v62, v18;
	(pc) =	sbr.rel @p0 .LBB2_22-.Ltmp11, $4  }
0x357: {  	v16 =	vadd.f32 v21, v16  }
0x358: {  	s21 =	sadd.s32 $0x10, s4;
	[tilespmem:s5+$0x0] =	vst v27;
	v17 =	vadd.f32 v63, v17  }
0x359: {  	s4 =	sadd.s32 $0x10, s21;
	[tilespmem:s21+$0x0] =	vst v16  }
0x35a: {  	[tilespmem:s4+$0x0] =	vst v17  }
0x35b: {  	s1 =	smul.u32 $0xA0, s23  }
.Ltmp12:
0x35c: {  	_ = 	snop;
	(pc) =	sbr.rel .LBB2_12-.Ltmp12, $4  }
0x35d: {  	s23 =	sadd.s32 $0x1, s23;
	s4 =	sadd.s32 $0xF0, s1  }
0x35e: {  	[tilespmem:s25], [sflag:$0x2] =	stream.indirect.gather [spmem:s2], $0x40, s4, s22, $0xb8;
	[tilespmem:$0x1C520] =	vst v63  }
0x35f: {  	s24 =	sadd.s32 $0xA0, s24;
	s26 =	sadd.s32 $0xA0, s26;
	s1 =	sadd.s32 $0x2850, s1  }
0x360: {  	[tilespmem:s28], [sflag:$0x2] =	stream.indirect.gather [spmem:s2], $0x40, s1, s22, $0xb8;
	[tilespmem:$0x1C520] =	vst v63  }
.LBB2_23:
0x361: {  	_ =	sfence.sel $0x180000  }
0x362: {  	[bflag:$0x0] =	sbarrier.arrive $0xFFFF  }
0x363: {  	_ =	strace $0x90000047  }
0x364: {  	s0 =	stileid.u32;
	[bflag:$0x2] =	sbarrier.arrive $0xFFFF  }
0x365: {  	p0 =	sne.s32 s0, $0x0;
	s0 =	rddreg [dreg:$0x3]  }
0x366: {  	s0 =	sadd.s32 @!p0 $0x100000, s0  }
0x367: {  	[sflag:s0] =	ssyncadd.tile.s32 @!p0 $0x1;
	_ =	shalt  }
.Lfunc_end2:
_tile_overlayer_lowered:
.L_overlay_start_2:
0x368: {  	(tag) =	ssettag $0x2  }
0x369: {  	s0 =	rddreg [dreg:$0x0];
	s2 =	stileid.u32  }
0x36a: {  	s1 =	rddreg [dreg:$0x1];
	p0 =	sne.s32 s2, $0x0  }
0x36b: {  	s3 =	rddreg [dreg:$0x2];
	[bflag:$0x3] =	sbarrier.arrive $0xFFFF;
	s2 =	simm.s32 @!p0 $0x1C03  }
0x36c: {  	[timem:s3], [sflag:s2] =	dma.local @!p0 [hbm:s0], s1  }
0x36d: {  	s0 =	simm.s32 @!p0 $0x3  }
0x36e: {  	_ =	swait.ge @!p0 [sflag:s0], s1  }
0x36f: {  	s1 =	ssub.s32 @!p0 $0x0, s1;
	[sflag:s0] =	ssyncset.done @!p0 $0x0  }
0x370: {  	[sflag:s0] =	ssyncadd.s32 @!p0 s1  }
0x371: {  	[bflag:$0x3] =	sbarrier.arrive $0xFFFF  }
0x372: {  	_ =	shalt  }

</sc_bundles>
